<compile_context>
chip_gen: v7x
topology: tpu7x:2x2x1
jax: 0.10.2.dev20260603
libtpu: 0.0.44.dev20260713+nightly
codegen_flags: <defaults>
</compile_context>

<pallas_src>
import functools
import math

import jax
import jax.numpy as jnp
from jax import lax
from jax.experimental import pallas as pl
from jax.experimental.pallas import tpu as pltpu
from jax.experimental.pallas import tpu_sc as plsc

L = 16
NTILES = 16

_LN2 = 0.6931471805599453
_SQRT2 = 1.4142135623730951
_EPS = 1e-6
_SIGMA = 0.9
_C1 = -math.log(1.0 - _SIGMA)


def _vlog(x):
    bits = plsc.bitcast(x, jnp.int32)
    e = lax.shift_right_logical(bits, 23) - 127
    m = plsc.bitcast(
        (bits & jnp.int32(0x007FFFFF)) | jnp.int32(0x3F800000), jnp.float32)
    big = m > _SQRT2
    m = jnp.where(big, 0.5 * m, m)
    ef = (e + jnp.where(big, 1, 0)).astype(jnp.float32)
    s = (m - 1.0) / (m + 1.0)
    z = s * s
    p = 1.0 + z * (1.0 / 3.0 + z * (0.2 + z * (1.0 / 7.0 + z * (1.0 / 9.0))))
    return 2.0 * s * p + ef * _LN2


def _smooth_l1(d):
    ad = jnp.abs(d)
    return jnp.where(ad < 1.0, 0.5 * ad * ad, ad - 0.5)


def _sc_rep_loss(cols_flat, predT2, indsF, targT2, B, P, G, N, NPAD):
    CHUNK = NPAD // NTILES
    tiles_per_img = NTILES // B
    preds_per_tile = P // tiles_per_img
    gts_per_tile = G // tiles_per_img

    mesh = plsc.VectorSubcoreMesh(
        core_axis_name="c", subcore_axis_name="s", num_cores=1)

    @functools.partial(
        pl.kernel,
        out_type=jax.ShapeDtypeStruct((L,), jnp.float32),
        mesh=mesh,
        compiler_params=pltpu.CompilerParams(
            needs_layout_passes=False, use_tc_tiling_on_sc=False),
        scratch_types=[
            pltpu.VMEM((8, CHUNK), jnp.float32),
            pltpu.VMEM((4, P), jnp.float32),
            pltpu.VMEM((P,), jnp.int32),
            pltpu.VMEM((4, G), jnp.float32),
            pltpu.VMEM((G,), jnp.float32),
            pltpu.VMEM((5 * G,), jnp.float32),
            pltpu.VMEM((L,), jnp.float32),
            pltpu.VMEM_SHARED((NTILES, L), jnp.float32),
            pltpu.VMEM((NTILES, L), jnp.float32),
            pltpu.VMEM((L,), jnp.float32),
            pltpu.SemaphoreType.DMA,
            pltpu.SemaphoreType.DMA,
        ],
    )
    def run(cols_hbm, pred_hbm, inds_hbm, targ_hbm, out_hbm,
            colsv, predv, indsv, targv, gareav, histv, partv, sharedp, allpv,
            outv, sem, sem2):
        wid = lax.axis_index("s")
        img = wid // tiles_per_img
        q = wid % tiles_per_img

        cols_cps = []
        for c in range(8):
            cols_cps.append(pltpu.async_copy(
                cols_hbm.at[pl.ds(c * NPAD + wid * CHUNK, CHUNK)],
                colsv.at[c], sem))
        small_cps = [
            pltpu.async_copy(pred_hbm.at[pl.ds(img * 4, 4)], predv, sem2),
            pltpu.async_copy(inds_hbm.at[pl.ds(img * P, P)], indsv, sem2),
            pltpu.async_copy(targ_hbm.at[pl.ds(img * 4, 4)], targv, sem2),
        ]
        for cp in small_cps:
            cp.wait()

        zeros = jnp.zeros((L,), jnp.float32)
        ones = jnp.ones((L,), jnp.float32)
        iota = lax.broadcasted_iota(jnp.int32, (L,), 0)

        for gc in range(G // L):
            gareav[pl.ds(gc * L, L)] = (
                (targv[2, pl.ds(gc * L, L)] - targv[0, pl.ds(gc * L, L)])
                * (targv[3, pl.ds(gc * L, L)] - targv[1, pl.ds(gc * L, L)]))
        row = [jnp.full((L,), c, jnp.int32) for c in range(4)]

        NCH = 4
        rep_sv = zeros
        rep_nv = zeros
        for half in range(preds_per_tile // (NCH * L)):
            pdata = []
            for kc in range(NCH):
                base = q * preds_per_tile + (half * NCH + kc) * L
                pdata.append((predv[0, pl.ds(base, L)],
                              predv[1, pl.ds(base, L)],
                              predv[2, pl.ds(base, L)],
                              predv[3, pl.ds(base, L)],
                              indsv[pl.ds(base, L)]))

            def gstep(g, carry):
                bests, garbs = carry
                gidx = jnp.full((L,), g, jnp.int32)
                tx1 = plsc.load_gather(targv, [row[0], gidx])
                ty1 = plsc.load_gather(targv, [row[1], gidx])
                tx2 = plsc.load_gather(targv, [row[2], gidx])
                ty2 = plsc.load_gather(targv, [row[3], gidx])
                ga = plsc.load_gather(gareav, [gidx])
                nb, ng = [], []
                for kc in range(NCH):
                    px1, py1, px2, py2, pind = pdata[kc]
                    iw = jnp.maximum(
                        jnp.minimum(px2, tx2) - jnp.maximum(px1, tx1), 0.0)
                    ih = jnp.maximum(
                        jnp.minimum(py2, ty2) - jnp.maximum(py1, ty1), 0.0)
                    ov = jnp.where(pind == gidx, 0.0, iw * ih)
                    upd = ov > bests[kc]
                    nb.append(jnp.where(upd, ov, bests[kc]))
                    ng.append(jnp.where(upd, ga, garbs[kc]))
                return tuple(nb), tuple(ng)

            bests, garbs = lax.fori_loop(
                0, G, gstep, ((zeros,) * NCH, (ones,) * NCH))
            for kc in range(NCH):
                best = bests[kc]
                valid = best > 0.0
                iog = best / garbs[kc]
                one_m = jnp.maximum(1.0 - iog, _EPS)
                sml = jnp.where(iog > _SIGMA,
                                (iog - _SIGMA) * (1.0 / (1.0 - _SIGMA)) + _C1,
                                -_vlog(one_m))
                rep_sv = rep_sv + jnp.where(valid, sml, 0.0)
                rep_nv = rep_nv + jnp.where(valid, 1.0, 0.0)
        rep_s = jnp.sum(rep_sv)
        rep_n = jnp.sum(rep_nv)

        for r in range(5):
            for c4 in range(G // L):
                histv[pl.ds(r * G + c4 * L, L)] = zeros

        def pstep(kc, _):
            o = kc * L
            indv = indsv[pl.ds(o, L)]
            plsc.addupdate_scatter(histv, [indv], ones)
            plsc.addupdate_scatter(histv, [indv + G], predv[0, pl.ds(o, L)])
            plsc.addupdate_scatter(histv, [indv + 2 * G],
                                   predv[1, pl.ds(o, L)])
            plsc.addupdate_scatter(histv, [indv + 3 * G],
                                   predv[2, pl.ds(o, L)])
            plsc.addupdate_scatter(histv, [indv + 4 * G],
                                   predv[3, pl.ds(o, L)])
            return 0

        lax.fori_loop(0, P // L, pstep, 0)
        goff0 = q * gts_per_tile
        cnt = histv[pl.ds(goff0, L)]
        s1 = histv[pl.ds(G + goff0, L)]
        s2 = histv[pl.ds(2 * G + goff0, L)]
        s3 = histv[pl.ds(3 * G + goff0, L)]
        s4 = histv[pl.ds(4 * G + goff0, L)]
        cmax = jnp.maximum(cnt, 1.0)
        sl = (_smooth_l1(targv[0, pl.ds(goff0, L)] - s1 / cmax)
              + _smooth_l1(targv[1, pl.ds(goff0, L)] - s2 / cmax)
              + _smooth_l1(targv[2, pl.ds(goff0, L)] - s3 / cmax)
              + _smooth_l1(targv[3, pl.ds(goff0, L)] - s4 / cmax)) * 0.25
        gm = cnt > 1.0
        com_s = jnp.sum(jnp.where(gm, sl, 0.0))
        com_n = jnp.sum(jnp.where(gm, 1.0, 0.0))

        for cp in cols_cps:
            cp.wait()

        def iou_step(k, acc):
            o = k * L
            px1 = colsv[0, pl.ds(o, L)]
            py1 = colsv[1, pl.ds(o, L)]
            px2 = colsv[2, pl.ds(o, L)]
            py2 = colsv[3, pl.ds(o, L)]
            tx1 = colsv[4, pl.ds(o, L)]
            ty1 = colsv[5, pl.ds(o, L)]
            tx2 = colsv[6, pl.ds(o, L)]
            ty2 = colsv[7, pl.ds(o, L)]
            w = jnp.maximum(jnp.minimum(px2, tx2) - jnp.maximum(px1, tx1), 0.0)
            h = jnp.maximum(jnp.minimum(py2, ty2) - jnp.maximum(py1, ty1), 0.0)
            ov = w * h
            ap = (px2 - px1) * (py2 - py1)
            ag = (tx2 - tx1) * (ty2 - ty1)
            union = jnp.maximum(ap + ag - ov, _EPS)
            iou = jnp.maximum(ov / union, _EPS)
            return acc - _vlog(iou)

        iou_acc = lax.fori_loop(0, CHUNK // L, iou_step, zeros, unroll=2)
        iou_s = jnp.sum(iou_acc)

        iv = iota
        pvec = (jnp.where(iv == 0, iou_s, 0.0)
                + jnp.where(iv == 1, rep_s, 0.0)
                + jnp.where(iv == 2, rep_n, 0.0)
                + jnp.where(iv == 3, com_s, 0.0)
                + jnp.where(iv == 4, com_n, 0.0))
        partv[...] = pvec
        pltpu.sync_copy(partv, sharedp.at[wid])
        plsc.subcore_barrier()

        @pl.when(wid == 0)
        def _finalize():
            pltpu.sync_copy(sharedp, allpv)
            acc = zeros
            for i in range(NTILES):
                acc = acc + allpv[i]
            t_iou = jnp.broadcast_to(acc[0], (L,))
            t_rep_s = jnp.broadcast_to(acc[1], (L,))
            t_rep_n = jnp.broadcast_to(acc[2], (L,))
            t_com_s = jnp.broadcast_to(acc[3], (L,))
            t_com_n = jnp.broadcast_to(acc[4], (L,))
            rep = jnp.where(t_rep_n > 0.0,
                            10.0 * t_rep_s / jnp.maximum(t_rep_n, 1.0), 0.0)
            com = jnp.where(t_com_n > 0.0,
                            10.0 * t_com_s / jnp.maximum(t_com_n, 1.0), 0.0)
            total = t_iou * (1.0 / N) + rep + com
            outv[...] = jnp.where(iv == 0, total, 0.0)
            pltpu.sync_copy(outv, out_hbm)

    return run(cols_flat, predT2, indsF, targT2)


def kernel(pred, pos_assigned_gt_inds, target, pred2, target2):
    B, P, _ = pred.shape
    G = target.shape[1]
    N = pred2.shape[0]
    NPAD = -(-N // (NTILES * L)) * (NTILES * L)

    cols = jnp.concatenate([pred2.T, target2.T], axis=0)
    if NPAD > N:
        padcol = jnp.array([0, 0, 1, 1, 0, 0, 1, 1], jnp.float32)[:, None]
        cols = jnp.concatenate(
            [cols, jnp.broadcast_to(padcol, (8, NPAD - N))], axis=1)
    cols_flat = cols.reshape(8 * NPAD)

    predT2 = pred.transpose(0, 2, 1).reshape(B * 4, P)
    targT2 = target.transpose(0, 2, 1).reshape(B * 4, G)
    indsF = pos_assigned_gt_inds.astype(jnp.int32).reshape(B * P)

    out = _sc_rep_loss(cols_flat, predT2, indsF, targT2, B, P, G, N, NPAD)
    return out[0]

# --- scband reference (transcript-rebuilt; emitter-appended) ---
"""Pipeline reference for scband-rep-loss-74732430950764 (READ-ONLY COPY).

The authoritative reference and input builder live on the scoring server;
editing this copy changes nothing except your own understanding.
"""

import math
import jax, jax.numpy as jnp
import numpy as np


def _make_boxes(key, shape2d):
    k1, k2 = jax.random.split(key)
    xy = jax.random.uniform(k1, tuple(shape2d) + (2,), minval=0.0, maxval=500.0)
    wh = jax.random.uniform(k2, tuple(shape2d) + (2,), minval=1.0, maxval=100.0)
    return jnp.concatenate([xy, xy + wh], axis=-1)


def setup_inputs(seed: int = 0):
    key = jax.random.key(seed)
    ks = jax.random.split(key, 8)
    B, P, G, N = 4, 512, 64, 20000
    pred = _make_boxes(ks[0], (B, P))
    target = _make_boxes(ks[1], (B, G))
    pos_assigned_gt_inds = jax.random.randint(ks[2], (B, P), 0, G)
    pred2 = _make_boxes(ks[3], (N,))
    cxy = pred2[:, :2] + jax.random.normal(ks[4], (N, 2)) * 5.0
    wh2 = (pred2[:, 2:] - pred2[:, :2]) * jax.random.uniform(ks[5], (N, 2), minval=0.8, maxval=1.2)
    target2 = jnp.concatenate([cxy, cxy + wh2], axis=-1)
    return {"pred": pred, "pos_assigned_gt_inds": pos_assigned_gt_inds, "target": target, "pred2": pred2, "target2": target2}


def _smooth_l1(d):
    ad = jnp.abs(d)
    return jnp.where(ad < 1.0, 0.5 * ad * ad, ad - 0.5)


def _rep_loss(pred, pos_assigned_gt_inds, target, pred2, target2):
    eps = 1e-06
    # iou_loss (aligned, mode='log', mean reduction, loss_weight=1.0)
    lt = jnp.maximum(pred2[:, :2], target2[:, :2])
    rb = jnp.minimum(pred2[:, 2:], target2[:, 2:])
    wh = jnp.clip(rb - lt, 0.0)
    overlap = wh[:, 0] * wh[:, 1]
    ap = (pred2[:, 2] - pred2[:, 0]) * (pred2[:, 3] - pred2[:, 1])
    ag = (target2[:, 2] - target2[:, 0]) * (target2[:, 3] - target2[:, 1])
    union = jnp.maximum(ap + ag - overlap, eps)
    ious = jnp.clip(overlap / union, eps)
    loss = jnp.mean(-jnp.log(ious))

    B, P, _ = pred.shape
    G = target.shape[1]
    sigma = 0.9
    rep_sum = jnp.float32(0.0)
    rep_n = jnp.float32(0.0)
    com_sum = jnp.float32(0.0)
    com_n = jnp.float32(0.0)
    for i in range(B):
        pa = pred[i]
        ta = target[i]
        inds = pos_assigned_gt_inds[i]
        # repgt: pairwise plain-area overlaps [P, G], excluding assigned gt
        lt2 = jnp.maximum(pa[:, None, :2], ta[None, :, :2])
        rb2 = jnp.minimum(pa[:, None, 2:], ta[None, :, 2:])
        wh2 = jnp.clip(rb2 - lt2, 0.0)
        ov = wh2[..., 0] * wh2[..., 1]
        same = jnp.arange(G)[None, :] == inds[:, None]
        ov = jnp.where(same, 0.0, ov)
        mmax = jnp.max(ov, axis=1)
        arg = jnp.argmax(ov, axis=1)
        valid = mmax > 0
        tg = ta[arg]
        iw = jnp.clip(jnp.minimum(pa[:, 2], tg[:, 2]) - jnp.maximum(pa[:, 0], tg[:, 0]), 0.0)
        ih = jnp.clip(jnp.minimum(pa[:, 3], tg[:, 3]) - jnp.maximum(pa[:, 1], tg[:, 1]), 0.0)
        inter = iw * ih
        gar = (tg[:, 2] - tg[:, 0]) * (tg[:, 3] - tg[:, 1])
        iog = inter / gar
    # smooth-ln
        sml = jnp.where(iog > sigma,
                        (iog - sigma) / (1.0 - sigma) - math.log(1.0 - sigma),
                        -jnp.log(jnp.maximum(1.0 - iog, 1e-06)))
        rep_sum = rep_sum + jnp.sum(jnp.where(valid, sml, 0.0))
        rep_n = rep_n + jnp.sum(valid.astype(jnp.float32))
        # comgt: gts assigned to >1 preds; mean of those preds (detached) vs gt box
        counts = jnp.bincount(inds, length=G)
        sum_pred = jax.ops.segment_sum(pa, inds, num_segments=G)
        mean = jax.lax.stop_gradient(sum_pred / jnp.maximum(counts, 1).astype(pa.dtype)[:, None])
        gmask = counts > 1
        sl = jnp.mean(_smooth_l1(ta - mean), axis=1)
        com_sum = com_sum + jnp.sum(jnp.where(gmask, sl, 0.0))
        com_n = com_n + jnp.sum(gmask.astype(jnp.float32))
    rep = jnp.where(rep_n > 0, 10.0 * rep_sum / jnp.maximum(rep_n, 1.0), 0.0)
    com = jnp.where(com_n > 0, 10.0 * com_sum / jnp.maximum(com_n, 1.0), 0.0)
    return loss + rep + com


def reference(pred, pos_assigned_gt_inds, target, pred2, target2):
    return _rep_loss(pred, pos_assigned_gt_inds, target, pred2, target2)

if __name__ == "__main__":
    import jax
    _d = setup_inputs()
    print(jax.jit(kernel)(*tuple(_d.values())))

</pallas_src>

<mosaic_0001>
#map = affine_map<(d0, d1) -> (0)>
#map1 = affine_map<(d0, d1) -> (0, 0)>
module attributes {stable_mosaic.version = 14 : i64} {
  func.func @run(%arg0: i32, %arg1: i32, %arg2: memref<161792xf32, #tpu.memory_space<hbm>>, %arg3: memref<16x512xf32, #tpu.memory_space<hbm>>, %arg4: memref<2048xi32, #tpu.memory_space<hbm>>, %arg5: memref<16x64xf32, #tpu.memory_space<hbm>>, %arg6: memref<16xf32, #tpu.memory_space<hbm>>, %arg7: memref<8x1264xf32, #tpu.memory_space<vmem>>, %arg8: memref<4x512xf32, #tpu.memory_space<vmem>>, %arg9: memref<512xi32, #tpu.memory_space<vmem>>, %arg10: memref<4x64xf32, #tpu.memory_space<vmem>>, %arg11: memref<64xf32, #tpu.memory_space<vmem>>, %arg12: memref<320xf32, #tpu.memory_space<vmem>>, %arg13: memref<16xf32, #tpu.memory_space<vmem>>, %arg14: memref<16x16xf32, #tpu.memory_space<vmem_shared>>, %arg15: memref<16x16xf32, #tpu.memory_space<vmem>>, %arg16: memref<16xf32, #tpu.memory_space<vmem>>, %arg17: memref<!tpu.dma_semaphore, #tpu.memory_space<semaphore_mem>>, %arg18: memref<!tpu.dma_semaphore, #tpu.memory_space<semaphore_mem>>) attributes {dimension_semantics = [#tpu.dimension_semantics<core_parallel>, #tpu.dimension_semantics<subcore_parallel>], iteration_bounds = array<i64: 1, 16>, scalar_prefetch = 0 : i64, scratch_operands = 12 : i64, tpu.core_type = #tpu.core_type<sc_vector_subcore>, window_params = [{transform_indices = #map}, {transform_indices = #map1}, {transform_indices = #map}, {transform_indices = #map1}, {transform_indices = #map}]} {
    %jit3A = arith.constant 4 : i32
    %div3A = arith.divsi %arg1, %jit3A : i32
    %sign3A = arith.constant 0 : i32
    %sign3A_0 = arith.cmpi sgt, %arg1, %sign3A : i32
    %sign3A_1 = arith.extui %sign3A_0 : i1 to i32
    %sign3A_2 = arith.constant 0 : i32
    %sign3A_3 = arith.cmpi slt, %arg1, %sign3A_2 : i32
    %sign3A_4 = arith.extui %sign3A_3 : i1 to i32
    %sign3A_5 = arith.subi %sign3A_1, %sign3A_4 : i32
    %sign3A_6 = arith.constant 0 : i32
    %sign3A_7 = arith.cmpi sgt, %jit3A, %sign3A_6 : i32
    %sign3A_8 = arith.extui %sign3A_7 : i1 to i32
    %sign3A_9 = arith.constant 0 : i32
    %sign3A_10 = arith.cmpi slt, %jit3A, %sign3A_9 : i32
    %sign3A_11 = arith.extui %sign3A_10 : i1 to i32
    %sign3A_12 = arith.subi %sign3A_8, %sign3A_11 : i32
    %ne3A = arith.cmpi ne, %sign3A_5, %sign3A_12 : i32
    %rem3A = arith.remsi %arg1, %jit3A : i32
    %ne3A_13 = arith.constant 0 : i32
    %ne3A_14 = arith.cmpi ne, %rem3A, %ne3A_13 : i32
    %and3A = arith.andi %ne3A, %ne3A_14 : i1
    %sub3A = arith.constant 1 : i32
    %sub3A_15 = arith.subi %div3A, %sub3A : i32
    %select_n3A = arith.select %and3A, %sub3A_15, %div3A : i32
    %jit3A_16 = arith.constant 4 : i32
    %eq3A = arith.constant 0 : i32
    %eq3A_17 = arith.cmpi eq, %jit3A_16, %eq3A : i32
    %jit3A_18 = arith.constant 1 : i32
    %select_n3A_19 = arith.select %eq3A_17, %jit3A_18, %jit3A_16 : i32
    %rem3A_20 = arith.remsi %arg1, %select_n3A_19 : i32
    %ne3A_21 = arith.constant 0 : i32
    %ne3A_22 = arith.cmpi ne, %rem3A_20, %ne3A_21 : i32
    %lt3A = arith.constant 0 : i32
    %lt3A_23 = arith.cmpi slt, %rem3A_20, %lt3A : i32
    %lt3A_24 = arith.constant 0 : i32
    %lt3A_25 = arith.cmpi slt, %select_n3A_19, %lt3A_24 : i32
    %ne3A_26 = arith.xori %lt3A_23, %lt3A_25 : i1
    %and3A_27 = arith.andi %ne3A_26, %ne3A_22 : i1
    %add3A = arith.addi %rem3A_20, %select_n3A_19 : i32
    %select_n3A_28 = arith.select %and3A_27, %add3A, %rem3A_20 : i32
    %mul3A = arith.constant 1264 : i32
    %mul3A_29 = arith.muli %arg1, %mul3A : i32
    %add3A_30 = arith.constant 0 : i32
    %add3A_31 = arith.addi %add3A_30, %mul3A_29 : i32
    %dma_start3A = arith.constant 0 : i32
    %dma_start3A_32 = arith.constant 0 : i32
    %dma_start3A_33 = tpu.memref_slice %arg7[%dma_start3A, %dma_start3A_32] : memref<8x1264xf32, #tpu.memory_space<vmem>> -> memref<1x1264xf32, #tpu.memory_space<vmem>>
    %dma_start3A_34 = tpu.memref_squeeze %dma_start3A_33 : memref<1x1264xf32, #tpu.memory_space<vmem>> -> memref<1264xf32, #tpu.memory_space<vmem>>
    %dma_start3A_35 = tpu.memref_slice %arg2[%add3A_31] : memref<161792xf32, #tpu.memory_space<hbm>> -> memref<1264xf32, #tpu.memory_space<hbm>>
    %dma_start3A_36 = arith.constant 0 : i32
    %dma_start3A_37 = tpu.memref_slice %arg7[%dma_start3A, %dma_start3A_36] : memref<8x1264xf32, #tpu.memory_space<vmem>> -> memref<1x1264xf32, #tpu.memory_space<vmem>>
    %dma_start3A_38 = tpu.memref_squeeze %dma_start3A_37 : memref<1x1264xf32, #tpu.memory_space<vmem>> -> memref<1264xf32, #tpu.memory_space<vmem>>
    %dma_start3A_39 = tpu.memref_slice %arg2[%add3A_31] : memref<161792xf32, #tpu.memory_space<hbm>> -> memref<1264xf32, #tpu.memory_space<hbm>>
    tpu.enqueue_dma source(%dma_start3A_39 : memref<1264xf32, #tpu.memory_space<hbm>>) target(%dma_start3A_38 : memref<1264xf32, #tpu.memory_space<vmem>>) target_semaphore(%arg17 : memref<!tpu.dma_semaphore, #tpu.memory_space<semaphore_mem>>)
    %mul3A_40 = arith.constant 1264 : i32
    %mul3A_41 = arith.muli %arg1, %mul3A_40 : i32
    %add3A_42 = arith.constant 20224 : i32
    %add3A_43 = arith.addi %add3A_42, %mul3A_41 : i32
    %dma_start3A_44 = arith.constant 1 : i32
    %dma_start3A_45 = arith.constant 0 : i32
    %dma_start3A_46 = tpu.memref_slice %arg7[%dma_start3A_44, %dma_start3A_45] : memref<8x1264xf32, #tpu.memory_space<vmem>> -> memref<1x1264xf32, #tpu.memory_space<vmem>>
    %dma_start3A_47 = tpu.memref_squeeze %dma_start3A_46 : memref<1x1264xf32, #tpu.memory_space<vmem>> -> memref<1264xf32, #tpu.memory_space<vmem>>
    %dma_start3A_48 = tpu.memref_slice %arg2[%add3A_43] : memref<161792xf32, #tpu.memory_space<hbm>> -> memref<1264xf32, #tpu.memory_space<hbm>>
    %dma_start3A_49 = arith.constant 0 : i32
    %dma_start3A_50 = tpu.memref_slice %arg7[%dma_start3A_44, %dma_start3A_49] : memref<8x1264xf32, #tpu.memory_space<vmem>> -> memref<1x1264xf32, #tpu.memory_space<vmem>>
    %dma_start3A_51 = tpu.memref_squeeze %dma_start3A_50 : memref<1x1264xf32, #tpu.memory_space<vmem>> -> memref<1264xf32, #tpu.memory_space<vmem>>
    %dma_start3A_52 = tpu.memref_slice %arg2[%add3A_43] : memref<161792xf32, #tpu.memory_space<hbm>> -> memref<1264xf32, #tpu.memory_space<hbm>>
    tpu.enqueue_dma source(%dma_start3A_52 : memref<1264xf32, #tpu.memory_space<hbm>>) target(%dma_start3A_51 : memref<1264xf32, #tpu.memory_space<vmem>>) target_semaphore(%arg17 : memref<!tpu.dma_semaphore, #tpu.memory_space<semaphore_mem>>)
    %mul3A_53 = arith.constant 1264 : i32
    %mul3A_54 = arith.muli %arg1, %mul3A_53 : i32
    %add3A_55 = arith.constant 40448 : i32
    %add3A_56 = arith.addi %add3A_55, %mul3A_54 : i32
    %dma_start3A_57 = arith.constant 2 : i32
    %dma_start3A_58 = arith.constant 0 : i32
    %dma_start3A_59 = tpu.memref_slice %arg7[%dma_start3A_57, %dma_start3A_58] : memref<8x1264xf32, #tpu.memory_space<vmem>> -> memref<1x1264xf32, #tpu.memory_space<vmem>>
    %dma_start3A_60 = tpu.memref_squeeze %dma_start3A_59 : memref<1x1264xf32, #tpu.memory_space<vmem>> -> memref<1264xf32, #tpu.memory_space<vmem>>
    %dma_start3A_61 = tpu.memref_slice %arg2[%add3A_56] : memref<161792xf32, #tpu.memory_space<hbm>> -> memref<1264xf32, #tpu.memory_space<hbm>>
    %dma_start3A_62 = arith.constant 0 : i32
    %dma_start3A_63 = tpu.memref_slice %arg7[%dma_start3A_57, %dma_start3A_62] : memref<8x1264xf32, #tpu.memory_space<vmem>> -> memref<1x1264xf32, #tpu.memory_space<vmem>>
    %dma_start3A_64 = tpu.memref_squeeze %dma_start3A_63 : memref<1x1264xf32, #tpu.memory_space<vmem>> -> memref<1264xf32, #tpu.memory_space<vmem>>
    %dma_start3A_65 = tpu.memref_slice %arg2[%add3A_56] : memref<161792xf32, #tpu.memory_space<hbm>> -> memref<1264xf32, #tpu.memory_space<hbm>>
    tpu.enqueue_dma source(%dma_start3A_65 : memref<1264xf32, #tpu.memory_space<hbm>>) target(%dma_start3A_64 : memref<1264xf32, #tpu.memory_space<vmem>>) target_semaphore(%arg17 : memref<!tpu.dma_semaphore, #tpu.memory_space<semaphore_mem>>)
    %mul3A_66 = arith.constant 1264 : i32
    %mul3A_67 = arith.muli %arg1, %mul3A_66 : i32
    %add3A_68 = arith.constant 60672 : i32
    %add3A_69 = arith.addi %add3A_68, %mul3A_67 : i32
    %dma_start3A_70 = arith.constant 3 : i32
    %dma_start3A_71 = arith.constant 0 : i32
    %dma_start3A_72 = tpu.memref_slice %arg7[%dma_start3A_70, %dma_start3A_71] : memref<8x1264xf32, #tpu.memory_space<vmem>> -> memref<1x1264xf32, #tpu.memory_space<vmem>>
    %dma_start3A_73 = tpu.memref_squeeze %dma_start3A_72 : memref<1x1264xf32, #tpu.memory_space<vmem>> -> memref<1264xf32, #tpu.memory_space<vmem>>
    %dma_start3A_74 = tpu.memref_slice %arg2[%add3A_69] : memref<161792xf32, #tpu.memory_space<hbm>> -> memref<1264xf32, #tpu.memory_space<hbm>>
    %dma_start3A_75 = arith.constant 0 : i32
    %dma_start3A_76 = tpu.memref_slice %arg7[%dma_start3A_70, %dma_start3A_75] : memref<8x1264xf32, #tpu.memory_space<vmem>> -> memref<1x1264xf32, #tpu.memory_space<vmem>>
    %dma_start3A_77 = tpu.memref_squeeze %dma_start3A_76 : memref<1x1264xf32, #tpu.memory_space<vmem>> -> memref<1264xf32, #tpu.memory_space<vmem>>
    %dma_start3A_78 = tpu.memref_slice %arg2[%add3A_69] : memref<161792xf32, #tpu.memory_space<hbm>> -> memref<1264xf32, #tpu.memory_space<hbm>>
    tpu.enqueue_dma source(%dma_start3A_78 : memref<1264xf32, #tpu.memory_space<hbm>>) target(%dma_start3A_77 : memref<1264xf32, #tpu.memory_space<vmem>>) target_semaphore(%arg17 : memref<!tpu.dma_semaphore, #tpu.memory_space<semaphore_mem>>)
    %mul3A_79 = arith.constant 1264 : i32
    %mul3A_80 = arith.muli %arg1, %mul3A_79 : i32
    %add3A_81 = arith.constant 80896 : i32
    %add3A_82 = arith.addi %add3A_81, %mul3A_80 : i32
    %dma_start3A_83 = arith.constant 4 : i32
    %dma_start3A_84 = arith.constant 0 : i32
    %dma_start3A_85 = tpu.memref_slice %arg7[%dma_start3A_83, %dma_start3A_84] : memref<8x1264xf32, #tpu.memory_space<vmem>> -> memref<1x1264xf32, #tpu.memory_space<vmem>>
    %dma_start3A_86 = tpu.memref_squeeze %dma_start3A_85 : memref<1x1264xf32, #tpu.memory_space<vmem>> -> memref<1264xf32, #tpu.memory_space<vmem>>
    %dma_start3A_87 = tpu.memref_slice %arg2[%add3A_82] : memref<161792xf32, #tpu.memory_space<hbm>> -> memref<1264xf32, #tpu.memory_space<hbm>>
    %dma_start3A_88 = arith.constant 0 : i32
    %dma_start3A_89 = tpu.memref_slice %arg7[%dma_start3A_83, %dma_start3A_88] : memref<8x1264xf32, #tpu.memory_space<vmem>> -> memref<1x1264xf32, #tpu.memory_space<vmem>>
    %dma_start3A_90 = tpu.memref_squeeze %dma_start3A_89 : memref<1x1264xf32, #tpu.memory_space<vmem>> -> memref<1264xf32, #tpu.memory_space<vmem>>
    %dma_start3A_91 = tpu.memref_slice %arg2[%add3A_82] : memref<161792xf32, #tpu.memory_space<hbm>> -> memref<1264xf32, #tpu.memory_space<hbm>>
    tpu.enqueue_dma source(%dma_start3A_91 : memref<1264xf32, #tpu.memory_space<hbm>>) target(%dma_start3A_90 : memref<1264xf32, #tpu.memory_space<vmem>>) target_semaphore(%arg17 : memref<!tpu.dma_semaphore, #tpu.memory_space<semaphore_mem>>)
    %mul3A_92 = arith.constant 1264 : i32
    %mul3A_93 = arith.muli %arg1, %mul3A_92 : i32
    %add3A_94 = arith.constant 101120 : i32
    %add3A_95 = arith.addi %add3A_94, %mul3A_93 : i32
    %dma_start3A_96 = arith.constant 5 : i32
    %dma_start3A_97 = arith.constant 0 : i32
    %dma_start3A_98 = tpu.memref_slice %arg7[%dma_start3A_96, %dma_start3A_97] : memref<8x1264xf32, #tpu.memory_space<vmem>> -> memref<1x1264xf32, #tpu.memory_space<vmem>>
    %dma_start3A_99 = tpu.memref_squeeze %dma_start3A_98 : memref<1x1264xf32, #tpu.memory_space<vmem>> -> memref<1264xf32, #tpu.memory_space<vmem>>
    %dma_start3A_100 = tpu.memref_slice %arg2[%add3A_95] : memref<161792xf32, #tpu.memory_space<hbm>> -> memref<1264xf32, #tpu.memory_space<hbm>>
    %dma_start3A_101 = arith.constant 0 : i32
    %dma_start3A_102 = tpu.memref_slice %arg7[%dma_start3A_96, %dma_start3A_101] : memref<8x1264xf32, #tpu.memory_space<vmem>> -> memref<1x1264xf32, #tpu.memory_space<vmem>>
    %dma_start3A_103 = tpu.memref_squeeze %dma_start3A_102 : memref<1x1264xf32, #tpu.memory_space<vmem>> -> memref<1264xf32, #tpu.memory_space<vmem>>
    %dma_start3A_104 = tpu.memref_slice %arg2[%add3A_95] : memref<161792xf32, #tpu.memory_space<hbm>> -> memref<1264xf32, #tpu.memory_space<hbm>>
    tpu.enqueue_dma source(%dma_start3A_104 : memref<1264xf32, #tpu.memory_space<hbm>>) target(%dma_start3A_103 : memref<1264xf32, #tpu.memory_space<vmem>>) target_semaphore(%arg17 : memref<!tpu.dma_semaphore, #tpu.memory_space<semaphore_mem>>)
    %mul3A_105 = arith.constant 1264 : i32
    %mul3A_106 = arith.muli %arg1, %mul3A_105 : i32
    %add3A_107 = arith.constant 121344 : i32
    %add3A_108 = arith.addi %add3A_107, %mul3A_106 : i32
    %dma_start3A_109 = arith.constant 6 : i32
    %dma_start3A_110 = arith.constant 0 : i32
    %dma_start3A_111 = tpu.memref_slice %arg7[%dma_start3A_109, %dma_start3A_110] : memref<8x1264xf32, #tpu.memory_space<vmem>> -> memref<1x1264xf32, #tpu.memory_space<vmem>>
    %dma_start3A_112 = tpu.memref_squeeze %dma_start3A_111 : memref<1x1264xf32, #tpu.memory_space<vmem>> -> memref<1264xf32, #tpu.memory_space<vmem>>
    %dma_start3A_113 = tpu.memref_slice %arg2[%add3A_108] : memref<161792xf32, #tpu.memory_space<hbm>> -> memref<1264xf32, #tpu.memory_space<hbm>>
    %dma_start3A_114 = arith.constant 0 : i32
    %dma_start3A_115 = tpu.memref_slice %arg7[%dma_start3A_109, %dma_start3A_114] : memref<8x1264xf32, #tpu.memory_space<vmem>> -> memref<1x1264xf32, #tpu.memory_space<vmem>>
    %dma_start3A_116 = tpu.memref_squeeze %dma_start3A_115 : memref<1x1264xf32, #tpu.memory_space<vmem>> -> memref<1264xf32, #tpu.memory_space<vmem>>
    %dma_start3A_117 = tpu.memref_slice %arg2[%add3A_108] : memref<161792xf32, #tpu.memory_space<hbm>> -> memref<1264xf32, #tpu.memory_space<hbm>>
    tpu.enqueue_dma source(%dma_start3A_117 : memref<1264xf32, #tpu.memory_space<hbm>>) target(%dma_start3A_116 : memref<1264xf32, #tpu.memory_space<vmem>>) target_semaphore(%arg17 : memref<!tpu.dma_semaphore, #tpu.memory_space<semaphore_mem>>)
    %mul3A_118 = arith.constant 1264 : i32
    %mul3A_119 = arith.muli %arg1, %mul3A_118 : i32
    %add3A_120 = arith.constant 141568 : i32
    %add3A_121 = arith.addi %add3A_120, %mul3A_119 : i32
    %dma_start3A_122 = arith.constant 7 : i32
    %dma_start3A_123 = arith.constant 0 : i32
    %dma_start3A_124 = tpu.memref_slice %arg7[%dma_start3A_122, %dma_start3A_123] : memref<8x1264xf32, #tpu.memory_space<vmem>> -> memref<1x1264xf32, #tpu.memory_space<vmem>>
    %dma_start3A_125 = tpu.memref_squeeze %dma_start3A_124 : memref<1x1264xf32, #tpu.memory_space<vmem>> -> memref<1264xf32, #tpu.memory_space<vmem>>
    %dma_start3A_126 = tpu.memref_slice %arg2[%add3A_121] : memref<161792xf32, #tpu.memory_space<hbm>> -> memref<1264xf32, #tpu.memory_space<hbm>>
    %dma_start3A_127 = arith.constant 0 : i32
    %dma_start3A_128 = tpu.memref_slice %arg7[%dma_start3A_122, %dma_start3A_127] : memref<8x1264xf32, #tpu.memory_space<vmem>> -> memref<1x1264xf32, #tpu.memory_space<vmem>>
    %dma_start3A_129 = tpu.memref_squeeze %dma_start3A_128 : memref<1x1264xf32, #tpu.memory_space<vmem>> -> memref<1264xf32, #tpu.memory_space<vmem>>
    %dma_start3A_130 = tpu.memref_slice %arg2[%add3A_121] : memref<161792xf32, #tpu.memory_space<hbm>> -> memref<1264xf32, #tpu.memory_space<hbm>>
    tpu.enqueue_dma source(%dma_start3A_130 : memref<1264xf32, #tpu.memory_space<hbm>>) target(%dma_start3A_129 : memref<1264xf32, #tpu.memory_space<vmem>>) target_semaphore(%arg17 : memref<!tpu.dma_semaphore, #tpu.memory_space<semaphore_mem>>)
    %mul3A_131 = arith.constant 4 : i32
    %mul3A_132 = arith.muli %select_n3A, %mul3A_131 : i32
    %dma_start3A_133 = arith.constant 0 : i32
    %dma_start3A_134 = tpu.memref_slice %arg3[%mul3A_132, %dma_start3A_133] : memref<16x512xf32, #tpu.memory_space<hbm>> -> memref<4x512xf32, #tpu.memory_space<hbm>>
    %dma_start3A_135 = arith.constant 0 : i32
    %dma_start3A_136 = tpu.memref_slice %arg3[%mul3A_132, %dma_start3A_135] : memref<16x512xf32, #tpu.memory_space<hbm>> -> memref<4x512xf32, #tpu.memory_space<hbm>>
    tpu.enqueue_dma source(%dma_start3A_136 : memref<4x512xf32, #tpu.memory_space<hbm>>) target(%arg8 : memref<4x512xf32, #tpu.memory_space<vmem>>) target_semaphore(%arg18 : memref<!tpu.dma_semaphore, #tpu.memory_space<semaphore_mem>>)
    %mul3A_137 = arith.constant 512 : i32
    %mul3A_138 = arith.muli %select_n3A, %mul3A_137 : i32
    %dma_start3A_139 = tpu.memref_slice %arg4[%mul3A_138] : memref<2048xi32, #tpu.memory_space<hbm>> -> memref<512xi32, #tpu.memory_space<hbm>>
    %dma_start3A_140 = tpu.memref_slice %arg4[%mul3A_138] : memref<2048xi32, #tpu.memory_space<hbm>> -> memref<512xi32, #tpu.memory_space<hbm>>
    tpu.enqueue_dma source(%dma_start3A_140 : memref<512xi32, #tpu.memory_space<hbm>>) target(%arg9 : memref<512xi32, #tpu.memory_space<vmem>>) target_semaphore(%arg18 : memref<!tpu.dma_semaphore, #tpu.memory_space<semaphore_mem>>)
    %mul3A_141 = arith.constant 4 : i32
    %mul3A_142 = arith.muli %select_n3A, %mul3A_141 : i32
    %dma_start3A_143 = arith.constant 0 : i32
    %dma_start3A_144 = tpu.memref_slice %arg5[%mul3A_142, %dma_start3A_143] : memref<16x64xf32, #tpu.memory_space<hbm>> -> memref<4x64xf32, #tpu.memory_space<hbm>>
    %dma_start3A_145 = arith.constant 0 : i32
    %dma_start3A_146 = tpu.memref_slice %arg5[%mul3A_142, %dma_start3A_145] : memref<16x64xf32, #tpu.memory_space<hbm>> -> memref<4x64xf32, #tpu.memory_space<hbm>>
    tpu.enqueue_dma source(%dma_start3A_146 : memref<4x64xf32, #tpu.memory_space<hbm>>) target(%arg10 : memref<4x64xf32, #tpu.memory_space<vmem>>) target_semaphore(%arg18 : memref<!tpu.dma_semaphore, #tpu.memory_space<semaphore_mem>>)
    %dma_wait3A = arith.constant 0 : i32
    %dma_wait3A_147 = tpu.memref_slice %arg3[%mul3A_132, %dma_wait3A] : memref<16x512xf32, #tpu.memory_space<hbm>> -> memref<4x512xf32, #tpu.memory_space<hbm>>
    %dma_wait3A_148 = arith.constant 0 : i32
    %dma_wait3A_149 = tpu.memref_slice %arg3[%mul3A_132, %dma_wait3A_148] : memref<16x512xf32, #tpu.memory_space<hbm>> -> memref<4x512xf32, #tpu.memory_space<hbm>>
    tpu.wait_dma2 semaphore(%arg18 : memref<!tpu.dma_semaphore, #tpu.memory_space<semaphore_mem>>) src(%dma_wait3A_149 : memref<4x512xf32, #tpu.memory_space<hbm>>) dst(%arg8 : memref<4x512xf32, #tpu.memory_space<vmem>>)
    %dma_wait3A_150 = tpu.memref_slice %arg4[%mul3A_138] : memref<2048xi32, #tpu.memory_space<hbm>> -> memref<512xi32, #tpu.memory_space<hbm>>
    %dma_wait3A_151 = tpu.memref_slice %arg4[%mul3A_138] : memref<2048xi32, #tpu.memory_space<hbm>> -> memref<512xi32, #tpu.memory_space<hbm>>
    tpu.wait_dma2 semaphore(%arg18 : memref<!tpu.dma_semaphore, #tpu.memory_space<semaphore_mem>>) src(%dma_wait3A_151 : memref<512xi32, #tpu.memory_space<hbm>>) dst(%arg9 : memref<512xi32, #tpu.memory_space<vmem>>)
    %dma_wait3A_152 = arith.constant 0 : i32
    %dma_wait3A_153 = tpu.memref_slice %arg5[%mul3A_142, %dma_wait3A_152] : memref<16x64xf32, #tpu.memory_space<hbm>> -> memref<4x64xf32, #tpu.memory_space<hbm>>
    %dma_wait3A_154 = arith.constant 0 : i32
    %dma_wait3A_155 = tpu.memref_slice %arg5[%mul3A_142, %dma_wait3A_154] : memref<16x64xf32, #tpu.memory_space<hbm>> -> memref<4x64xf32, #tpu.memory_space<hbm>>
    tpu.wait_dma2 semaphore(%arg18 : memref<!tpu.dma_semaphore, #tpu.memory_space<semaphore_mem>>) src(%dma_wait3A_155 : memref<4x64xf32, #tpu.memory_space<hbm>>) dst(%arg10 : memref<4x64xf32, #tpu.memory_space<vmem>>)
    %broadcast_in_dim3A = arith.constant 0.000000e+00 : f32
    %broadcast_in_dim3A_156 = vector.broadcast %broadcast_in_dim3A : f32 to vector<16xf32>
    %broadcast_in_dim3A_157 = arith.constant 1.000000e+00 : f32
    %broadcast_in_dim3A_158 = vector.broadcast %broadcast_in_dim3A_157 : f32 to vector<16xf32>
    %iota3A = tpu.iota {dimensions = array<i32: 0>} : vector<16xi32>
    %get3A = arith.constant 2 : i32
    %get3A_159 = arith.index_cast %get3A : i32 to index
    %get3A_160 = arith.constant 0 : index
    %get3A_161 = tpu.vector_load %arg10[%get3A_159, %get3A_160] {strides = array<i32>} : memref<4x64xf32, #tpu.memory_space<vmem>>, vector<16xf32>,
    %get3A_162 = arith.constant 0 : i32
    %get3A_163 = arith.index_cast %get3A_162 : i32 to index
    %get3A_164 = arith.constant 0 : index
    %get3A_165 = tpu.vector_load %arg10[%get3A_163, %get3A_164] {strides = array<i32>} : memref<4x64xf32, #tpu.memory_space<vmem>>, vector<16xf32>,
    %sub3A_166 = arith.subf %get3A_161, %get3A_165 : vector<16xf32>
    %get3A_167 = arith.constant 3 : i32
    %get3A_168 = arith.index_cast %get3A_167 : i32 to index
    %get3A_169 = arith.constant 0 : index
    %get3A_170 = tpu.vector_load %arg10[%get3A_168, %get3A_169] {strides = array<i32>} : memref<4x64xf32, #tpu.memory_space<vmem>>, vector<16xf32>,
    %get3A_171 = arith.constant 1 : i32
    %get3A_172 = arith.index_cast %get3A_171 : i32 to index
    %get3A_173 = arith.constant 0 : index
    %get3A_174 = tpu.vector_load %arg10[%get3A_172, %get3A_173] {strides = array<i32>} : memref<4x64xf32, #tpu.memory_space<vmem>>, vector<16xf32>,
    %sub3A_175 = arith.subf %get3A_170, %get3A_174 : vector<16xf32>
    %mul3A_176 = arith.mulf %sub3A_166, %sub3A_175 : vector<16xf32>
    %swap3A = arith.constant 0 : index
    %swap3A_177 = tpu.vector_load %arg11[%swap3A] {strides = array<i32>} : memref<64xf32, #tpu.memory_space<vmem>>, vector<16xf32>,
    tpu.vector_store %arg11[%swap3A], %mul3A_176 {strides = array<i32>} : memref<64xf32, #tpu.memory_space<vmem>>, vector<16xf32>,
    %get3A_178 = arith.constant 2 : i32
    %get3A_179 = arith.index_cast %get3A_178 : i32 to index
    %get3A_180 = arith.constant 16 : index
    %get3A_181 = tpu.vector_load %arg10[%get3A_179, %get3A_180] {strides = array<i32>} : memref<4x64xf32, #tpu.memory_space<vmem>>, vector<16xf32>,
    %get3A_182 = arith.constant 0 : i32
    %get3A_183 = arith.index_cast %get3A_182 : i32 to index
    %get3A_184 = arith.constant 16 : index
    %get3A_185 = tpu.vector_load %arg10[%get3A_183, %get3A_184] {strides = array<i32>} : memref<4x64xf32, #tpu.memory_space<vmem>>, vector<16xf32>,
    %sub3A_186 = arith.subf %get3A_181, %get3A_185 : vector<16xf32>
    %get3A_187 = arith.constant 3 : i32
    %get3A_188 = arith.index_cast %get3A_187 : i32 to index
    %get3A_189 = arith.constant 16 : index
    %get3A_190 = tpu.vector_load %arg10[%get3A_188, %get3A_189] {strides = array<i32>} : memref<4x64xf32, #tpu.memory_space<vmem>>, vector<16xf32>,
    %get3A_191 = arith.constant 1 : i32
    %get3A_192 = arith.index_cast %get3A_191 : i32 to index
    %get3A_193 = arith.constant 16 : index
    %get3A_194 = tpu.vector_load %arg10[%get3A_192, %get3A_193] {strides = array<i32>} : memref<4x64xf32, #tpu.memory_space<vmem>>, vector<16xf32>,
    %sub3A_195 = arith.subf %get3A_190, %get3A_194 : vector<16xf32>
    %mul3A_196 = arith.mulf %sub3A_186, %sub3A_195 : vector<16xf32>
    %swap3A_197 = arith.constant 16 : index
    %swap3A_198 = tpu.vector_load %arg11[%swap3A_197] {strides = array<i32>} : memref<64xf32, #tpu.memory_space<vmem>>, vector<16xf32>,
    tpu.vector_store %arg11[%swap3A_197], %mul3A_196 {strides = array<i32>} : memref<64xf32, #tpu.memory_space<vmem>>, vector<16xf32>,
    %get3A_199 = arith.constant 2 : i32
    %get3A_200 = arith.index_cast %get3A_199 : i32 to index
    %get3A_201 = arith.constant 32 : index
    %get3A_202 = tpu.vector_load %arg10[%get3A_200, %get3A_201] {strides = array<i32>} : memref<4x64xf32, #tpu.memory_space<vmem>>, vector<16xf32>,
    %get3A_203 = arith.constant 0 : i32
    %get3A_204 = arith.index_cast %get3A_203 : i32 to index
    %get3A_205 = arith.constant 32 : index
    %get3A_206 = tpu.vector_load %arg10[%get3A_204, %get3A_205] {strides = array<i32>} : memref<4x64xf32, #tpu.memory_space<vmem>>, vector<16xf32>,
    %sub3A_207 = arith.subf %get3A_202, %get3A_206 : vector<16xf32>
    %get3A_208 = arith.constant 3 : i32
    %get3A_209 = arith.index_cast %get3A_208 : i32 to index
    %get3A_210 = arith.constant 32 : index
    %get3A_211 = tpu.vector_load %arg10[%get3A_209, %get3A_210] {strides = array<i32>} : memref<4x64xf32, #tpu.memory_space<vmem>>, vector<16xf32>,
    %get3A_212 = arith.constant 1 : i32
    %get3A_213 = arith.index_cast %get3A_212 : i32 to index
    %get3A_214 = arith.constant 32 : index
    %get3A_215 = tpu.vector_load %arg10[%get3A_213, %get3A_214] {strides = array<i32>} : memref<4x64xf32, #tpu.memory_space<vmem>>, vector<16xf32>,
    %sub3A_216 = arith.subf %get3A_211, %get3A_215 : vector<16xf32>
    %mul3A_217 = arith.mulf %sub3A_207, %sub3A_216 : vector<16xf32>
    %swap3A_218 = arith.constant 32 : index
    %swap3A_219 = tpu.vector_load %arg11[%swap3A_218] {strides = array<i32>} : memref<64xf32, #tpu.memory_space<vmem>>, vector<16xf32>,
    tpu.vector_store %arg11[%swap3A_218], %mul3A_217 {strides = array<i32>} : memref<64xf32, #tpu.memory_space<vmem>>, vector<16xf32>,
    %get3A_220 = arith.constant 2 : i32
    %get3A_221 = arith.index_cast %get3A_220 : i32 to index
    %get3A_222 = arith.constant 48 : index
    %get3A_223 = tpu.vector_load %arg10[%get3A_221, %get3A_222] {strides = array<i32>} : memref<4x64xf32, #tpu.memory_space<vmem>>, vector<16xf32>,
    %get3A_224 = arith.constant 0 : i32
    %get3A_225 = arith.index_cast %get3A_224 : i32 to index
    %get3A_226 = arith.constant 48 : index
    %get3A_227 = tpu.vector_load %arg10[%get3A_225, %get3A_226] {strides = array<i32>} : memref<4x64xf32, #tpu.memory_space<vmem>>, vector<16xf32>,
    %sub3A_228 = arith.subf %get3A_223, %get3A_227 : vector<16xf32>
    %get3A_229 = arith.constant 3 : i32
    %get3A_230 = arith.index_cast %get3A_229 : i32 to index
    %get3A_231 = arith.constant 48 : index
    %get3A_232 = tpu.vector_load %arg10[%get3A_230, %get3A_231] {strides = array<i32>} : memref<4x64xf32, #tpu.memory_space<vmem>>, vector<16xf32>,
    %get3A_233 = arith.constant 1 : i32
    %get3A_234 = arith.index_cast %get3A_233 : i32 to index
    %get3A_235 = arith.constant 48 : index
    %get3A_236 = tpu.vector_load %arg10[%get3A_234, %get3A_235] {strides = array<i32>} : memref<4x64xf32, #tpu.memory_space<vmem>>, vector<16xf32>,
    %sub3A_237 = arith.subf %get3A_232, %get3A_236 : vector<16xf32>
    %mul3A_238 = arith.mulf %sub3A_228, %sub3A_237 : vector<16xf32>
    %swap3A_239 = arith.constant 48 : index
    %swap3A_240 = tpu.vector_load %arg11[%swap3A_239] {strides = array<i32>} : memref<64xf32, #tpu.memory_space<vmem>>, vector<16xf32>,
    tpu.vector_store %arg11[%swap3A_239], %mul3A_238 {strides = array<i32>} : memref<64xf32, #tpu.memory_space<vmem>>, vector<16xf32>,
    %broadcast_in_dim3A_241 = arith.constant 0 : i32
    %broadcast_in_dim3A_242 = vector.broadcast %broadcast_in_dim3A_241 : i32 to vector<16xi32>
    %broadcast_in_dim3A_243 = arith.constant 1 : i32
    %broadcast_in_dim3A_244 = vector.broadcast %broadcast_in_dim3A_243 : i32 to vector<16xi32>
    %broadcast_in_dim3A_245 = arith.constant 2 : i32
    %broadcast_in_dim3A_246 = vector.broadcast %broadcast_in_dim3A_245 : i32 to vector<16xi32>
    %broadcast_in_dim3A_247 = arith.constant 3 : i32
    %broadcast_in_dim3A_248 = vector.broadcast %broadcast_in_dim3A_247 : i32 to vector<16xi32>
    %mul3A_249 = arith.constant 128 : i32
    %mul3A_250 = arith.muli %select_n3A_28, %mul3A_249 : i32
    %add3A_251 = arith.constant 0 : i32
    %add3A_252 = arith.addi %mul3A_250, %add3A_251 : i32
    %get3A_253 = arith.constant 0 : i32
    %get3A_254 = arith.index_cast %get3A_253 : i32 to index
    %get3A_255 = arith.index_cast %add3A_252 : i32 to index
    %get3A_256 = tpu.vector_load %arg8[%get3A_254, %get3A_255] {strides = array<i32>} : memref<4x512xf32, #tpu.memory_space<vmem>>, vector<16xf32>,
    %get3A_257 = arith.constant 1 : i32
    %get3A_258 = arith.index_cast %get3A_257 : i32 to index
    %get3A_259 = arith.index_cast %add3A_252 : i32 to index
    %get3A_260 = tpu.vector_load %arg8[%get3A_258, %get3A_259] {strides = array<i32>} : memref<4x512xf32, #tpu.memory_space<vmem>>, vector<16xf32>,
    %get3A_261 = arith.constant 2 : i32
    %get3A_262 = arith.index_cast %get3A_261 : i32 to index
    %get3A_263 = arith.index_cast %add3A_252 : i32 to index
    %get3A_264 = tpu.vector_load %arg8[%get3A_262, %get3A_263] {strides = array<i32>} : memref<4x512xf32, #tpu.memory_space<vmem>>, vector<16xf32>,
    %get3A_265 = arith.constant 3 : i32
    %get3A_266 = arith.index_cast %get3A_265 : i32 to index
    %get3A_267 = arith.index_cast %add3A_252 : i32 to index
    %get3A_268 = tpu.vector_load %arg8[%get3A_266, %get3A_267] {strides = array<i32>} : memref<4x512xf32, #tpu.memory_space<vmem>>, vector<16xf32>,
    %get3A_269 = arith.index_cast %add3A_252 : i32 to index
    %get3A_270 = tpu.vector_load %arg9[%get3A_269] {strides = array<i32>} : memref<512xi32, #tpu.memory_space<vmem>>, vector<16xi32>,
    %mul3A_271 = arith.constant 128 : i32
    %mul3A_272 = arith.muli %select_n3A_28, %mul3A_271 : i32
    %add3A_273 = arith.constant 16 : i32
    %add3A_274 = arith.addi %mul3A_272, %add3A_273 : i32
    %get3A_275 = arith.constant 0 : i32
    %get3A_276 = arith.index_cast %get3A_275 : i32 to index
    %get3A_277 = arith.index_cast %add3A_274 : i32 to index
    %get3A_278 = tpu.vector_load %arg8[%get3A_276, %get3A_277] {strides = array<i32>} : memref<4x512xf32, #tpu.memory_space<vmem>>, vector<16xf32>,
    %get3A_279 = arith.constant 1 : i32
    %get3A_280 = arith.index_cast %get3A_279 : i32 to index
    %get3A_281 = arith.index_cast %add3A_274 : i32 to index
    %get3A_282 = tpu.vector_load %arg8[%get3A_280, %get3A_281] {strides = array<i32>} : memref<4x512xf32, #tpu.memory_space<vmem>>, vector<16xf32>,
    %get3A_283 = arith.constant 2 : i32
    %get3A_284 = arith.index_cast %get3A_283 : i32 to index
    %get3A_285 = arith.index_cast %add3A_274 : i32 to index
    %get3A_286 = tpu.vector_load %arg8[%get3A_284, %get3A_285] {strides = array<i32>} : memref<4x512xf32, #tpu.memory_space<vmem>>, vector<16xf32>,
    %get3A_287 = arith.constant 3 : i32
    %get3A_288 = arith.index_cast %get3A_287 : i32 to index
    %get3A_289 = arith.index_cast %add3A_274 : i32 to index
    %get3A_290 = tpu.vector_load %arg8[%get3A_288, %get3A_289] {strides = array<i32>} : memref<4x512xf32, #tpu.memory_space<vmem>>, vector<16xf32>,
    %get3A_291 = arith.index_cast %add3A_274 : i32 to index
    %get3A_292 = tpu.vector_load %arg9[%get3A_291] {strides = array<i32>} : memref<512xi32, #tpu.memory_space<vmem>>, vector<16xi32>,
    %mul3A_293 = arith.constant 128 : i32
    %mul3A_294 = arith.muli %select_n3A_28, %mul3A_293 : i32
    %add3A_295 = arith.constant 32 : i32
    %add3A_296 = arith.addi %mul3A_294, %add3A_295 : i32
    %get3A_297 = arith.constant 0 : i32
    %get3A_298 = arith.index_cast %get3A_297 : i32 to index
    %get3A_299 = arith.index_cast %add3A_296 : i32 to index
    %get3A_300 = tpu.vector_load %arg8[%get3A_298, %get3A_299] {strides = array<i32>} : memref<4x512xf32, #tpu.memory_space<vmem>>, vector<16xf32>,
    %get3A_301 = arith.constant 1 : i32
    %get3A_302 = arith.index_cast %get3A_301 : i32 to index
    %get3A_303 = arith.index_cast %add3A_296 : i32 to index
    %get3A_304 = tpu.vector_load %arg8[%get3A_302, %get3A_303] {strides = array<i32>} : memref<4x512xf32, #tpu.memory_space<vmem>>, vector<16xf32>,
    %get3A_305 = arith.constant 2 : i32
    %get3A_306 = arith.index_cast %get3A_305 : i32 to index
    %get3A_307 = arith.index_cast %add3A_296 : i32 to index
    %get3A_308 = tpu.vector_load %arg8[%get3A_306, %get3A_307] {strides = array<i32>} : memref<4x512xf32, #tpu.memory_space<vmem>>, vector<16xf32>,
    %get3A_309 = arith.constant 3 : i32
    %get3A_310 = arith.index_cast %get3A_309 : i32 to index
    %get3A_311 = arith.index_cast %add3A_296 : i32 to index
    %get3A_312 = tpu.vector_load %arg8[%get3A_310, %get3A_311] {strides = array<i32>} : memref<4x512xf32, #tpu.memory_space<vmem>>, vector<16xf32>,
    %get3A_313 = arith.index_cast %add3A_296 : i32 to index
    %get3A_314 = tpu.vector_load %arg9[%get3A_313] {strides = array<i32>} : memref<512xi32, #tpu.memory_space<vmem>>, vector<16xi32>,
    %mul3A_315 = arith.constant 128 : i32
    %mul3A_316 = arith.muli %select_n3A_28, %mul3A_315 : i32
    %add3A_317 = arith.constant 48 : i32
    %add3A_318 = arith.addi %mul3A_316, %add3A_317 : i32
    %get3A_319 = arith.constant 0 : i32
    %get3A_320 = arith.index_cast %get3A_319 : i32 to index
    %get3A_321 = arith.index_cast %add3A_318 : i32 to index
    %get3A_322 = tpu.vector_load %arg8[%get3A_320, %get3A_321] {strides = array<i32>} : memref<4x512xf32, #tpu.memory_space<vmem>>, vector<16xf32>,
    %get3A_323 = arith.constant 1 : i32
    %get3A_324 = arith.index_cast %get3A_323 : i32 to index
    %get3A_325 = arith.index_cast %add3A_318 : i32 to index
    %get3A_326 = tpu.vector_load %arg8[%get3A_324, %get3A_325] {strides = array<i32>} : memref<4x512xf32, #tpu.memory_space<vmem>>, vector<16xf32>,
    %get3A_327 = arith.constant 2 : i32
    %get3A_328 = arith.index_cast %get3A_327 : i32 to index
    %get3A_329 = arith.index_cast %add3A_318 : i32 to index
    %get3A_330 = tpu.vector_load %arg8[%get3A_328, %get3A_329] {strides = array<i32>} : memref<4x512xf32, #tpu.memory_space<vmem>>, vector<16xf32>,
    %get3A_331 = arith.constant 3 : i32
    %get3A_332 = arith.index_cast %get3A_331 : i32 to index
    %get3A_333 = arith.index_cast %add3A_318 : i32 to index
    %get3A_334 = tpu.vector_load %arg8[%get3A_332, %get3A_333] {strides = array<i32>} : memref<4x512xf32, #tpu.memory_space<vmem>>, vector<16xf32>,
    %get3A_335 = arith.index_cast %add3A_318 : i32 to index
    %get3A_336 = tpu.vector_load %arg9[%get3A_335] {strides = array<i32>} : memref<512xi32, #tpu.memory_space<vmem>>, vector<16xi32>,
    %scan3A = arith.constant 0 : i32
    %scan3A_337 = arith.constant 64 : i32
    %scan3A_338 = arith.addi %scan3A, %scan3A_337 : i32
    %scan3A_339 = arith.constant 1 : i32
    %scan3A_340:8 = scf.for %scan3A_1639 = %scan3A to %scan3A_338 step %scan3A_339 iter_args(%scan3A_1640 = %broadcast_in_dim3A_156, %scan3A_1641 = %broadcast_in_dim3A_156, %scan3A_1642 = %broadcast_in_dim3A_156, %scan3A_1643 = %broadcast_in_dim3A_156, %scan3A_1644 = %broadcast_in_dim3A_158, %scan3A_1645 = %broadcast_in_dim3A_158, %scan3A_1646 = %broadcast_in_dim3A_158, %scan3A_1647 = %broadcast_in_dim3A_158) -> (vector<16xf32>, vector<16xf32>, vector<16xf32>, vector<16xf32>, vector<16xf32>, vector<16xf32>, vector<16xf32>, vector<16xf32>)  : i32 {
      %broadcast_in_dim3A_1648 = vector.broadcast %scan3A_1639 : i32 to vector<16xi32>
      %gather3A = tpu.vector_load_idx %arg10[%broadcast_in_dim3A_242, %broadcast_in_dim3A_1648] : memref<4x64xf32, #tpu.memory_space<vmem>>[vector<16xi32>, vector<16xi32>], vector<16xf32>,
      %gather3A_1649 = tpu.vector_load_idx %arg10[%broadcast_in_dim3A_244, %broadcast_in_dim3A_1648] : memref<4x64xf32, #tpu.memory_space<vmem>>[vector<16xi32>, vector<16xi32>], vector<16xf32>,
      %gather3A_1650 = tpu.vector_load_idx %arg10[%broadcast_in_dim3A_246, %broadcast_in_dim3A_1648] : memref<4x64xf32, #tpu.memory_space<vmem>>[vector<16xi32>, vector<16xi32>], vector<16xf32>,
      %gather3A_1651 = tpu.vector_load_idx %arg10[%broadcast_in_dim3A_248, %broadcast_in_dim3A_1648] : memref<4x64xf32, #tpu.memory_space<vmem>>[vector<16xi32>, vector<16xi32>], vector<16xf32>,
      %gather3A_1652 = tpu.vector_load_idx %arg11[%broadcast_in_dim3A_1648] : memref<64xf32, #tpu.memory_space<vmem>>[vector<16xi32>], vector<16xf32>,
      %min3A_1653 = arith.minimumf %get3A_264, %gather3A_1650 : vector<16xf32>
      %max3A_1654 = arith.maximumf %get3A_256, %gather3A : vector<16xf32>
      %sub3A_1655 = arith.subf %min3A_1653, %max3A_1654 : vector<16xf32>
      %max3A_1656 = arith.constant 0.000000e+00 : f32
      %max3A_1657 = vector.broadcast %max3A_1656 : f32 to vector<16xf32>
      %max3A_1658 = arith.maximumf %sub3A_1655, %max3A_1657 : vector<16xf32>
      %min3A_1659 = arith.minimumf %get3A_268, %gather3A_1651 : vector<16xf32>
      %max3A_1660 = arith.maximumf %get3A_260, %gather3A_1649 : vector<16xf32>
      %sub3A_1661 = arith.subf %min3A_1659, %max3A_1660 : vector<16xf32>
      %max3A_1662 = arith.constant 0.000000e+00 : f32
      %max3A_1663 = vector.broadcast %max3A_1662 : f32 to vector<16xf32>
      %max3A_1664 = arith.maximumf %sub3A_1661, %max3A_1663 : vector<16xf32>
      %eq3A_1665 = arith.cmpi eq, %get3A_270, %broadcast_in_dim3A_1648 : vector<16xi32>
      %mul3A_1666 = arith.mulf %max3A_1658, %max3A_1664 : vector<16xf32>
      %jit3A_1667 = arith.constant 0.000000e+00 : f32
      %broadcast_in_dim3A_1668 = vector.broadcast %jit3A_1667 : f32 to vector<16xf32>
      %select_n3A_1669 = arith.select %eq3A_1665, %broadcast_in_dim3A_1668, %mul3A_1666 : vector<16xi1>, vector<16xf32>
      %gt3A_1670 = arith.cmpf ogt, %select_n3A_1669, %scan3A_1640 : vector<16xf32>
      %select_n3A_1671 = arith.select %gt3A_1670, %select_n3A_1669, %scan3A_1640 : vector<16xi1>, vector<16xf32>
      %select_n3A_1672 = arith.select %gt3A_1670, %gather3A_1652, %scan3A_1644 : vector<16xi1>, vector<16xf32>
      %min3A_1673 = arith.minimumf %get3A_286, %gather3A_1650 : vector<16xf32>
      %max3A_1674 = arith.maximumf %get3A_278, %gather3A : vector<16xf32>
      %sub3A_1675 = arith.subf %min3A_1673, %max3A_1674 : vector<16xf32>
      %max3A_1676 = arith.constant 0.000000e+00 : f32
      %max3A_1677 = vector.broadcast %max3A_1676 : f32 to vector<16xf32>
      %max3A_1678 = arith.maximumf %sub3A_1675, %max3A_1677 : vector<16xf32>
      %min3A_1679 = arith.minimumf %get3A_290, %gather3A_1651 : vector<16xf32>
      %max3A_1680 = arith.maximumf %get3A_282, %gather3A_1649 : vector<16xf32>
      %sub3A_1681 = arith.subf %min3A_1679, %max3A_1680 : vector<16xf32>
      %max3A_1682 = arith.constant 0.000000e+00 : f32
      %max3A_1683 = vector.broadcast %max3A_1682 : f32 to vector<16xf32>
      %max3A_1684 = arith.maximumf %sub3A_1681, %max3A_1683 : vector<16xf32>
      %eq3A_1685 = arith.cmpi eq, %get3A_292, %broadcast_in_dim3A_1648 : vector<16xi32>
      %mul3A_1686 = arith.mulf %max3A_1678, %max3A_1684 : vector<16xf32>
      %jit3A_1687 = arith.constant 0.000000e+00 : f32
      %broadcast_in_dim3A_1688 = vector.broadcast %jit3A_1687 : f32 to vector<16xf32>
      %select_n3A_1689 = arith.select %eq3A_1685, %broadcast_in_dim3A_1688, %mul3A_1686 : vector<16xi1>, vector<16xf32>
      %gt3A_1690 = arith.cmpf ogt, %select_n3A_1689, %scan3A_1641 : vector<16xf32>
      %select_n3A_1691 = arith.select %gt3A_1690, %select_n3A_1689, %scan3A_1641 : vector<16xi1>, vector<16xf32>
      %select_n3A_1692 = arith.select %gt3A_1690, %gather3A_1652, %scan3A_1645 : vector<16xi1>, vector<16xf32>
      %min3A_1693 = arith.minimumf %get3A_308, %gather3A_1650 : vector<16xf32>
      %max3A_1694 = arith.maximumf %get3A_300, %gather3A : vector<16xf32>
      %sub3A_1695 = arith.subf %min3A_1693, %max3A_1694 : vector<16xf32>
      %max3A_1696 = arith.constant 0.000000e+00 : f32
      %max3A_1697 = vector.broadcast %max3A_1696 : f32 to vector<16xf32>
      %max3A_1698 = arith.maximumf %sub3A_1695, %max3A_1697 : vector<16xf32>
      %min3A_1699 = arith.minimumf %get3A_312, %gather3A_1651 : vector<16xf32>
      %max3A_1700 = arith.maximumf %get3A_304, %gather3A_1649 : vector<16xf32>
      %sub3A_1701 = arith.subf %min3A_1699, %max3A_1700 : vector<16xf32>
      %max3A_1702 = arith.constant 0.000000e+00 : f32
      %max3A_1703 = vector.broadcast %max3A_1702 : f32 to vector<16xf32>
      %max3A_1704 = arith.maximumf %sub3A_1701, %max3A_1703 : vector<16xf32>
      %eq3A_1705 = arith.cmpi eq, %get3A_314, %broadcast_in_dim3A_1648 : vector<16xi32>
      %mul3A_1706 = arith.mulf %max3A_1698, %max3A_1704 : vector<16xf32>
      %jit3A_1707 = arith.constant 0.000000e+00 : f32
      %broadcast_in_dim3A_1708 = vector.broadcast %jit3A_1707 : f32 to vector<16xf32>
      %select_n3A_1709 = arith.select %eq3A_1705, %broadcast_in_dim3A_1708, %mul3A_1706 : vector<16xi1>, vector<16xf32>
      %gt3A_1710 = arith.cmpf ogt, %select_n3A_1709, %scan3A_1642 : vector<16xf32>
      %select_n3A_1711 = arith.select %gt3A_1710, %select_n3A_1709, %scan3A_1642 : vector<16xi1>, vector<16xf32>
      %select_n3A_1712 = arith.select %gt3A_1710, %gather3A_1652, %scan3A_1646 : vector<16xi1>, vector<16xf32>
      %min3A_1713 = arith.minimumf %get3A_330, %gather3A_1650 : vector<16xf32>
      %max3A_1714 = arith.maximumf %get3A_322, %gather3A : vector<16xf32>
      %sub3A_1715 = arith.subf %min3A_1713, %max3A_1714 : vector<16xf32>
      %max3A_1716 = arith.constant 0.000000e+00 : f32
      %max3A_1717 = vector.broadcast %max3A_1716 : f32 to vector<16xf32>
      %max3A_1718 = arith.maximumf %sub3A_1715, %max3A_1717 : vector<16xf32>
      %min3A_1719 = arith.minimumf %get3A_334, %gather3A_1651 : vector<16xf32>
      %max3A_1720 = arith.maximumf %get3A_326, %gather3A_1649 : vector<16xf32>
      %sub3A_1721 = arith.subf %min3A_1719, %max3A_1720 : vector<16xf32>
      %max3A_1722 = arith.constant 0.000000e+00 : f32
      %max3A_1723 = vector.broadcast %max3A_1722 : f32 to vector<16xf32>
      %max3A_1724 = arith.maximumf %sub3A_1721, %max3A_1723 : vector<16xf32>
      %eq3A_1725 = arith.cmpi eq, %get3A_336, %broadcast_in_dim3A_1648 : vector<16xi32>
      %mul3A_1726 = arith.mulf %max3A_1718, %max3A_1724 : vector<16xf32>
      %jit3A_1727 = arith.constant 0.000000e+00 : f32
      %broadcast_in_dim3A_1728 = vector.broadcast %jit3A_1727 : f32 to vector<16xf32>
      %select_n3A_1729 = arith.select %eq3A_1725, %broadcast_in_dim3A_1728, %mul3A_1726 : vector<16xi1>, vector<16xf32>
      %gt3A_1730 = arith.cmpf ogt, %select_n3A_1729, %scan3A_1643 : vector<16xf32>
      %select_n3A_1731 = arith.select %gt3A_1730, %select_n3A_1729, %scan3A_1643 : vector<16xi1>, vector<16xf32>
      %select_n3A_1732 = arith.select %gt3A_1730, %gather3A_1652, %scan3A_1647 : vector<16xi1>, vector<16xf32>
      scf.yield %select_n3A_1671, %select_n3A_1691, %select_n3A_1711, %select_n3A_1731, %select_n3A_1672, %select_n3A_1692, %select_n3A_1712, %select_n3A_1732 : vector<16xf32>, vector<16xf32>, vector<16xf32>, vector<16xf32>, vector<16xf32>, vector<16xf32>, vector<16xf32>, vector<16xf32>
    }
    %scan3A_341 = arith.constant 64 : i32
    %gt3A = arith.constant 0.000000e+00 : f32
    %gt3A_342 = vector.broadcast %gt3A : f32 to vector<16xf32>
    %gt3A_343 = arith.cmpf ogt, %scan3A_340#0, %gt3A_342 : vector<16xf32>
    %div3A_344 = arith.divf %scan3A_340#0, %scan3A_340#4 : vector<16xf32>
    %sub3A_345 = arith.constant 1.000000e+00 : f32
    %sub3A_346 = vector.broadcast %sub3A_345 : f32 to vector<16xf32>
    %sub3A_347 = arith.subf %sub3A_346, %div3A_344 : vector<16xf32>
    %max3A = arith.constant 9.99999997E-7 : f32
    %max3A_348 = vector.broadcast %max3A : f32 to vector<16xf32>
    %max3A_349 = arith.maximumf %sub3A_347, %max3A_348 : vector<16xf32>
    %gt3A_350 = arith.constant 0.899999976 : f32
    %gt3A_351 = vector.broadcast %gt3A_350 : f32 to vector<16xf32>
    %gt3A_352 = arith.cmpf ogt, %div3A_344, %gt3A_351 : vector<16xf32>
    %sub3A_353 = arith.constant 0.899999976 : f32
    %sub3A_354 = vector.broadcast %sub3A_353 : f32 to vector<16xf32>
    %sub3A_355 = arith.subf %div3A_344, %sub3A_354 : vector<16xf32>
    %mul3A_356 = arith.constant 1.000000e+01 : f32
    %mul3A_357 = vector.broadcast %mul3A_356 : f32 to vector<16xf32>
    %mul3A_358 = arith.mulf %sub3A_355, %mul3A_357 : vector<16xf32>
    %add3A_359 = arith.constant 2.30258512 : f32
    %add3A_360 = vector.broadcast %add3A_359 : f32 to vector<16xf32>
    %add3A_361 = arith.addf %mul3A_358, %add3A_360 : vector<16xf32>
    %bitcast3A = vector.bitcast %max3A_349 : vector<16xf32> to vector<16xi32>
    %shift_right_logical3A = arith.constant 23 : i32
    %shift_right_logical3A_362 = vector.broadcast %shift_right_logical3A : i32 to vector<16xi32>
    %shift_right_logical3A_363 = arith.shrui %bitcast3A, %shift_right_logical3A_362 : vector<16xi32>
    %sub3A_364 = arith.constant 127 : i32
    %sub3A_365 = vector.broadcast %sub3A_364 : i32 to vector<16xi32>
    %sub3A_366 = arith.subi %shift_right_logical3A_363, %sub3A_365 : vector<16xi32>
    %and3A_367 = arith.constant 8388607 : i32
    %and3A_368 = vector.broadcast %and3A_367 : i32 to vector<16xi32>
    %and3A_369 = arith.andi %bitcast3A, %and3A_368 : vector<16xi32>
    %or3A = arith.constant 1065353216 : i32
    %or3A_370 = vector.broadcast %or3A : i32 to vector<16xi32>
    %or3A_371 = arith.ori %and3A_369, %or3A_370 : vector<16xi32>
    %bitcast3A_372 = vector.bitcast %or3A_371 : vector<16xi32> to vector<16xf32>
    %gt3A_373 = arith.constant 1.41421354 : f32
    %gt3A_374 = vector.broadcast %gt3A_373 : f32 to vector<16xf32>
    %gt3A_375 = arith.cmpf ogt, %bitcast3A_372, %gt3A_374 : vector<16xf32>
    %mul3A_376 = arith.constant 5.000000e-01 : f32
    %mul3A_377 = vector.broadcast %mul3A_376 : f32 to vector<16xf32>
    %mul3A_378 = arith.mulf %mul3A_377, %bitcast3A_372 : vector<16xf32>
    %select_n3A_379 = arith.select %gt3A_375, %mul3A_378, %bitcast3A_372 : vector<16xi1>, vector<16xf32>
    %jit3A_380 = arith.constant 1 : i32
    %jit3A_381 = arith.constant 0 : i32
    %broadcast_in_dim3A_382 = vector.broadcast %jit3A_380 : i32 to vector<16xi32>
    %broadcast_in_dim3A_383 = vector.broadcast %jit3A_381 : i32 to vector<16xi32>
    %select_n3A_384 = arith.select %gt3A_375, %broadcast_in_dim3A_382, %broadcast_in_dim3A_383 : vector<16xi1>, vector<16xi32>
    %add3A_385 = arith.addi %sub3A_366, %select_n3A_384 : vector<16xi32>
    %convert_element_type3A = arith.sitofp %add3A_385 : vector<16xi32> to vector<16xf32>
    %sub3A_386 = arith.constant 1.000000e+00 : f32
    %sub3A_387 = vector.broadcast %sub3A_386 : f32 to vector<16xf32>
    %sub3A_388 = arith.subf %select_n3A_379, %sub3A_387 : vector<16xf32>
    %add3A_389 = arith.constant 1.000000e+00 : f32
    %add3A_390 = vector.broadcast %add3A_389 : f32 to vector<16xf32>
    %add3A_391 = arith.addf %select_n3A_379, %add3A_390 : vector<16xf32>
    %div3A_392 = arith.divf %sub3A_388, %add3A_391 : vector<16xf32>
    %mul3A_393 = arith.mulf %div3A_392, %div3A_392 : vector<16xf32>
    %mul3A_394 = arith.constant 0.111111112 : f32
    %mul3A_395 = vector.broadcast %mul3A_394 : f32 to vector<16xf32>
    %mul3A_396 = arith.mulf %mul3A_393, %mul3A_395 : vector<16xf32>
    %add3A_397 = arith.constant 0.142857149 : f32
    %add3A_398 = vector.broadcast %add3A_397 : f32 to vector<16xf32>
    %add3A_399 = arith.addf %add3A_398, %mul3A_396 : vector<16xf32>
    %mul3A_400 = arith.mulf %mul3A_393, %add3A_399 : vector<16xf32>
    %add3A_401 = arith.constant 2.000000e-01 : f32
    %add3A_402 = vector.broadcast %add3A_401 : f32 to vector<16xf32>
    %add3A_403 = arith.addf %add3A_402, %mul3A_400 : vector<16xf32>
    %mul3A_404 = arith.mulf %mul3A_393, %add3A_403 : vector<16xf32>
    %add3A_405 = arith.constant 0.333333343 : f32
    %add3A_406 = vector.broadcast %add3A_405 : f32 to vector<16xf32>
    %add3A_407 = arith.addf %add3A_406, %mul3A_404 : vector<16xf32>
    %mul3A_408 = arith.mulf %mul3A_393, %add3A_407 : vector<16xf32>
    %add3A_409 = arith.constant 1.000000e+00 : f32
    %add3A_410 = vector.broadcast %add3A_409 : f32 to vector<16xf32>
    %add3A_411 = arith.addf %add3A_410, %mul3A_408 : vector<16xf32>
    %mul3A_412 = arith.constant 2.000000e+00 : f32
    %mul3A_413 = vector.broadcast %mul3A_412 : f32 to vector<16xf32>
    %mul3A_414 = arith.mulf %mul3A_413, %div3A_392 : vector<16xf32>
    %mul3A_415 = arith.mulf %mul3A_414, %add3A_411 : vector<16xf32>
    %mul3A_416 = arith.constant 0.693147182 : f32
    %mul3A_417 = vector.broadcast %mul3A_416 : f32 to vector<16xf32>
    %mul3A_418 = arith.mulf %convert_element_type3A, %mul3A_417 : vector<16xf32>
    %add3A_419 = arith.addf %mul3A_415, %mul3A_418 : vector<16xf32>
    %neg3A = arith.constant 0.000000e+00 : f32
    %neg3A_420 = vector.broadcast %neg3A : f32 to vector<16xf32>
    %neg3A_421 = arith.subf %neg3A_420, %add3A_419 : vector<16xf32>
    %select_n3A_422 = arith.select %gt3A_352, %add3A_361, %neg3A_421 : vector<16xi1>, vector<16xf32>
    %jit3A_423 = arith.constant 0.000000e+00 : f32
    %broadcast_in_dim3A_424 = vector.broadcast %jit3A_423 : f32 to vector<16xf32>
    %select_n3A_425 = arith.select %gt3A_343, %select_n3A_422, %broadcast_in_dim3A_424 : vector<16xi1>, vector<16xf32>
    %add3A_426 = arith.addf %broadcast_in_dim3A_156, %select_n3A_425 : vector<16xf32>
    %jit3A_427 = arith.constant 1.000000e+00 : f32
    %jit3A_428 = arith.constant 0.000000e+00 : f32
    %broadcast_in_dim3A_429 = vector.broadcast %jit3A_427 : f32 to vector<16xf32>
    %broadcast_in_dim3A_430 = vector.broadcast %jit3A_428 : f32 to vector<16xf32>
    %select_n3A_431 = arith.select %gt3A_343, %broadcast_in_dim3A_429, %broadcast_in_dim3A_430 : vector<16xi1>, vector<16xf32>
    %add3A_432 = arith.addf %broadcast_in_dim3A_156, %select_n3A_431 : vector<16xf32>
    %gt3A_433 = arith.constant 0.000000e+00 : f32
    %gt3A_434 = vector.broadcast %gt3A_433 : f32 to vector<16xf32>
    %gt3A_435 = arith.cmpf ogt, %scan3A_340#1, %gt3A_434 : vector<16xf32>
    %div3A_436 = arith.divf %scan3A_340#1, %scan3A_340#5 : vector<16xf32>
    %sub3A_437 = arith.constant 1.000000e+00 : f32
    %sub3A_438 = vector.broadcast %sub3A_437 : f32 to vector<16xf32>
    %sub3A_439 = arith.subf %sub3A_438, %div3A_436 : vector<16xf32>
    %max3A_440 = arith.constant 9.99999997E-7 : f32
    %max3A_441 = vector.broadcast %max3A_440 : f32 to vector<16xf32>
    %max3A_442 = arith.maximumf %sub3A_439, %max3A_441 : vector<16xf32>
    %gt3A_443 = arith.constant 0.899999976 : f32
    %gt3A_444 = vector.broadcast %gt3A_443 : f32 to vector<16xf32>
    %gt3A_445 = arith.cmpf ogt, %div3A_436, %gt3A_444 : vector<16xf32>
    %sub3A_446 = arith.constant 0.899999976 : f32
    %sub3A_447 = vector.broadcast %sub3A_446 : f32 to vector<16xf32>
    %sub3A_448 = arith.subf %div3A_436, %sub3A_447 : vector<16xf32>
    %mul3A_449 = arith.constant 1.000000e+01 : f32
    %mul3A_450 = vector.broadcast %mul3A_449 : f32 to vector<16xf32>
    %mul3A_451 = arith.mulf %sub3A_448, %mul3A_450 : vector<16xf32>
    %add3A_452 = arith.constant 2.30258512 : f32
    %add3A_453 = vector.broadcast %add3A_452 : f32 to vector<16xf32>
    %add3A_454 = arith.addf %mul3A_451, %add3A_453 : vector<16xf32>
    %bitcast3A_455 = vector.bitcast %max3A_442 : vector<16xf32> to vector<16xi32>
    %shift_right_logical3A_456 = arith.constant 23 : i32
    %shift_right_logical3A_457 = vector.broadcast %shift_right_logical3A_456 : i32 to vector<16xi32>
    %shift_right_logical3A_458 = arith.shrui %bitcast3A_455, %shift_right_logical3A_457 : vector<16xi32>
    %sub3A_459 = arith.constant 127 : i32
    %sub3A_460 = vector.broadcast %sub3A_459 : i32 to vector<16xi32>
    %sub3A_461 = arith.subi %shift_right_logical3A_458, %sub3A_460 : vector<16xi32>
    %and3A_462 = arith.constant 8388607 : i32
    %and3A_463 = vector.broadcast %and3A_462 : i32 to vector<16xi32>
    %and3A_464 = arith.andi %bitcast3A_455, %and3A_463 : vector<16xi32>
    %or3A_465 = arith.constant 1065353216 : i32
    %or3A_466 = vector.broadcast %or3A_465 : i32 to vector<16xi32>
    %or3A_467 = arith.ori %and3A_464, %or3A_466 : vector<16xi32>
    %bitcast3A_468 = vector.bitcast %or3A_467 : vector<16xi32> to vector<16xf32>
    %gt3A_469 = arith.constant 1.41421354 : f32
    %gt3A_470 = vector.broadcast %gt3A_469 : f32 to vector<16xf32>
    %gt3A_471 = arith.cmpf ogt, %bitcast3A_468, %gt3A_470 : vector<16xf32>
    %mul3A_472 = arith.constant 5.000000e-01 : f32
    %mul3A_473 = vector.broadcast %mul3A_472 : f32 to vector<16xf32>
    %mul3A_474 = arith.mulf %mul3A_473, %bitcast3A_468 : vector<16xf32>
    %select_n3A_475 = arith.select %gt3A_471, %mul3A_474, %bitcast3A_468 : vector<16xi1>, vector<16xf32>
    %jit3A_476 = arith.constant 1 : i32
    %jit3A_477 = arith.constant 0 : i32
    %broadcast_in_dim3A_478 = vector.broadcast %jit3A_476 : i32 to vector<16xi32>
    %broadcast_in_dim3A_479 = vector.broadcast %jit3A_477 : i32 to vector<16xi32>
    %select_n3A_480 = arith.select %gt3A_471, %broadcast_in_dim3A_478, %broadcast_in_dim3A_479 : vector<16xi1>, vector<16xi32>
    %add3A_481 = arith.addi %sub3A_461, %select_n3A_480 : vector<16xi32>
    %convert_element_type3A_482 = arith.sitofp %add3A_481 : vector<16xi32> to vector<16xf32>
    %sub3A_483 = arith.constant 1.000000e+00 : f32
    %sub3A_484 = vector.broadcast %sub3A_483 : f32 to vector<16xf32>
    %sub3A_485 = arith.subf %select_n3A_475, %sub3A_484 : vector<16xf32>
    %add3A_486 = arith.constant 1.000000e+00 : f32
    %add3A_487 = vector.broadcast %add3A_486 : f32 to vector<16xf32>
    %add3A_488 = arith.addf %select_n3A_475, %add3A_487 : vector<16xf32>
    %div3A_489 = arith.divf %sub3A_485, %add3A_488 : vector<16xf32>
    %mul3A_490 = arith.mulf %div3A_489, %div3A_489 : vector<16xf32>
    %mul3A_491 = arith.constant 0.111111112 : f32
    %mul3A_492 = vector.broadcast %mul3A_491 : f32 to vector<16xf32>
    %mul3A_493 = arith.mulf %mul3A_490, %mul3A_492 : vector<16xf32>
    %add3A_494 = arith.constant 0.142857149 : f32
    %add3A_495 = vector.broadcast %add3A_494 : f32 to vector<16xf32>
    %add3A_496 = arith.addf %add3A_495, %mul3A_493 : vector<16xf32>
    %mul3A_497 = arith.mulf %mul3A_490, %add3A_496 : vector<16xf32>
    %add3A_498 = arith.constant 2.000000e-01 : f32
    %add3A_499 = vector.broadcast %add3A_498 : f32 to vector<16xf32>
    %add3A_500 = arith.addf %add3A_499, %mul3A_497 : vector<16xf32>
    %mul3A_501 = arith.mulf %mul3A_490, %add3A_500 : vector<16xf32>
    %add3A_502 = arith.constant 0.333333343 : f32
    %add3A_503 = vector.broadcast %add3A_502 : f32 to vector<16xf32>
    %add3A_504 = arith.addf %add3A_503, %mul3A_501 : vector<16xf32>
    %mul3A_505 = arith.mulf %mul3A_490, %add3A_504 : vector<16xf32>
    %add3A_506 = arith.constant 1.000000e+00 : f32
    %add3A_507 = vector.broadcast %add3A_506 : f32 to vector<16xf32>
    %add3A_508 = arith.addf %add3A_507, %mul3A_505 : vector<16xf32>
    %mul3A_509 = arith.constant 2.000000e+00 : f32
    %mul3A_510 = vector.broadcast %mul3A_509 : f32 to vector<16xf32>
    %mul3A_511 = arith.mulf %mul3A_510, %div3A_489 : vector<16xf32>
    %mul3A_512 = arith.mulf %mul3A_511, %add3A_508 : vector<16xf32>
    %mul3A_513 = arith.constant 0.693147182 : f32
    %mul3A_514 = vector.broadcast %mul3A_513 : f32 to vector<16xf32>
    %mul3A_515 = arith.mulf %convert_element_type3A_482, %mul3A_514 : vector<16xf32>
    %add3A_516 = arith.addf %mul3A_512, %mul3A_515 : vector<16xf32>
    %neg3A_517 = arith.constant 0.000000e+00 : f32
    %neg3A_518 = vector.broadcast %neg3A_517 : f32 to vector<16xf32>
    %neg3A_519 = arith.subf %neg3A_518, %add3A_516 : vector<16xf32>
    %select_n3A_520 = arith.select %gt3A_445, %add3A_454, %neg3A_519 : vector<16xi1>, vector<16xf32>
    %jit3A_521 = arith.constant 0.000000e+00 : f32
    %broadcast_in_dim3A_522 = vector.broadcast %jit3A_521 : f32 to vector<16xf32>
    %select_n3A_523 = arith.select %gt3A_435, %select_n3A_520, %broadcast_in_dim3A_522 : vector<16xi1>, vector<16xf32>
    %add3A_524 = arith.addf %add3A_426, %select_n3A_523 : vector<16xf32>
    %jit3A_525 = arith.constant 1.000000e+00 : f32
    %jit3A_526 = arith.constant 0.000000e+00 : f32
    %broadcast_in_dim3A_527 = vector.broadcast %jit3A_525 : f32 to vector<16xf32>
    %broadcast_in_dim3A_528 = vector.broadcast %jit3A_526 : f32 to vector<16xf32>
    %select_n3A_529 = arith.select %gt3A_435, %broadcast_in_dim3A_527, %broadcast_in_dim3A_528 : vector<16xi1>, vector<16xf32>
    %add3A_530 = arith.addf %add3A_432, %select_n3A_529 : vector<16xf32>
    %gt3A_531 = arith.constant 0.000000e+00 : f32
    %gt3A_532 = vector.broadcast %gt3A_531 : f32 to vector<16xf32>
    %gt3A_533 = arith.cmpf ogt, %scan3A_340#2, %gt3A_532 : vector<16xf32>
    %div3A_534 = arith.divf %scan3A_340#2, %scan3A_340#6 : vector<16xf32>
    %sub3A_535 = arith.constant 1.000000e+00 : f32
    %sub3A_536 = vector.broadcast %sub3A_535 : f32 to vector<16xf32>
    %sub3A_537 = arith.subf %sub3A_536, %div3A_534 : vector<16xf32>
    %max3A_538 = arith.constant 9.99999997E-7 : f32
    %max3A_539 = vector.broadcast %max3A_538 : f32 to vector<16xf32>
    %max3A_540 = arith.maximumf %sub3A_537, %max3A_539 : vector<16xf32>
    %gt3A_541 = arith.constant 0.899999976 : f32
    %gt3A_542 = vector.broadcast %gt3A_541 : f32 to vector<16xf32>
    %gt3A_543 = arith.cmpf ogt, %div3A_534, %gt3A_542 : vector<16xf32>
    %sub3A_544 = arith.constant 0.899999976 : f32
    %sub3A_545 = vector.broadcast %sub3A_544 : f32 to vector<16xf32>
    %sub3A_546 = arith.subf %div3A_534, %sub3A_545 : vector<16xf32>
    %mul3A_547 = arith.constant 1.000000e+01 : f32
    %mul3A_548 = vector.broadcast %mul3A_547 : f32 to vector<16xf32>
    %mul3A_549 = arith.mulf %sub3A_546, %mul3A_548 : vector<16xf32>
    %add3A_550 = arith.constant 2.30258512 : f32
    %add3A_551 = vector.broadcast %add3A_550 : f32 to vector<16xf32>
    %add3A_552 = arith.addf %mul3A_549, %add3A_551 : vector<16xf32>
    %bitcast3A_553 = vector.bitcast %max3A_540 : vector<16xf32> to vector<16xi32>
    %shift_right_logical3A_554 = arith.constant 23 : i32
    %shift_right_logical3A_555 = vector.broadcast %shift_right_logical3A_554 : i32 to vector<16xi32>
    %shift_right_logical3A_556 = arith.shrui %bitcast3A_553, %shift_right_logical3A_555 : vector<16xi32>
    %sub3A_557 = arith.constant 127 : i32
    %sub3A_558 = vector.broadcast %sub3A_557 : i32 to vector<16xi32>
    %sub3A_559 = arith.subi %shift_right_logical3A_556, %sub3A_558 : vector<16xi32>
    %and3A_560 = arith.constant 8388607 : i32
    %and3A_561 = vector.broadcast %and3A_560 : i32 to vector<16xi32>
    %and3A_562 = arith.andi %bitcast3A_553, %and3A_561 : vector<16xi32>
    %or3A_563 = arith.constant 1065353216 : i32
    %or3A_564 = vector.broadcast %or3A_563 : i32 to vector<16xi32>
    %or3A_565 = arith.ori %and3A_562, %or3A_564 : vector<16xi32>
    %bitcast3A_566 = vector.bitcast %or3A_565 : vector<16xi32> to vector<16xf32>
    %gt3A_567 = arith.constant 1.41421354 : f32
    %gt3A_568 = vector.broadcast %gt3A_567 : f32 to vector<16xf32>
    %gt3A_569 = arith.cmpf ogt, %bitcast3A_566, %gt3A_568 : vector<16xf32>
    %mul3A_570 = arith.constant 5.000000e-01 : f32
    %mul3A_571 = vector.broadcast %mul3A_570 : f32 to vector<16xf32>
    %mul3A_572 = arith.mulf %mul3A_571, %bitcast3A_566 : vector<16xf32>
    %select_n3A_573 = arith.select %gt3A_569, %mul3A_572, %bitcast3A_566 : vector<16xi1>, vector<16xf32>
    %jit3A_574 = arith.constant 1 : i32
    %jit3A_575 = arith.constant 0 : i32
    %broadcast_in_dim3A_576 = vector.broadcast %jit3A_574 : i32 to vector<16xi32>
    %broadcast_in_dim3A_577 = vector.broadcast %jit3A_575 : i32 to vector<16xi32>
    %select_n3A_578 = arith.select %gt3A_569, %broadcast_in_dim3A_576, %broadcast_in_dim3A_577 : vector<16xi1>, vector<16xi32>
    %add3A_579 = arith.addi %sub3A_559, %select_n3A_578 : vector<16xi32>
    %convert_element_type3A_580 = arith.sitofp %add3A_579 : vector<16xi32> to vector<16xf32>
    %sub3A_581 = arith.constant 1.000000e+00 : f32
    %sub3A_582 = vector.broadcast %sub3A_581 : f32 to vector<16xf32>
    %sub3A_583 = arith.subf %select_n3A_573, %sub3A_582 : vector<16xf32>
    %add3A_584 = arith.constant 1.000000e+00 : f32
    %add3A_585 = vector.broadcast %add3A_584 : f32 to vector<16xf32>
    %add3A_586 = arith.addf %select_n3A_573, %add3A_585 : vector<16xf32>
    %div3A_587 = arith.divf %sub3A_583, %add3A_586 : vector<16xf32>
    %mul3A_588 = arith.mulf %div3A_587, %div3A_587 : vector<16xf32>
    %mul3A_589 = arith.constant 0.111111112 : f32
    %mul3A_590 = vector.broadcast %mul3A_589 : f32 to vector<16xf32>
    %mul3A_591 = arith.mulf %mul3A_588, %mul3A_590 : vector<16xf32>
    %add3A_592 = arith.constant 0.142857149 : f32
    %add3A_593 = vector.broadcast %add3A_592 : f32 to vector<16xf32>
    %add3A_594 = arith.addf %add3A_593, %mul3A_591 : vector<16xf32>
    %mul3A_595 = arith.mulf %mul3A_588, %add3A_594 : vector<16xf32>
    %add3A_596 = arith.constant 2.000000e-01 : f32
    %add3A_597 = vector.broadcast %add3A_596 : f32 to vector<16xf32>
    %add3A_598 = arith.addf %add3A_597, %mul3A_595 : vector<16xf32>
    %mul3A_599 = arith.mulf %mul3A_588, %add3A_598 : vector<16xf32>
    %add3A_600 = arith.constant 0.333333343 : f32
    %add3A_601 = vector.broadcast %add3A_600 : f32 to vector<16xf32>
    %add3A_602 = arith.addf %add3A_601, %mul3A_599 : vector<16xf32>
    %mul3A_603 = arith.mulf %mul3A_588, %add3A_602 : vector<16xf32>
    %add3A_604 = arith.constant 1.000000e+00 : f32
    %add3A_605 = vector.broadcast %add3A_604 : f32 to vector<16xf32>
    %add3A_606 = arith.addf %add3A_605, %mul3A_603 : vector<16xf32>
    %mul3A_607 = arith.constant 2.000000e+00 : f32
    %mul3A_608 = vector.broadcast %mul3A_607 : f32 to vector<16xf32>
    %mul3A_609 = arith.mulf %mul3A_608, %div3A_587 : vector<16xf32>
    %mul3A_610 = arith.mulf %mul3A_609, %add3A_606 : vector<16xf32>
    %mul3A_611 = arith.constant 0.693147182 : f32
    %mul3A_612 = vector.broadcast %mul3A_611 : f32 to vector<16xf32>
    %mul3A_613 = arith.mulf %convert_element_type3A_580, %mul3A_612 : vector<16xf32>
    %add3A_614 = arith.addf %mul3A_610, %mul3A_613 : vector<16xf32>
    %neg3A_615 = arith.constant 0.000000e+00 : f32
    %neg3A_616 = vector.broadcast %neg3A_615 : f32 to vector<16xf32>
    %neg3A_617 = arith.subf %neg3A_616, %add3A_614 : vector<16xf32>
    %select_n3A_618 = arith.select %gt3A_543, %add3A_552, %neg3A_617 : vector<16xi1>, vector<16xf32>
    %jit3A_619 = arith.constant 0.000000e+00 : f32
    %broadcast_in_dim3A_620 = vector.broadcast %jit3A_619 : f32 to vector<16xf32>
    %select_n3A_621 = arith.select %gt3A_533, %select_n3A_618, %broadcast_in_dim3A_620 : vector<16xi1>, vector<16xf32>
    %add3A_622 = arith.addf %add3A_524, %select_n3A_621 : vector<16xf32>
    %jit3A_623 = arith.constant 1.000000e+00 : f32
    %jit3A_624 = arith.constant 0.000000e+00 : f32
    %broadcast_in_dim3A_625 = vector.broadcast %jit3A_623 : f32 to vector<16xf32>
    %broadcast_in_dim3A_626 = vector.broadcast %jit3A_624 : f32 to vector<16xf32>
    %select_n3A_627 = arith.select %gt3A_533, %broadcast_in_dim3A_625, %broadcast_in_dim3A_626 : vector<16xi1>, vector<16xf32>
    %add3A_628 = arith.addf %add3A_530, %select_n3A_627 : vector<16xf32>
    %gt3A_629 = arith.constant 0.000000e+00 : f32
    %gt3A_630 = vector.broadcast %gt3A_629 : f32 to vector<16xf32>
    %gt3A_631 = arith.cmpf ogt, %scan3A_340#3, %gt3A_630 : vector<16xf32>
    %div3A_632 = arith.divf %scan3A_340#3, %scan3A_340#7 : vector<16xf32>
    %sub3A_633 = arith.constant 1.000000e+00 : f32
    %sub3A_634 = vector.broadcast %sub3A_633 : f32 to vector<16xf32>
    %sub3A_635 = arith.subf %sub3A_634, %div3A_632 : vector<16xf32>
    %max3A_636 = arith.constant 9.99999997E-7 : f32
    %max3A_637 = vector.broadcast %max3A_636 : f32 to vector<16xf32>
    %max3A_638 = arith.maximumf %sub3A_635, %max3A_637 : vector<16xf32>
    %gt3A_639 = arith.constant 0.899999976 : f32
    %gt3A_640 = vector.broadcast %gt3A_639 : f32 to vector<16xf32>
    %gt3A_641 = arith.cmpf ogt, %div3A_632, %gt3A_640 : vector<16xf32>
    %sub3A_642 = arith.constant 0.899999976 : f32
    %sub3A_643 = vector.broadcast %sub3A_642 : f32 to vector<16xf32>
    %sub3A_644 = arith.subf %div3A_632, %sub3A_643 : vector<16xf32>
    %mul3A_645 = arith.constant 1.000000e+01 : f32
    %mul3A_646 = vector.broadcast %mul3A_645 : f32 to vector<16xf32>
    %mul3A_647 = arith.mulf %sub3A_644, %mul3A_646 : vector<16xf32>
    %add3A_648 = arith.constant 2.30258512 : f32
    %add3A_649 = vector.broadcast %add3A_648 : f32 to vector<16xf32>
    %add3A_650 = arith.addf %mul3A_647, %add3A_649 : vector<16xf32>
    %bitcast3A_651 = vector.bitcast %max3A_638 : vector<16xf32> to vector<16xi32>
    %shift_right_logical3A_652 = arith.constant 23 : i32
    %shift_right_logical3A_653 = vector.broadcast %shift_right_logical3A_652 : i32 to vector<16xi32>
    %shift_right_logical3A_654 = arith.shrui %bitcast3A_651, %shift_right_logical3A_653 : vector<16xi32>
    %sub3A_655 = arith.constant 127 : i32
    %sub3A_656 = vector.broadcast %sub3A_655 : i32 to vector<16xi32>
    %sub3A_657 = arith.subi %shift_right_logical3A_654, %sub3A_656 : vector<16xi32>
    %and3A_658 = arith.constant 8388607 : i32
    %and3A_659 = vector.broadcast %and3A_658 : i32 to vector<16xi32>
    %and3A_660 = arith.andi %bitcast3A_651, %and3A_659 : vector<16xi32>
    %or3A_661 = arith.constant 1065353216 : i32
    %or3A_662 = vector.broadcast %or3A_661 : i32 to vector<16xi32>
    %or3A_663 = arith.ori %and3A_660, %or3A_662 : vector<16xi32>
    %bitcast3A_664 = vector.bitcast %or3A_663 : vector<16xi32> to vector<16xf32>
    %gt3A_665 = arith.constant 1.41421354 : f32
    %gt3A_666 = vector.broadcast %gt3A_665 : f32 to vector<16xf32>
    %gt3A_667 = arith.cmpf ogt, %bitcast3A_664, %gt3A_666 : vector<16xf32>
    %mul3A_668 = arith.constant 5.000000e-01 : f32
    %mul3A_669 = vector.broadcast %mul3A_668 : f32 to vector<16xf32>
    %mul3A_670 = arith.mulf %mul3A_669, %bitcast3A_664 : vector<16xf32>
    %select_n3A_671 = arith.select %gt3A_667, %mul3A_670, %bitcast3A_664 : vector<16xi1>, vector<16xf32>
    %jit3A_672 = arith.constant 1 : i32
    %jit3A_673 = arith.constant 0 : i32
    %broadcast_in_dim3A_674 = vector.broadcast %jit3A_672 : i32 to vector<16xi32>
    %broadcast_in_dim3A_675 = vector.broadcast %jit3A_673 : i32 to vector<16xi32>
    %select_n3A_676 = arith.select %gt3A_667, %broadcast_in_dim3A_674, %broadcast_in_dim3A_675 : vector<16xi1>, vector<16xi32>
    %add3A_677 = arith.addi %sub3A_657, %select_n3A_676 : vector<16xi32>
    %convert_element_type3A_678 = arith.sitofp %add3A_677 : vector<16xi32> to vector<16xf32>
    %sub3A_679 = arith.constant 1.000000e+00 : f32
    %sub3A_680 = vector.broadcast %sub3A_679 : f32 to vector<16xf32>
    %sub3A_681 = arith.subf %select_n3A_671, %sub3A_680 : vector<16xf32>
    %add3A_682 = arith.constant 1.000000e+00 : f32
    %add3A_683 = vector.broadcast %add3A_682 : f32 to vector<16xf32>
    %add3A_684 = arith.addf %select_n3A_671, %add3A_683 : vector<16xf32>
    %div3A_685 = arith.divf %sub3A_681, %add3A_684 : vector<16xf32>
    %mul3A_686 = arith.mulf %div3A_685, %div3A_685 : vector<16xf32>
    %mul3A_687 = arith.constant 0.111111112 : f32
    %mul3A_688 = vector.broadcast %mul3A_687 : f32 to vector<16xf32>
    %mul3A_689 = arith.mulf %mul3A_686, %mul3A_688 : vector<16xf32>
    %add3A_690 = arith.constant 0.142857149 : f32
    %add3A_691 = vector.broadcast %add3A_690 : f32 to vector<16xf32>
    %add3A_692 = arith.addf %add3A_691, %mul3A_689 : vector<16xf32>
    %mul3A_693 = arith.mulf %mul3A_686, %add3A_692 : vector<16xf32>
    %add3A_694 = arith.constant 2.000000e-01 : f32
    %add3A_695 = vector.broadcast %add3A_694 : f32 to vector<16xf32>
    %add3A_696 = arith.addf %add3A_695, %mul3A_693 : vector<16xf32>
    %mul3A_697 = arith.mulf %mul3A_686, %add3A_696 : vector<16xf32>
    %add3A_698 = arith.constant 0.333333343 : f32
    %add3A_699 = vector.broadcast %add3A_698 : f32 to vector<16xf32>
    %add3A_700 = arith.addf %add3A_699, %mul3A_697 : vector<16xf32>
    %mul3A_701 = arith.mulf %mul3A_686, %add3A_700 : vector<16xf32>
    %add3A_702 = arith.constant 1.000000e+00 : f32
    %add3A_703 = vector.broadcast %add3A_702 : f32 to vector<16xf32>
    %add3A_704 = arith.addf %add3A_703, %mul3A_701 : vector<16xf32>
    %mul3A_705 = arith.constant 2.000000e+00 : f32
    %mul3A_706 = vector.broadcast %mul3A_705 : f32 to vector<16xf32>
    %mul3A_707 = arith.mulf %mul3A_706, %div3A_685 : vector<16xf32>
    %mul3A_708 = arith.mulf %mul3A_707, %add3A_704 : vector<16xf32>
    %mul3A_709 = arith.constant 0.693147182 : f32
    %mul3A_710 = vector.broadcast %mul3A_709 : f32 to vector<16xf32>
    %mul3A_711 = arith.mulf %convert_element_type3A_678, %mul3A_710 : vector<16xf32>
    %add3A_712 = arith.addf %mul3A_708, %mul3A_711 : vector<16xf32>
    %neg3A_713 = arith.constant 0.000000e+00 : f32
    %neg3A_714 = vector.broadcast %neg3A_713 : f32 to vector<16xf32>
    %neg3A_715 = arith.subf %neg3A_714, %add3A_712 : vector<16xf32>
    %select_n3A_716 = arith.select %gt3A_641, %add3A_650, %neg3A_715 : vector<16xi1>, vector<16xf32>
    %jit3A_717 = arith.constant 0.000000e+00 : f32
    %broadcast_in_dim3A_718 = vector.broadcast %jit3A_717 : f32 to vector<16xf32>
    %select_n3A_719 = arith.select %gt3A_631, %select_n3A_716, %broadcast_in_dim3A_718 : vector<16xi1>, vector<16xf32>
    %add3A_720 = arith.addf %add3A_622, %select_n3A_719 : vector<16xf32>
    %jit3A_721 = arith.constant 1.000000e+00 : f32
    %jit3A_722 = arith.constant 0.000000e+00 : f32
    %broadcast_in_dim3A_723 = vector.broadcast %jit3A_721 : f32 to vector<16xf32>
    %broadcast_in_dim3A_724 = vector.broadcast %jit3A_722 : f32 to vector<16xf32>
    %select_n3A_725 = arith.select %gt3A_631, %broadcast_in_dim3A_723, %broadcast_in_dim3A_724 : vector<16xi1>, vector<16xf32>
    %add3A_726 = arith.addf %add3A_628, %select_n3A_725 : vector<16xf32>
    %mul3A_727 = arith.constant 128 : i32
    %mul3A_728 = arith.muli %select_n3A_28, %mul3A_727 : i32
    %add3A_729 = arith.constant 64 : i32
    %add3A_730 = arith.addi %mul3A_728, %add3A_729 : i32
    %get3A_731 = arith.constant 0 : i32
    %get3A_732 = arith.index_cast %get3A_731 : i32 to index
    %get3A_733 = arith.index_cast %add3A_730 : i32 to index
    %get3A_734 = tpu.vector_load %arg8[%get3A_732, %get3A_733] {strides = array<i32>} : memref<4x512xf32, #tpu.memory_space<vmem>>, vector<16xf32>,
    %get3A_735 = arith.constant 1 : i32
    %get3A_736 = arith.index_cast %get3A_735 : i32 to index
    %get3A_737 = arith.index_cast %add3A_730 : i32 to index
    %get3A_738 = tpu.vector_load %arg8[%get3A_736, %get3A_737] {strides = array<i32>} : memref<4x512xf32, #tpu.memory_space<vmem>>, vector<16xf32>,
    %get3A_739 = arith.constant 2 : i32
    %get3A_740 = arith.index_cast %get3A_739 : i32 to index
    %get3A_741 = arith.index_cast %add3A_730 : i32 to index
    %get3A_742 = tpu.vector_load %arg8[%get3A_740, %get3A_741] {strides = array<i32>} : memref<4x512xf32, #tpu.memory_space<vmem>>, vector<16xf32>,
    %get3A_743 = arith.constant 3 : i32
    %get3A_744 = arith.index_cast %get3A_743 : i32 to index
    %get3A_745 = arith.index_cast %add3A_730 : i32 to index
    %get3A_746 = tpu.vector_load %arg8[%get3A_744, %get3A_745] {strides = array<i32>} : memref<4x512xf32, #tpu.memory_space<vmem>>, vector<16xf32>,
    %get3A_747 = arith.index_cast %add3A_730 : i32 to index
    %get3A_748 = tpu.vector_load %arg9[%get3A_747] {strides = array<i32>} : memref<512xi32, #tpu.memory_space<vmem>>, vector<16xi32>,
    %mul3A_749 = arith.constant 128 : i32
    %mul3A_750 = arith.muli %select_n3A_28, %mul3A_749 : i32
    %add3A_751 = arith.constant 80 : i32
    %add3A_752 = arith.addi %mul3A_750, %add3A_751 : i32
    %get3A_753 = arith.constant 0 : i32
    %get3A_754 = arith.index_cast %get3A_753 : i32 to index
    %get3A_755 = arith.index_cast %add3A_752 : i32 to index
    %get3A_756 = tpu.vector_load %arg8[%get3A_754, %get3A_755] {strides = array<i32>} : memref<4x512xf32, #tpu.memory_space<vmem>>, vector<16xf32>,
    %get3A_757 = arith.constant 1 : i32
    %get3A_758 = arith.index_cast %get3A_757 : i32 to index
    %get3A_759 = arith.index_cast %add3A_752 : i32 to index
    %get3A_760 = tpu.vector_load %arg8[%get3A_758, %get3A_759] {strides = array<i32>} : memref<4x512xf32, #tpu.memory_space<vmem>>, vector<16xf32>,
    %get3A_761 = arith.constant 2 : i32
    %get3A_762 = arith.index_cast %get3A_761 : i32 to index
    %get3A_763 = arith.index_cast %add3A_752 : i32 to index
    %get3A_764 = tpu.vector_load %arg8[%get3A_762, %get3A_763] {strides = array<i32>} : memref<4x512xf32, #tpu.memory_space<vmem>>, vector<16xf32>,
    %get3A_765 = arith.constant 3 : i32
    %get3A_766 = arith.index_cast %get3A_765 : i32 to index
    %get3A_767 = arith.index_cast %add3A_752 : i32 to index
    %get3A_768 = tpu.vector_load %arg8[%get3A_766, %get3A_767] {strides = array<i32>} : memref<4x512xf32, #tpu.memory_space<vmem>>, vector<16xf32>,
    %get3A_769 = arith.index_cast %add3A_752 : i32 to index
    %get3A_770 = tpu.vector_load %arg9[%get3A_769] {strides = array<i32>} : memref<512xi32, #tpu.memory_space<vmem>>, vector<16xi32>,
    %mul3A_771 = arith.constant 128 : i32
    %mul3A_772 = arith.muli %select_n3A_28, %mul3A_771 : i32
    %add3A_773 = arith.constant 96 : i32
    %add3A_774 = arith.addi %mul3A_772, %add3A_773 : i32
    %get3A_775 = arith.constant 0 : i32
    %get3A_776 = arith.index_cast %get3A_775 : i32 to index
    %get3A_777 = arith.index_cast %add3A_774 : i32 to index
    %get3A_778 = tpu.vector_load %arg8[%get3A_776, %get3A_777] {strides = array<i32>} : memref<4x512xf32, #tpu.memory_space<vmem>>, vector<16xf32>,
    %get3A_779 = arith.constant 1 : i32
    %get3A_780 = arith.index_cast %get3A_779 : i32 to index
    %get3A_781 = arith.index_cast %add3A_774 : i32 to index
    %get3A_782 = tpu.vector_load %arg8[%get3A_780, %get3A_781] {strides = array<i32>} : memref<4x512xf32, #tpu.memory_space<vmem>>, vector<16xf32>,
    %get3A_783 = arith.constant 2 : i32
    %get3A_784 = arith.index_cast %get3A_783 : i32 to index
    %get3A_785 = arith.index_cast %add3A_774 : i32 to index
    %get3A_786 = tpu.vector_load %arg8[%get3A_784, %get3A_785] {strides = array<i32>} : memref<4x512xf32, #tpu.memory_space<vmem>>, vector<16xf32>,
    %get3A_787 = arith.constant 3 : i32
    %get3A_788 = arith.index_cast %get3A_787 : i32 to index
    %get3A_789 = arith.index_cast %add3A_774 : i32 to index
    %get3A_790 = tpu.vector_load %arg8[%get3A_788, %get3A_789] {strides = array<i32>} : memref<4x512xf32, #tpu.memory_space<vmem>>, vector<16xf32>,
    %get3A_791 = arith.index_cast %add3A_774 : i32 to index
    %get3A_792 = tpu.vector_load %arg9[%get3A_791] {strides = array<i32>} : memref<512xi32, #tpu.memory_space<vmem>>, vector<16xi32>,
    %mul3A_793 = arith.constant 128 : i32
    %mul3A_794 = arith.muli %select_n3A_28, %mul3A_793 : i32
    %add3A_795 = arith.constant 112 : i32
    %add3A_796 = arith.addi %mul3A_794, %add3A_795 : i32
    %get3A_797 = arith.constant 0 : i32
    %get3A_798 = arith.index_cast %get3A_797 : i32 to index
    %get3A_799 = arith.index_cast %add3A_796 : i32 to index
    %get3A_800 = tpu.vector_load %arg8[%get3A_798, %get3A_799] {strides = array<i32>} : memref<4x512xf32, #tpu.memory_space<vmem>>, vector<16xf32>,
    %get3A_801 = arith.constant 1 : i32
    %get3A_802 = arith.index_cast %get3A_801 : i32 to index
    %get3A_803 = arith.index_cast %add3A_796 : i32 to index
    %get3A_804 = tpu.vector_load %arg8[%get3A_802, %get3A_803] {strides = array<i32>} : memref<4x512xf32, #tpu.memory_space<vmem>>, vector<16xf32>,
    %get3A_805 = arith.constant 2 : i32
    %get3A_806 = arith.index_cast %get3A_805 : i32 to index
    %get3A_807 = arith.index_cast %add3A_796 : i32 to index
    %get3A_808 = tpu.vector_load %arg8[%get3A_806, %get3A_807] {strides = array<i32>} : memref<4x512xf32, #tpu.memory_space<vmem>>, vector<16xf32>,
    %get3A_809 = arith.constant 3 : i32
    %get3A_810 = arith.index_cast %get3A_809 : i32 to index
    %get3A_811 = arith.index_cast %add3A_796 : i32 to index
    %get3A_812 = tpu.vector_load %arg8[%get3A_810, %get3A_811] {strides = array<i32>} : memref<4x512xf32, #tpu.memory_space<vmem>>, vector<16xf32>,
    %get3A_813 = arith.index_cast %add3A_796 : i32 to index
    %get3A_814 = tpu.vector_load %arg9[%get3A_813] {strides = array<i32>} : memref<512xi32, #tpu.memory_space<vmem>>, vector<16xi32>,
    %scan3A_815 = arith.constant 0 : i32
    %scan3A_816 = arith.constant 64 : i32
    %scan3A_817 = arith.addi %scan3A_815, %scan3A_816 : i32
    %scan3A_818 = arith.constant 1 : i32
    %scan3A_819:8 = scf.for %scan3A_1639 = %scan3A_815 to %scan3A_817 step %scan3A_818 iter_args(%scan3A_1640 = %broadcast_in_dim3A_156, %scan3A_1641 = %broadcast_in_dim3A_156, %scan3A_1642 = %broadcast_in_dim3A_156, %scan3A_1643 = %broadcast_in_dim3A_156, %scan3A_1644 = %broadcast_in_dim3A_158, %scan3A_1645 = %broadcast_in_dim3A_158, %scan3A_1646 = %broadcast_in_dim3A_158, %scan3A_1647 = %broadcast_in_dim3A_158) -> (vector<16xf32>, vector<16xf32>, vector<16xf32>, vector<16xf32>, vector<16xf32>, vector<16xf32>, vector<16xf32>, vector<16xf32>)  : i32 {
      %broadcast_in_dim3A_1648 = vector.broadcast %scan3A_1639 : i32 to vector<16xi32>
      %gather3A = tpu.vector_load_idx %arg10[%broadcast_in_dim3A_242, %broadcast_in_dim3A_1648] : memref<4x64xf32, #tpu.memory_space<vmem>>[vector<16xi32>, vector<16xi32>], vector<16xf32>,
      %gather3A_1649 = tpu.vector_load_idx %arg10[%broadcast_in_dim3A_244, %broadcast_in_dim3A_1648] : memref<4x64xf32, #tpu.memory_space<vmem>>[vector<16xi32>, vector<16xi32>], vector<16xf32>,
      %gather3A_1650 = tpu.vector_load_idx %arg10[%broadcast_in_dim3A_246, %broadcast_in_dim3A_1648] : memref<4x64xf32, #tpu.memory_space<vmem>>[vector<16xi32>, vector<16xi32>], vector<16xf32>,
      %gather3A_1651 = tpu.vector_load_idx %arg10[%broadcast_in_dim3A_248, %broadcast_in_dim3A_1648] : memref<4x64xf32, #tpu.memory_space<vmem>>[vector<16xi32>, vector<16xi32>], vector<16xf32>,
      %gather3A_1652 = tpu.vector_load_idx %arg11[%broadcast_in_dim3A_1648] : memref<64xf32, #tpu.memory_space<vmem>>[vector<16xi32>], vector<16xf32>,
      %min3A_1653 = arith.minimumf %get3A_742, %gather3A_1650 : vector<16xf32>
      %max3A_1654 = arith.maximumf %get3A_734, %gather3A : vector<16xf32>
      %sub3A_1655 = arith.subf %min3A_1653, %max3A_1654 : vector<16xf32>
      %max3A_1656 = arith.constant 0.000000e+00 : f32
      %max3A_1657 = vector.broadcast %max3A_1656 : f32 to vector<16xf32>
      %max3A_1658 = arith.maximumf %sub3A_1655, %max3A_1657 : vector<16xf32>
      %min3A_1659 = arith.minimumf %get3A_746, %gather3A_1651 : vector<16xf32>
      %max3A_1660 = arith.maximumf %get3A_738, %gather3A_1649 : vector<16xf32>
      %sub3A_1661 = arith.subf %min3A_1659, %max3A_1660 : vector<16xf32>
      %max3A_1662 = arith.constant 0.000000e+00 : f32
      %max3A_1663 = vector.broadcast %max3A_1662 : f32 to vector<16xf32>
      %max3A_1664 = arith.maximumf %sub3A_1661, %max3A_1663 : vector<16xf32>
      %eq3A_1665 = arith.cmpi eq, %get3A_748, %broadcast_in_dim3A_1648 : vector<16xi32>
      %mul3A_1666 = arith.mulf %max3A_1658, %max3A_1664 : vector<16xf32>
      %jit3A_1667 = arith.constant 0.000000e+00 : f32
      %broadcast_in_dim3A_1668 = vector.broadcast %jit3A_1667 : f32 to vector<16xf32>
      %select_n3A_1669 = arith.select %eq3A_1665, %broadcast_in_dim3A_1668, %mul3A_1666 : vector<16xi1>, vector<16xf32>
      %gt3A_1670 = arith.cmpf ogt, %select_n3A_1669, %scan3A_1640 : vector<16xf32>
      %select_n3A_1671 = arith.select %gt3A_1670, %select_n3A_1669, %scan3A_1640 : vector<16xi1>, vector<16xf32>
      %select_n3A_1672 = arith.select %gt3A_1670, %gather3A_1652, %scan3A_1644 : vector<16xi1>, vector<16xf32>
      %min3A_1673 = arith.minimumf %get3A_764, %gather3A_1650 : vector<16xf32>
      %max3A_1674 = arith.maximumf %get3A_756, %gather3A : vector<16xf32>
      %sub3A_1675 = arith.subf %min3A_1673, %max3A_1674 : vector<16xf32>
      %max3A_1676 = arith.constant 0.000000e+00 : f32
      %max3A_1677 = vector.broadcast %max3A_1676 : f32 to vector<16xf32>
      %max3A_1678 = arith.maximumf %sub3A_1675, %max3A_1677 : vector<16xf32>
      %min3A_1679 = arith.minimumf %get3A_768, %gather3A_1651 : vector<16xf32>
      %max3A_1680 = arith.maximumf %get3A_760, %gather3A_1649 : vector<16xf32>
      %sub3A_1681 = arith.subf %min3A_1679, %max3A_1680 : vector<16xf32>
      %max3A_1682 = arith.constant 0.000000e+00 : f32
      %max3A_1683 = vector.broadcast %max3A_1682 : f32 to vector<16xf32>
      %max3A_1684 = arith.maximumf %sub3A_1681, %max3A_1683 : vector<16xf32>
      %eq3A_1685 = arith.cmpi eq, %get3A_770, %broadcast_in_dim3A_1648 : vector<16xi32>
      %mul3A_1686 = arith.mulf %max3A_1678, %max3A_1684 : vector<16xf32>
      %jit3A_1687 = arith.constant 0.000000e+00 : f32
      %broadcast_in_dim3A_1688 = vector.broadcast %jit3A_1687 : f32 to vector<16xf32>
      %select_n3A_1689 = arith.select %eq3A_1685, %broadcast_in_dim3A_1688, %mul3A_1686 : vector<16xi1>, vector<16xf32>
      %gt3A_1690 = arith.cmpf ogt, %select_n3A_1689, %scan3A_1641 : vector<16xf32>
      %select_n3A_1691 = arith.select %gt3A_1690, %select_n3A_1689, %scan3A_1641 : vector<16xi1>, vector<16xf32>
      %select_n3A_1692 = arith.select %gt3A_1690, %gather3A_1652, %scan3A_1645 : vector<16xi1>, vector<16xf32>
      %min3A_1693 = arith.minimumf %get3A_786, %gather3A_1650 : vector<16xf32>
      %max3A_1694 = arith.maximumf %get3A_778, %gather3A : vector<16xf32>
      %sub3A_1695 = arith.subf %min3A_1693, %max3A_1694 : vector<16xf32>
      %max3A_1696 = arith.constant 0.000000e+00 : f32
      %max3A_1697 = vector.broadcast %max3A_1696 : f32 to vector<16xf32>
      %max3A_1698 = arith.maximumf %sub3A_1695, %max3A_1697 : vector<16xf32>
      %min3A_1699 = arith.minimumf %get3A_790, %gather3A_1651 : vector<16xf32>
      %max3A_1700 = arith.maximumf %get3A_782, %gather3A_1649 : vector<16xf32>
      %sub3A_1701 = arith.subf %min3A_1699, %max3A_1700 : vector<16xf32>
      %max3A_1702 = arith.constant 0.000000e+00 : f32
      %max3A_1703 = vector.broadcast %max3A_1702 : f32 to vector<16xf32>
      %max3A_1704 = arith.maximumf %sub3A_1701, %max3A_1703 : vector<16xf32>
      %eq3A_1705 = arith.cmpi eq, %get3A_792, %broadcast_in_dim3A_1648 : vector<16xi32>
      %mul3A_1706 = arith.mulf %max3A_1698, %max3A_1704 : vector<16xf32>
      %jit3A_1707 = arith.constant 0.000000e+00 : f32
      %broadcast_in_dim3A_1708 = vector.broadcast %jit3A_1707 : f32 to vector<16xf32>
      %select_n3A_1709 = arith.select %eq3A_1705, %broadcast_in_dim3A_1708, %mul3A_1706 : vector<16xi1>, vector<16xf32>
      %gt3A_1710 = arith.cmpf ogt, %select_n3A_1709, %scan3A_1642 : vector<16xf32>
      %select_n3A_1711 = arith.select %gt3A_1710, %select_n3A_1709, %scan3A_1642 : vector<16xi1>, vector<16xf32>
      %select_n3A_1712 = arith.select %gt3A_1710, %gather3A_1652, %scan3A_1646 : vector<16xi1>, vector<16xf32>
      %min3A_1713 = arith.minimumf %get3A_808, %gather3A_1650 : vector<16xf32>
      %max3A_1714 = arith.maximumf %get3A_800, %gather3A : vector<16xf32>
      %sub3A_1715 = arith.subf %min3A_1713, %max3A_1714 : vector<16xf32>
      %max3A_1716 = arith.constant 0.000000e+00 : f32
      %max3A_1717 = vector.broadcast %max3A_1716 : f32 to vector<16xf32>
      %max3A_1718 = arith.maximumf %sub3A_1715, %max3A_1717 : vector<16xf32>
      %min3A_1719 = arith.minimumf %get3A_812, %gather3A_1651 : vector<16xf32>
      %max3A_1720 = arith.maximumf %get3A_804, %gather3A_1649 : vector<16xf32>
      %sub3A_1721 = arith.subf %min3A_1719, %max3A_1720 : vector<16xf32>
      %max3A_1722 = arith.constant 0.000000e+00 : f32
      %max3A_1723 = vector.broadcast %max3A_1722 : f32 to vector<16xf32>
      %max3A_1724 = arith.maximumf %sub3A_1721, %max3A_1723 : vector<16xf32>
      %eq3A_1725 = arith.cmpi eq, %get3A_814, %broadcast_in_dim3A_1648 : vector<16xi32>
      %mul3A_1726 = arith.mulf %max3A_1718, %max3A_1724 : vector<16xf32>
      %jit3A_1727 = arith.constant 0.000000e+00 : f32
      %broadcast_in_dim3A_1728 = vector.broadcast %jit3A_1727 : f32 to vector<16xf32>
      %select_n3A_1729 = arith.select %eq3A_1725, %broadcast_in_dim3A_1728, %mul3A_1726 : vector<16xi1>, vector<16xf32>
      %gt3A_1730 = arith.cmpf ogt, %select_n3A_1729, %scan3A_1643 : vector<16xf32>
      %select_n3A_1731 = arith.select %gt3A_1730, %select_n3A_1729, %scan3A_1643 : vector<16xi1>, vector<16xf32>
      %select_n3A_1732 = arith.select %gt3A_1730, %gather3A_1652, %scan3A_1647 : vector<16xi1>, vector<16xf32>
      scf.yield %select_n3A_1671, %select_n3A_1691, %select_n3A_1711, %select_n3A_1731, %select_n3A_1672, %select_n3A_1692, %select_n3A_1712, %select_n3A_1732 : vector<16xf32>, vector<16xf32>, vector<16xf32>, vector<16xf32>, vector<16xf32>, vector<16xf32>, vector<16xf32>, vector<16xf32>
    }
    %scan3A_820 = arith.constant 64 : i32
    %gt3A_821 = arith.constant 0.000000e+00 : f32
    %gt3A_822 = vector.broadcast %gt3A_821 : f32 to vector<16xf32>
    %gt3A_823 = arith.cmpf ogt, %scan3A_819#0, %gt3A_822 : vector<16xf32>
    %div3A_824 = arith.divf %scan3A_819#0, %scan3A_819#4 : vector<16xf32>
    %sub3A_825 = arith.constant 1.000000e+00 : f32
    %sub3A_826 = vector.broadcast %sub3A_825 : f32 to vector<16xf32>
    %sub3A_827 = arith.subf %sub3A_826, %div3A_824 : vector<16xf32>
    %max3A_828 = arith.constant 9.99999997E-7 : f32
    %max3A_829 = vector.broadcast %max3A_828 : f32 to vector<16xf32>
    %max3A_830 = arith.maximumf %sub3A_827, %max3A_829 : vector<16xf32>
    %gt3A_831 = arith.constant 0.899999976 : f32
    %gt3A_832 = vector.broadcast %gt3A_831 : f32 to vector<16xf32>
    %gt3A_833 = arith.cmpf ogt, %div3A_824, %gt3A_832 : vector<16xf32>
    %sub3A_834 = arith.constant 0.899999976 : f32
    %sub3A_835 = vector.broadcast %sub3A_834 : f32 to vector<16xf32>
    %sub3A_836 = arith.subf %div3A_824, %sub3A_835 : vector<16xf32>
    %mul3A_837 = arith.constant 1.000000e+01 : f32
    %mul3A_838 = vector.broadcast %mul3A_837 : f32 to vector<16xf32>
    %mul3A_839 = arith.mulf %sub3A_836, %mul3A_838 : vector<16xf32>
    %add3A_840 = arith.constant 2.30258512 : f32
    %add3A_841 = vector.broadcast %add3A_840 : f32 to vector<16xf32>
    %add3A_842 = arith.addf %mul3A_839, %add3A_841 : vector<16xf32>
    %bitcast3A_843 = vector.bitcast %max3A_830 : vector<16xf32> to vector<16xi32>
    %shift_right_logical3A_844 = arith.constant 23 : i32
    %shift_right_logical3A_845 = vector.broadcast %shift_right_logical3A_844 : i32 to vector<16xi32>
    %shift_right_logical3A_846 = arith.shrui %bitcast3A_843, %shift_right_logical3A_845 : vector<16xi32>
    %sub3A_847 = arith.constant 127 : i32
    %sub3A_848 = vector.broadcast %sub3A_847 : i32 to vector<16xi32>
    %sub3A_849 = arith.subi %shift_right_logical3A_846, %sub3A_848 : vector<16xi32>
    %and3A_850 = arith.constant 8388607 : i32
    %and3A_851 = vector.broadcast %and3A_850 : i32 to vector<16xi32>
    %and3A_852 = arith.andi %bitcast3A_843, %and3A_851 : vector<16xi32>
    %or3A_853 = arith.constant 1065353216 : i32
    %or3A_854 = vector.broadcast %or3A_853 : i32 to vector<16xi32>
    %or3A_855 = arith.ori %and3A_852, %or3A_854 : vector<16xi32>
    %bitcast3A_856 = vector.bitcast %or3A_855 : vector<16xi32> to vector<16xf32>
    %gt3A_857 = arith.constant 1.41421354 : f32
    %gt3A_858 = vector.broadcast %gt3A_857 : f32 to vector<16xf32>
    %gt3A_859 = arith.cmpf ogt, %bitcast3A_856, %gt3A_858 : vector<16xf32>
    %mul3A_860 = arith.constant 5.000000e-01 : f32
    %mul3A_861 = vector.broadcast %mul3A_860 : f32 to vector<16xf32>
    %mul3A_862 = arith.mulf %mul3A_861, %bitcast3A_856 : vector<16xf32>
    %select_n3A_863 = arith.select %gt3A_859, %mul3A_862, %bitcast3A_856 : vector<16xi1>, vector<16xf32>
    %jit3A_864 = arith.constant 1 : i32
    %jit3A_865 = arith.constant 0 : i32
    %broadcast_in_dim3A_866 = vector.broadcast %jit3A_864 : i32 to vector<16xi32>
    %broadcast_in_dim3A_867 = vector.broadcast %jit3A_865 : i32 to vector<16xi32>
    %select_n3A_868 = arith.select %gt3A_859, %broadcast_in_dim3A_866, %broadcast_in_dim3A_867 : vector<16xi1>, vector<16xi32>
    %add3A_869 = arith.addi %sub3A_849, %select_n3A_868 : vector<16xi32>
    %convert_element_type3A_870 = arith.sitofp %add3A_869 : vector<16xi32> to vector<16xf32>
    %sub3A_871 = arith.constant 1.000000e+00 : f32
    %sub3A_872 = vector.broadcast %sub3A_871 : f32 to vector<16xf32>
    %sub3A_873 = arith.subf %select_n3A_863, %sub3A_872 : vector<16xf32>
    %add3A_874 = arith.constant 1.000000e+00 : f32
    %add3A_875 = vector.broadcast %add3A_874 : f32 to vector<16xf32>
    %add3A_876 = arith.addf %select_n3A_863, %add3A_875 : vector<16xf32>
    %div3A_877 = arith.divf %sub3A_873, %add3A_876 : vector<16xf32>
    %mul3A_878 = arith.mulf %div3A_877, %div3A_877 : vector<16xf32>
    %mul3A_879 = arith.constant 0.111111112 : f32
    %mul3A_880 = vector.broadcast %mul3A_879 : f32 to vector<16xf32>
    %mul3A_881 = arith.mulf %mul3A_878, %mul3A_880 : vector<16xf32>
    %add3A_882 = arith.constant 0.142857149 : f32
    %add3A_883 = vector.broadcast %add3A_882 : f32 to vector<16xf32>
    %add3A_884 = arith.addf %add3A_883, %mul3A_881 : vector<16xf32>
    %mul3A_885 = arith.mulf %mul3A_878, %add3A_884 : vector<16xf32>
    %add3A_886 = arith.constant 2.000000e-01 : f32
    %add3A_887 = vector.broadcast %add3A_886 : f32 to vector<16xf32>
    %add3A_888 = arith.addf %add3A_887, %mul3A_885 : vector<16xf32>
    %mul3A_889 = arith.mulf %mul3A_878, %add3A_888 : vector<16xf32>
    %add3A_890 = arith.constant 0.333333343 : f32
    %add3A_891 = vector.broadcast %add3A_890 : f32 to vector<16xf32>
    %add3A_892 = arith.addf %add3A_891, %mul3A_889 : vector<16xf32>
    %mul3A_893 = arith.mulf %mul3A_878, %add3A_892 : vector<16xf32>
    %add3A_894 = arith.constant 1.000000e+00 : f32
    %add3A_895 = vector.broadcast %add3A_894 : f32 to vector<16xf32>
    %add3A_896 = arith.addf %add3A_895, %mul3A_893 : vector<16xf32>
    %mul3A_897 = arith.constant 2.000000e+00 : f32
    %mul3A_898 = vector.broadcast %mul3A_897 : f32 to vector<16xf32>
    %mul3A_899 = arith.mulf %mul3A_898, %div3A_877 : vector<16xf32>
    %mul3A_900 = arith.mulf %mul3A_899, %add3A_896 : vector<16xf32>
    %mul3A_901 = arith.constant 0.693147182 : f32
    %mul3A_902 = vector.broadcast %mul3A_901 : f32 to vector<16xf32>
    %mul3A_903 = arith.mulf %convert_element_type3A_870, %mul3A_902 : vector<16xf32>
    %add3A_904 = arith.addf %mul3A_900, %mul3A_903 : vector<16xf32>
    %neg3A_905 = arith.constant 0.000000e+00 : f32
    %neg3A_906 = vector.broadcast %neg3A_905 : f32 to vector<16xf32>
    %neg3A_907 = arith.subf %neg3A_906, %add3A_904 : vector<16xf32>
    %select_n3A_908 = arith.select %gt3A_833, %add3A_842, %neg3A_907 : vector<16xi1>, vector<16xf32>
    %jit3A_909 = arith.constant 0.000000e+00 : f32
    %broadcast_in_dim3A_910 = vector.broadcast %jit3A_909 : f32 to vector<16xf32>
    %select_n3A_911 = arith.select %gt3A_823, %select_n3A_908, %broadcast_in_dim3A_910 : vector<16xi1>, vector<16xf32>
    %add3A_912 = arith.addf %add3A_720, %select_n3A_911 : vector<16xf32>
    %jit3A_913 = arith.constant 1.000000e+00 : f32
    %jit3A_914 = arith.constant 0.000000e+00 : f32
    %broadcast_in_dim3A_915 = vector.broadcast %jit3A_913 : f32 to vector<16xf32>
    %broadcast_in_dim3A_916 = vector.broadcast %jit3A_914 : f32 to vector<16xf32>
    %select_n3A_917 = arith.select %gt3A_823, %broadcast_in_dim3A_915, %broadcast_in_dim3A_916 : vector<16xi1>, vector<16xf32>
    %add3A_918 = arith.addf %add3A_726, %select_n3A_917 : vector<16xf32>
    %gt3A_919 = arith.constant 0.000000e+00 : f32
    %gt3A_920 = vector.broadcast %gt3A_919 : f32 to vector<16xf32>
    %gt3A_921 = arith.cmpf ogt, %scan3A_819#1, %gt3A_920 : vector<16xf32>
    %div3A_922 = arith.divf %scan3A_819#1, %scan3A_819#5 : vector<16xf32>
    %sub3A_923 = arith.constant 1.000000e+00 : f32
    %sub3A_924 = vector.broadcast %sub3A_923 : f32 to vector<16xf32>
    %sub3A_925 = arith.subf %sub3A_924, %div3A_922 : vector<16xf32>
    %max3A_926 = arith.constant 9.99999997E-7 : f32
    %max3A_927 = vector.broadcast %max3A_926 : f32 to vector<16xf32>
    %max3A_928 = arith.maximumf %sub3A_925, %max3A_927 : vector<16xf32>
    %gt3A_929 = arith.constant 0.899999976 : f32
    %gt3A_930 = vector.broadcast %gt3A_929 : f32 to vector<16xf32>
    %gt3A_931 = arith.cmpf ogt, %div3A_922, %gt3A_930 : vector<16xf32>
    %sub3A_932 = arith.constant 0.899999976 : f32
    %sub3A_933 = vector.broadcast %sub3A_932 : f32 to vector<16xf32>
    %sub3A_934 = arith.subf %div3A_922, %sub3A_933 : vector<16xf32>
    %mul3A_935 = arith.constant 1.000000e+01 : f32
    %mul3A_936 = vector.broadcast %mul3A_935 : f32 to vector<16xf32>
    %mul3A_937 = arith.mulf %sub3A_934, %mul3A_936 : vector<16xf32>
    %add3A_938 = arith.constant 2.30258512 : f32
    %add3A_939 = vector.broadcast %add3A_938 : f32 to vector<16xf32>
    %add3A_940 = arith.addf %mul3A_937, %add3A_939 : vector<16xf32>
    %bitcast3A_941 = vector.bitcast %max3A_928 : vector<16xf32> to vector<16xi32>
    %shift_right_logical3A_942 = arith.constant 23 : i32
    %shift_right_logical3A_943 = vector.broadcast %shift_right_logical3A_942 : i32 to vector<16xi32>
    %shift_right_logical3A_944 = arith.shrui %bitcast3A_941, %shift_right_logical3A_943 : vector<16xi32>
    %sub3A_945 = arith.constant 127 : i32
    %sub3A_946 = vector.broadcast %sub3A_945 : i32 to vector<16xi32>
    %sub3A_947 = arith.subi %shift_right_logical3A_944, %sub3A_946 : vector<16xi32>
    %and3A_948 = arith.constant 8388607 : i32
    %and3A_949 = vector.broadcast %and3A_948 : i32 to vector<16xi32>
    %and3A_950 = arith.andi %bitcast3A_941, %and3A_949 : vector<16xi32>
    %or3A_951 = arith.constant 1065353216 : i32
    %or3A_952 = vector.broadcast %or3A_951 : i32 to vector<16xi32>
    %or3A_953 = arith.ori %and3A_950, %or3A_952 : vector<16xi32>
    %bitcast3A_954 = vector.bitcast %or3A_953 : vector<16xi32> to vector<16xf32>
    %gt3A_955 = arith.constant 1.41421354 : f32
    %gt3A_956 = vector.broadcast %gt3A_955 : f32 to vector<16xf32>
    %gt3A_957 = arith.cmpf ogt, %bitcast3A_954, %gt3A_956 : vector<16xf32>
    %mul3A_958 = arith.constant 5.000000e-01 : f32
    %mul3A_959 = vector.broadcast %mul3A_958 : f32 to vector<16xf32>
    %mul3A_960 = arith.mulf %mul3A_959, %bitcast3A_954 : vector<16xf32>
    %select_n3A_961 = arith.select %gt3A_957, %mul3A_960, %bitcast3A_954 : vector<16xi1>, vector<16xf32>
    %jit3A_962 = arith.constant 1 : i32
    %jit3A_963 = arith.constant 0 : i32
    %broadcast_in_dim3A_964 = vector.broadcast %jit3A_962 : i32 to vector<16xi32>
    %broadcast_in_dim3A_965 = vector.broadcast %jit3A_963 : i32 to vector<16xi32>
    %select_n3A_966 = arith.select %gt3A_957, %broadcast_in_dim3A_964, %broadcast_in_dim3A_965 : vector<16xi1>, vector<16xi32>
    %add3A_967 = arith.addi %sub3A_947, %select_n3A_966 : vector<16xi32>
    %convert_element_type3A_968 = arith.sitofp %add3A_967 : vector<16xi32> to vector<16xf32>
    %sub3A_969 = arith.constant 1.000000e+00 : f32
    %sub3A_970 = vector.broadcast %sub3A_969 : f32 to vector<16xf32>
    %sub3A_971 = arith.subf %select_n3A_961, %sub3A_970 : vector<16xf32>
    %add3A_972 = arith.constant 1.000000e+00 : f32
    %add3A_973 = vector.broadcast %add3A_972 : f32 to vector<16xf32>
    %add3A_974 = arith.addf %select_n3A_961, %add3A_973 : vector<16xf32>
    %div3A_975 = arith.divf %sub3A_971, %add3A_974 : vector<16xf32>
    %mul3A_976 = arith.mulf %div3A_975, %div3A_975 : vector<16xf32>
    %mul3A_977 = arith.constant 0.111111112 : f32
    %mul3A_978 = vector.broadcast %mul3A_977 : f32 to vector<16xf32>
    %mul3A_979 = arith.mulf %mul3A_976, %mul3A_978 : vector<16xf32>
    %add3A_980 = arith.constant 0.142857149 : f32
    %add3A_981 = vector.broadcast %add3A_980 : f32 to vector<16xf32>
    %add3A_982 = arith.addf %add3A_981, %mul3A_979 : vector<16xf32>
    %mul3A_983 = arith.mulf %mul3A_976, %add3A_982 : vector<16xf32>
    %add3A_984 = arith.constant 2.000000e-01 : f32
    %add3A_985 = vector.broadcast %add3A_984 : f32 to vector<16xf32>
    %add3A_986 = arith.addf %add3A_985, %mul3A_983 : vector<16xf32>
    %mul3A_987 = arith.mulf %mul3A_976, %add3A_986 : vector<16xf32>
    %add3A_988 = arith.constant 0.333333343 : f32
    %add3A_989 = vector.broadcast %add3A_988 : f32 to vector<16xf32>
    %add3A_990 = arith.addf %add3A_989, %mul3A_987 : vector<16xf32>
    %mul3A_991 = arith.mulf %mul3A_976, %add3A_990 : vector<16xf32>
    %add3A_992 = arith.constant 1.000000e+00 : f32
    %add3A_993 = vector.broadcast %add3A_992 : f32 to vector<16xf32>
    %add3A_994 = arith.addf %add3A_993, %mul3A_991 : vector<16xf32>
    %mul3A_995 = arith.constant 2.000000e+00 : f32
    %mul3A_996 = vector.broadcast %mul3A_995 : f32 to vector<16xf32>
    %mul3A_997 = arith.mulf %mul3A_996, %div3A_975 : vector<16xf32>
    %mul3A_998 = arith.mulf %mul3A_997, %add3A_994 : vector<16xf32>
    %mul3A_999 = arith.constant 0.693147182 : f32
    %mul3A_1000 = vector.broadcast %mul3A_999 : f32 to vector<16xf32>
    %mul3A_1001 = arith.mulf %convert_element_type3A_968, %mul3A_1000 : vector<16xf32>
    %add3A_1002 = arith.addf %mul3A_998, %mul3A_1001 : vector<16xf32>
    %neg3A_1003 = arith.constant 0.000000e+00 : f32
    %neg3A_1004 = vector.broadcast %neg3A_1003 : f32 to vector<16xf32>
    %neg3A_1005 = arith.subf %neg3A_1004, %add3A_1002 : vector<16xf32>
    %select_n3A_1006 = arith.select %gt3A_931, %add3A_940, %neg3A_1005 : vector<16xi1>, vector<16xf32>
    %jit3A_1007 = arith.constant 0.000000e+00 : f32
    %broadcast_in_dim3A_1008 = vector.broadcast %jit3A_1007 : f32 to vector<16xf32>
    %select_n3A_1009 = arith.select %gt3A_921, %select_n3A_1006, %broadcast_in_dim3A_1008 : vector<16xi1>, vector<16xf32>
    %add3A_1010 = arith.addf %add3A_912, %select_n3A_1009 : vector<16xf32>
    %jit3A_1011 = arith.constant 1.000000e+00 : f32
    %jit3A_1012 = arith.constant 0.000000e+00 : f32
    %broadcast_in_dim3A_1013 = vector.broadcast %jit3A_1011 : f32 to vector<16xf32>
    %broadcast_in_dim3A_1014 = vector.broadcast %jit3A_1012 : f32 to vector<16xf32>
    %select_n3A_1015 = arith.select %gt3A_921, %broadcast_in_dim3A_1013, %broadcast_in_dim3A_1014 : vector<16xi1>, vector<16xf32>
    %add3A_1016 = arith.addf %add3A_918, %select_n3A_1015 : vector<16xf32>
    %gt3A_1017 = arith.constant 0.000000e+00 : f32
    %gt3A_1018 = vector.broadcast %gt3A_1017 : f32 to vector<16xf32>
    %gt3A_1019 = arith.cmpf ogt, %scan3A_819#2, %gt3A_1018 : vector<16xf32>
    %div3A_1020 = arith.divf %scan3A_819#2, %scan3A_819#6 : vector<16xf32>
    %sub3A_1021 = arith.constant 1.000000e+00 : f32
    %sub3A_1022 = vector.broadcast %sub3A_1021 : f32 to vector<16xf32>
    %sub3A_1023 = arith.subf %sub3A_1022, %div3A_1020 : vector<16xf32>
    %max3A_1024 = arith.constant 9.99999997E-7 : f32
    %max3A_1025 = vector.broadcast %max3A_1024 : f32 to vector<16xf32>
    %max3A_1026 = arith.maximumf %sub3A_1023, %max3A_1025 : vector<16xf32>
    %gt3A_1027 = arith.constant 0.899999976 : f32
    %gt3A_1028 = vector.broadcast %gt3A_1027 : f32 to vector<16xf32>
    %gt3A_1029 = arith.cmpf ogt, %div3A_1020, %gt3A_1028 : vector<16xf32>
    %sub3A_1030 = arith.constant 0.899999976 : f32
    %sub3A_1031 = vector.broadcast %sub3A_1030 : f32 to vector<16xf32>
    %sub3A_1032 = arith.subf %div3A_1020, %sub3A_1031 : vector<16xf32>
    %mul3A_1033 = arith.constant 1.000000e+01 : f32
    %mul3A_1034 = vector.broadcast %mul3A_1033 : f32 to vector<16xf32>
    %mul3A_1035 = arith.mulf %sub3A_1032, %mul3A_1034 : vector<16xf32>
    %add3A_1036 = arith.constant 2.30258512 : f32
    %add3A_1037 = vector.broadcast %add3A_1036 : f32 to vector<16xf32>
    %add3A_1038 = arith.addf %mul3A_1035, %add3A_1037 : vector<16xf32>
    %bitcast3A_1039 = vector.bitcast %max3A_1026 : vector<16xf32> to vector<16xi32>
    %shift_right_logical3A_1040 = arith.constant 23 : i32
    %shift_right_logical3A_1041 = vector.broadcast %shift_right_logical3A_1040 : i32 to vector<16xi32>
    %shift_right_logical3A_1042 = arith.shrui %bitcast3A_1039, %shift_right_logical3A_1041 : vector<16xi32>
    %sub3A_1043 = arith.constant 127 : i32
    %sub3A_1044 = vector.broadcast %sub3A_1043 : i32 to vector<16xi32>
    %sub3A_1045 = arith.subi %shift_right_logical3A_1042, %sub3A_1044 : vector<16xi32>
    %and3A_1046 = arith.constant 8388607 : i32
    %and3A_1047 = vector.broadcast %and3A_1046 : i32 to vector<16xi32>
    %and3A_1048 = arith.andi %bitcast3A_1039, %and3A_1047 : vector<16xi32>
    %or3A_1049 = arith.constant 1065353216 : i32
    %or3A_1050 = vector.broadcast %or3A_1049 : i32 to vector<16xi32>
    %or3A_1051 = arith.ori %and3A_1048, %or3A_1050 : vector<16xi32>
    %bitcast3A_1052 = vector.bitcast %or3A_1051 : vector<16xi32> to vector<16xf32>
    %gt3A_1053 = arith.constant 1.41421354 : f32
    %gt3A_1054 = vector.broadcast %gt3A_1053 : f32 to vector<16xf32>
    %gt3A_1055 = arith.cmpf ogt, %bitcast3A_1052, %gt3A_1054 : vector<16xf32>
    %mul3A_1056 = arith.constant 5.000000e-01 : f32
    %mul3A_1057 = vector.broadcast %mul3A_1056 : f32 to vector<16xf32>
    %mul3A_1058 = arith.mulf %mul3A_1057, %bitcast3A_1052 : vector<16xf32>
    %select_n3A_1059 = arith.select %gt3A_1055, %mul3A_1058, %bitcast3A_1052 : vector<16xi1>, vector<16xf32>
    %jit3A_1060 = arith.constant 1 : i32
    %jit3A_1061 = arith.constant 0 : i32
    %broadcast_in_dim3A_1062 = vector.broadcast %jit3A_1060 : i32 to vector<16xi32>
    %broadcast_in_dim3A_1063 = vector.broadcast %jit3A_1061 : i32 to vector<16xi32>
    %select_n3A_1064 = arith.select %gt3A_1055, %broadcast_in_dim3A_1062, %broadcast_in_dim3A_1063 : vector<16xi1>, vector<16xi32>
    %add3A_1065 = arith.addi %sub3A_1045, %select_n3A_1064 : vector<16xi32>
    %convert_element_type3A_1066 = arith.sitofp %add3A_1065 : vector<16xi32> to vector<16xf32>
    %sub3A_1067 = arith.constant 1.000000e+00 : f32
    %sub3A_1068 = vector.broadcast %sub3A_1067 : f32 to vector<16xf32>
    %sub3A_1069 = arith.subf %select_n3A_1059, %sub3A_1068 : vector<16xf32>
    %add3A_1070 = arith.constant 1.000000e+00 : f32
    %add3A_1071 = vector.broadcast %add3A_1070 : f32 to vector<16xf32>
    %add3A_1072 = arith.addf %select_n3A_1059, %add3A_1071 : vector<16xf32>
    %div3A_1073 = arith.divf %sub3A_1069, %add3A_1072 : vector<16xf32>
    %mul3A_1074 = arith.mulf %div3A_1073, %div3A_1073 : vector<16xf32>
    %mul3A_1075 = arith.constant 0.111111112 : f32
    %mul3A_1076 = vector.broadcast %mul3A_1075 : f32 to vector<16xf32>
    %mul3A_1077 = arith.mulf %mul3A_1074, %mul3A_1076 : vector<16xf32>
    %add3A_1078 = arith.constant 0.142857149 : f32
    %add3A_1079 = vector.broadcast %add3A_1078 : f32 to vector<16xf32>
    %add3A_1080 = arith.addf %add3A_1079, %mul3A_1077 : vector<16xf32>
    %mul3A_1081 = arith.mulf %mul3A_1074, %add3A_1080 : vector<16xf32>
    %add3A_1082 = arith.constant 2.000000e-01 : f32
    %add3A_1083 = vector.broadcast %add3A_1082 : f32 to vector<16xf32>
    %add3A_1084 = arith.addf %add3A_1083, %mul3A_1081 : vector<16xf32>
    %mul3A_1085 = arith.mulf %mul3A_1074, %add3A_1084 : vector<16xf32>
    %add3A_1086 = arith.constant 0.333333343 : f32
    %add3A_1087 = vector.broadcast %add3A_1086 : f32 to vector<16xf32>
    %add3A_1088 = arith.addf %add3A_1087, %mul3A_1085 : vector<16xf32>
    %mul3A_1089 = arith.mulf %mul3A_1074, %add3A_1088 : vector<16xf32>
    %add3A_1090 = arith.constant 1.000000e+00 : f32
    %add3A_1091 = vector.broadcast %add3A_1090 : f32 to vector<16xf32>
    %add3A_1092 = arith.addf %add3A_1091, %mul3A_1089 : vector<16xf32>
    %mul3A_1093 = arith.constant 2.000000e+00 : f32
    %mul3A_1094 = vector.broadcast %mul3A_1093 : f32 to vector<16xf32>
    %mul3A_1095 = arith.mulf %mul3A_1094, %div3A_1073 : vector<16xf32>
    %mul3A_1096 = arith.mulf %mul3A_1095, %add3A_1092 : vector<16xf32>
    %mul3A_1097 = arith.constant 0.693147182 : f32
    %mul3A_1098 = vector.broadcast %mul3A_1097 : f32 to vector<16xf32>
    %mul3A_1099 = arith.mulf %convert_element_type3A_1066, %mul3A_1098 : vector<16xf32>
    %add3A_1100 = arith.addf %mul3A_1096, %mul3A_1099 : vector<16xf32>
    %neg3A_1101 = arith.constant 0.000000e+00 : f32
    %neg3A_1102 = vector.broadcast %neg3A_1101 : f32 to vector<16xf32>
    %neg3A_1103 = arith.subf %neg3A_1102, %add3A_1100 : vector<16xf32>
    %select_n3A_1104 = arith.select %gt3A_1029, %add3A_1038, %neg3A_1103 : vector<16xi1>, vector<16xf32>
    %jit3A_1105 = arith.constant 0.000000e+00 : f32
    %broadcast_in_dim3A_1106 = vector.broadcast %jit3A_1105 : f32 to vector<16xf32>
    %select_n3A_1107 = arith.select %gt3A_1019, %select_n3A_1104, %broadcast_in_dim3A_1106 : vector<16xi1>, vector<16xf32>
    %add3A_1108 = arith.addf %add3A_1010, %select_n3A_1107 : vector<16xf32>
    %jit3A_1109 = arith.constant 1.000000e+00 : f32
    %jit3A_1110 = arith.constant 0.000000e+00 : f32
    %broadcast_in_dim3A_1111 = vector.broadcast %jit3A_1109 : f32 to vector<16xf32>
    %broadcast_in_dim3A_1112 = vector.broadcast %jit3A_1110 : f32 to vector<16xf32>
    %select_n3A_1113 = arith.select %gt3A_1019, %broadcast_in_dim3A_1111, %broadcast_in_dim3A_1112 : vector<16xi1>, vector<16xf32>
    %add3A_1114 = arith.addf %add3A_1016, %select_n3A_1113 : vector<16xf32>
    %gt3A_1115 = arith.constant 0.000000e+00 : f32
    %gt3A_1116 = vector.broadcast %gt3A_1115 : f32 to vector<16xf32>
    %gt3A_1117 = arith.cmpf ogt, %scan3A_819#3, %gt3A_1116 : vector<16xf32>
    %div3A_1118 = arith.divf %scan3A_819#3, %scan3A_819#7 : vector<16xf32>
    %sub3A_1119 = arith.constant 1.000000e+00 : f32
    %sub3A_1120 = vector.broadcast %sub3A_1119 : f32 to vector<16xf32>
    %sub3A_1121 = arith.subf %sub3A_1120, %div3A_1118 : vector<16xf32>
    %max3A_1122 = arith.constant 9.99999997E-7 : f32
    %max3A_1123 = vector.broadcast %max3A_1122 : f32 to vector<16xf32>
    %max3A_1124 = arith.maximumf %sub3A_1121, %max3A_1123 : vector<16xf32>
    %gt3A_1125 = arith.constant 0.899999976 : f32
    %gt3A_1126 = vector.broadcast %gt3A_1125 : f32 to vector<16xf32>
    %gt3A_1127 = arith.cmpf ogt, %div3A_1118, %gt3A_1126 : vector<16xf32>
    %sub3A_1128 = arith.constant 0.899999976 : f32
    %sub3A_1129 = vector.broadcast %sub3A_1128 : f32 to vector<16xf32>
    %sub3A_1130 = arith.subf %div3A_1118, %sub3A_1129 : vector<16xf32>
    %mul3A_1131 = arith.constant 1.000000e+01 : f32
    %mul3A_1132 = vector.broadcast %mul3A_1131 : f32 to vector<16xf32>
    %mul3A_1133 = arith.mulf %sub3A_1130, %mul3A_1132 : vector<16xf32>
    %add3A_1134 = arith.constant 2.30258512 : f32
    %add3A_1135 = vector.broadcast %add3A_1134 : f32 to vector<16xf32>
    %add3A_1136 = arith.addf %mul3A_1133, %add3A_1135 : vector<16xf32>
    %bitcast3A_1137 = vector.bitcast %max3A_1124 : vector<16xf32> to vector<16xi32>
    %shift_right_logical3A_1138 = arith.constant 23 : i32
    %shift_right_logical3A_1139 = vector.broadcast %shift_right_logical3A_1138 : i32 to vector<16xi32>
    %shift_right_logical3A_1140 = arith.shrui %bitcast3A_1137, %shift_right_logical3A_1139 : vector<16xi32>
    %sub3A_1141 = arith.constant 127 : i32
    %sub3A_1142 = vector.broadcast %sub3A_1141 : i32 to vector<16xi32>
    %sub3A_1143 = arith.subi %shift_right_logical3A_1140, %sub3A_1142 : vector<16xi32>
    %and3A_1144 = arith.constant 8388607 : i32
    %and3A_1145 = vector.broadcast %and3A_1144 : i32 to vector<16xi32>
    %and3A_1146 = arith.andi %bitcast3A_1137, %and3A_1145 : vector<16xi32>
    %or3A_1147 = arith.constant 1065353216 : i32
    %or3A_1148 = vector.broadcast %or3A_1147 : i32 to vector<16xi32>
    %or3A_1149 = arith.ori %and3A_1146, %or3A_1148 : vector<16xi32>
    %bitcast3A_1150 = vector.bitcast %or3A_1149 : vector<16xi32> to vector<16xf32>
    %gt3A_1151 = arith.constant 1.41421354 : f32
    %gt3A_1152 = vector.broadcast %gt3A_1151 : f32 to vector<16xf32>
    %gt3A_1153 = arith.cmpf ogt, %bitcast3A_1150, %gt3A_1152 : vector<16xf32>
    %mul3A_1154 = arith.constant 5.000000e-01 : f32
    %mul3A_1155 = vector.broadcast %mul3A_1154 : f32 to vector<16xf32>
    %mul3A_1156 = arith.mulf %mul3A_1155, %bitcast3A_1150 : vector<16xf32>
    %select_n3A_1157 = arith.select %gt3A_1153, %mul3A_1156, %bitcast3A_1150 : vector<16xi1>, vector<16xf32>
    %jit3A_1158 = arith.constant 1 : i32
    %jit3A_1159 = arith.constant 0 : i32
    %broadcast_in_dim3A_1160 = vector.broadcast %jit3A_1158 : i32 to vector<16xi32>
    %broadcast_in_dim3A_1161 = vector.broadcast %jit3A_1159 : i32 to vector<16xi32>
    %select_n3A_1162 = arith.select %gt3A_1153, %broadcast_in_dim3A_1160, %broadcast_in_dim3A_1161 : vector<16xi1>, vector<16xi32>
    %add3A_1163 = arith.addi %sub3A_1143, %select_n3A_1162 : vector<16xi32>
    %convert_element_type3A_1164 = arith.sitofp %add3A_1163 : vector<16xi32> to vector<16xf32>
    %sub3A_1165 = arith.constant 1.000000e+00 : f32
    %sub3A_1166 = vector.broadcast %sub3A_1165 : f32 to vector<16xf32>
    %sub3A_1167 = arith.subf %select_n3A_1157, %sub3A_1166 : vector<16xf32>
    %add3A_1168 = arith.constant 1.000000e+00 : f32
    %add3A_1169 = vector.broadcast %add3A_1168 : f32 to vector<16xf32>
    %add3A_1170 = arith.addf %select_n3A_1157, %add3A_1169 : vector<16xf32>
    %div3A_1171 = arith.divf %sub3A_1167, %add3A_1170 : vector<16xf32>
    %mul3A_1172 = arith.mulf %div3A_1171, %div3A_1171 : vector<16xf32>
    %mul3A_1173 = arith.constant 0.111111112 : f32
    %mul3A_1174 = vector.broadcast %mul3A_1173 : f32 to vector<16xf32>
    %mul3A_1175 = arith.mulf %mul3A_1172, %mul3A_1174 : vector<16xf32>
    %add3A_1176 = arith.constant 0.142857149 : f32
    %add3A_1177 = vector.broadcast %add3A_1176 : f32 to vector<16xf32>
    %add3A_1178 = arith.addf %add3A_1177, %mul3A_1175 : vector<16xf32>
    %mul3A_1179 = arith.mulf %mul3A_1172, %add3A_1178 : vector<16xf32>
    %add3A_1180 = arith.constant 2.000000e-01 : f32
    %add3A_1181 = vector.broadcast %add3A_1180 : f32 to vector<16xf32>
    %add3A_1182 = arith.addf %add3A_1181, %mul3A_1179 : vector<16xf32>
    %mul3A_1183 = arith.mulf %mul3A_1172, %add3A_1182 : vector<16xf32>
    %add3A_1184 = arith.constant 0.333333343 : f32
    %add3A_1185 = vector.broadcast %add3A_1184 : f32 to vector<16xf32>
    %add3A_1186 = arith.addf %add3A_1185, %mul3A_1183 : vector<16xf32>
    %mul3A_1187 = arith.mulf %mul3A_1172, %add3A_1186 : vector<16xf32>
    %add3A_1188 = arith.constant 1.000000e+00 : f32
    %add3A_1189 = vector.broadcast %add3A_1188 : f32 to vector<16xf32>
    %add3A_1190 = arith.addf %add3A_1189, %mul3A_1187 : vector<16xf32>
    %mul3A_1191 = arith.constant 2.000000e+00 : f32
    %mul3A_1192 = vector.broadcast %mul3A_1191 : f32 to vector<16xf32>
    %mul3A_1193 = arith.mulf %mul3A_1192, %div3A_1171 : vector<16xf32>
    %mul3A_1194 = arith.mulf %mul3A_1193, %add3A_1190 : vector<16xf32>
    %mul3A_1195 = arith.constant 0.693147182 : f32
    %mul3A_1196 = vector.broadcast %mul3A_1195 : f32 to vector<16xf32>
    %mul3A_1197 = arith.mulf %convert_element_type3A_1164, %mul3A_1196 : vector<16xf32>
    %add3A_1198 = arith.addf %mul3A_1194, %mul3A_1197 : vector<16xf32>
    %neg3A_1199 = arith.constant 0.000000e+00 : f32
    %neg3A_1200 = vector.broadcast %neg3A_1199 : f32 to vector<16xf32>
    %neg3A_1201 = arith.subf %neg3A_1200, %add3A_1198 : vector<16xf32>
    %select_n3A_1202 = arith.select %gt3A_1127, %add3A_1136, %neg3A_1201 : vector<16xi1>, vector<16xf32>
    %jit3A_1203 = arith.constant 0.000000e+00 : f32
    %broadcast_in_dim3A_1204 = vector.broadcast %jit3A_1203 : f32 to vector<16xf32>
    %select_n3A_1205 = arith.select %gt3A_1117, %select_n3A_1202, %broadcast_in_dim3A_1204 : vector<16xi1>, vector<16xf32>
    %add3A_1206 = arith.addf %add3A_1108, %select_n3A_1205 : vector<16xf32>
    %jit3A_1207 = arith.constant 1.000000e+00 : f32
    %jit3A_1208 = arith.constant 0.000000e+00 : f32
    %broadcast_in_dim3A_1209 = vector.broadcast %jit3A_1207 : f32 to vector<16xf32>
    %broadcast_in_dim3A_1210 = vector.broadcast %jit3A_1208 : f32 to vector<16xf32>
    %select_n3A_1211 = arith.select %gt3A_1117, %broadcast_in_dim3A_1209, %broadcast_in_dim3A_1210 : vector<16xi1>, vector<16xf32>
    %add3A_1212 = arith.addf %add3A_1114, %select_n3A_1211 : vector<16xf32>
    %reduce_sum3A = arith.constant true
    %reduce_sum3A_1213 = vector.broadcast %reduce_sum3A : i1 to vector<16xi1>
    %reduce_sum3A_1214 = tpu.scan <sum>, %add3A_1206 masked %reduce_sum3A_1213 : vector<16xf32>, vector<16xi1> -> vector<16xf32>
    %reduce_sum3A_1215 = vector.extract %reduce_sum3A_1214[15] : f32 from vector<16xf32>
    %reduce_sum3A_1216 = arith.constant true
    %reduce_sum3A_1217 = vector.broadcast %reduce_sum3A_1216 : i1 to vector<16xi1>
    %reduce_sum3A_1218 = tpu.scan <sum>, %add3A_1212 masked %reduce_sum3A_1217 : vector<16xf32>, vector<16xi1> -> vector<16xf32>
    %reduce_sum3A_1219 = vector.extract %reduce_sum3A_1218[15] : f32 from vector<16xf32>
    %swap3A_1220 = arith.constant 0 : index
    %swap3A_1221 = tpu.vector_load %arg12[%swap3A_1220] {strides = array<i32>} : memref<320xf32, #tpu.memory_space<vmem>>, vector<16xf32>,
    tpu.vector_store %arg12[%swap3A_1220], %broadcast_in_dim3A_156 {strides = array<i32>} : memref<320xf32, #tpu.memory_space<vmem>>, vector<16xf32>,
    %swap3A_1222 = arith.constant 16 : index
    %swap3A_1223 = tpu.vector_load %arg12[%swap3A_1222] {strides = array<i32>} : memref<320xf32, #tpu.memory_space<vmem>>, vector<16xf32>,
    tpu.vector_store %arg12[%swap3A_1222], %broadcast_in_dim3A_156 {strides = array<i32>} : memref<320xf32, #tpu.memory_space<vmem>>, vector<16xf32>,
    %swap3A_1224 = arith.constant 32 : index
    %swap3A_1225 = tpu.vector_load %arg12[%swap3A_1224] {strides = array<i32>} : memref<320xf32, #tpu.memory_space<vmem>>, vector<16xf32>,
    tpu.vector_store %arg12[%swap3A_1224], %broadcast_in_dim3A_156 {strides = array<i32>} : memref<320xf32, #tpu.memory_space<vmem>>, vector<16xf32>,
    %swap3A_1226 = arith.constant 48 : index
    %swap3A_1227 = tpu.vector_load %arg12[%swap3A_1226] {strides = array<i32>} : memref<320xf32, #tpu.memory_space<vmem>>, vector<16xf32>,
    tpu.vector_store %arg12[%swap3A_1226], %broadcast_in_dim3A_156 {strides = array<i32>} : memref<320xf32, #tpu.memory_space<vmem>>, vector<16xf32>,
    %swap3A_1228 = arith.constant 64 : index
    %swap3A_1229 = tpu.vector_load %arg12[%swap3A_1228] {strides = array<i32>} : memref<320xf32, #tpu.memory_space<vmem>>, vector<16xf32>,
    tpu.vector_store %arg12[%swap3A_1228], %broadcast_in_dim3A_156 {strides = array<i32>} : memref<320xf32, #tpu.memory_space<vmem>>, vector<16xf32>,
    %swap3A_1230 = arith.constant 80 : index
    %swap3A_1231 = tpu.vector_load %arg12[%swap3A_1230] {strides = array<i32>} : memref<320xf32, #tpu.memory_space<vmem>>, vector<16xf32>,
    tpu.vector_store %arg12[%swap3A_1230], %broadcast_in_dim3A_156 {strides = array<i32>} : memref<320xf32, #tpu.memory_space<vmem>>, vector<16xf32>,
    %swap3A_1232 = arith.constant 96 : index
    %swap3A_1233 = tpu.vector_load %arg12[%swap3A_1232] {strides = array<i32>} : memref<320xf32, #tpu.memory_space<vmem>>, vector<16xf32>,
    tpu.vector_store %arg12[%swap3A_1232], %broadcast_in_dim3A_156 {strides = array<i32>} : memref<320xf32, #tpu.memory_space<vmem>>, vector<16xf32>,
    %swap3A_1234 = arith.constant 112 : index
    %swap3A_1235 = tpu.vector_load %arg12[%swap3A_1234] {strides = array<i32>} : memref<320xf32, #tpu.memory_space<vmem>>, vector<16xf32>,
    tpu.vector_store %arg12[%swap3A_1234], %broadcast_in_dim3A_156 {strides = array<i32>} : memref<320xf32, #tpu.memory_space<vmem>>, vector<16xf32>,
    %swap3A_1236 = arith.constant 128 : index
    %swap3A_1237 = tpu.vector_load %arg12[%swap3A_1236] {strides = array<i32>} : memref<320xf32, #tpu.memory_space<vmem>>, vector<16xf32>,
    tpu.vector_store %arg12[%swap3A_1236], %broadcast_in_dim3A_156 {strides = array<i32>} : memref<320xf32, #tpu.memory_space<vmem>>, vector<16xf32>,
    %swap3A_1238 = arith.constant 144 : index
    %swap3A_1239 = tpu.vector_load %arg12[%swap3A_1238] {strides = array<i32>} : memref<320xf32, #tpu.memory_space<vmem>>, vector<16xf32>,
    tpu.vector_store %arg12[%swap3A_1238], %broadcast_in_dim3A_156 {strides = array<i32>} : memref<320xf32, #tpu.memory_space<vmem>>, vector<16xf32>,
    %swap3A_1240 = arith.constant 160 : index
    %swap3A_1241 = tpu.vector_load %arg12[%swap3A_1240] {strides = array<i32>} : memref<320xf32, #tpu.memory_space<vmem>>, vector<16xf32>,
    tpu.vector_store %arg12[%swap3A_1240], %broadcast_in_dim3A_156 {strides = array<i32>} : memref<320xf32, #tpu.memory_space<vmem>>, vector<16xf32>,
    %swap3A_1242 = arith.constant 176 : index
    %swap3A_1243 = tpu.vector_load %arg12[%swap3A_1242] {strides = array<i32>} : memref<320xf32, #tpu.memory_space<vmem>>, vector<16xf32>,
    tpu.vector_store %arg12[%swap3A_1242], %broadcast_in_dim3A_156 {strides = array<i32>} : memref<320xf32, #tpu.memory_space<vmem>>, vector<16xf32>,
    %swap3A_1244 = arith.constant 192 : index
    %swap3A_1245 = tpu.vector_load %arg12[%swap3A_1244] {strides = array<i32>} : memref<320xf32, #tpu.memory_space<vmem>>, vector<16xf32>,
    tpu.vector_store %arg12[%swap3A_1244], %broadcast_in_dim3A_156 {strides = array<i32>} : memref<320xf32, #tpu.memory_space<vmem>>, vector<16xf32>,
    %swap3A_1246 = arith.constant 208 : index
    %swap3A_1247 = tpu.vector_load %arg12[%swap3A_1246] {strides = array<i32>} : memref<320xf32, #tpu.memory_space<vmem>>, vector<16xf32>,
    tpu.vector_store %arg12[%swap3A_1246], %broadcast_in_dim3A_156 {strides = array<i32>} : memref<320xf32, #tpu.memory_space<vmem>>, vector<16xf32>,
    %swap3A_1248 = arith.constant 224 : index
    %swap3A_1249 = tpu.vector_load %arg12[%swap3A_1248] {strides = array<i32>} : memref<320xf32, #tpu.memory_space<vmem>>, vector<16xf32>,
    tpu.vector_store %arg12[%swap3A_1248], %broadcast_in_dim3A_156 {strides = array<i32>} : memref<320xf32, #tpu.memory_space<vmem>>, vector<16xf32>,
    %swap3A_1250 = arith.constant 240 : index
    %swap3A_1251 = tpu.vector_load %arg12[%swap3A_1250] {strides = array<i32>} : memref<320xf32, #tpu.memory_space<vmem>>, vector<16xf32>,
    tpu.vector_store %arg12[%swap3A_1250], %broadcast_in_dim3A_156 {strides = array<i32>} : memref<320xf32, #tpu.memory_space<vmem>>, vector<16xf32>,
    %swap3A_1252 = arith.constant 256 : index
    %swap3A_1253 = tpu.vector_load %arg12[%swap3A_1252] {strides = array<i32>} : memref<320xf32, #tpu.memory_space<vmem>>, vector<16xf32>,
    tpu.vector_store %arg12[%swap3A_1252], %broadcast_in_dim3A_156 {strides = array<i32>} : memref<320xf32, #tpu.memory_space<vmem>>, vector<16xf32>,
    %swap3A_1254 = arith.constant 272 : index
    %swap3A_1255 = tpu.vector_load %arg12[%swap3A_1254] {strides = array<i32>} : memref<320xf32, #tpu.memory_space<vmem>>, vector<16xf32>,
    tpu.vector_store %arg12[%swap3A_1254], %broadcast_in_dim3A_156 {strides = array<i32>} : memref<320xf32, #tpu.memory_space<vmem>>, vector<16xf32>,
    %swap3A_1256 = arith.constant 288 : index
    %swap3A_1257 = tpu.vector_load %arg12[%swap3A_1256] {strides = array<i32>} : memref<320xf32, #tpu.memory_space<vmem>>, vector<16xf32>,
    tpu.vector_store %arg12[%swap3A_1256], %broadcast_in_dim3A_156 {strides = array<i32>} : memref<320xf32, #tpu.memory_space<vmem>>, vector<16xf32>,
    %swap3A_1258 = arith.constant 304 : index
    %swap3A_1259 = tpu.vector_load %arg12[%swap3A_1258] {strides = array<i32>} : memref<320xf32, #tpu.memory_space<vmem>>, vector<16xf32>,
    tpu.vector_store %arg12[%swap3A_1258], %broadcast_in_dim3A_156 {strides = array<i32>} : memref<320xf32, #tpu.memory_space<vmem>>, vector<16xf32>,
    %scan3A_1260 = arith.constant 0 : i32
    %scan3A_1261 = arith.constant 0 : i32
    %scan3A_1262 = arith.constant 32 : i32
    %scan3A_1263 = arith.addi %scan3A_1261, %scan3A_1262 : i32
    %scan3A_1264 = arith.constant 1 : i32
    %scan3A_1265 = scf.for %scan3A_1639 = %scan3A_1261 to %scan3A_1263 step %scan3A_1264 iter_args(%scan3A_1640 = %scan3A_1260) -> (i32)  : i32 {
      %mul3A_1641 = arith.constant 16 : i32
      %mul3A_1642 = arith.muli %scan3A_1639, %mul3A_1641 : i32
      %get3A_1643 = arith.index_cast %mul3A_1642 : i32 to index
      %get3A_1644 = tpu.vector_load %arg9[%get3A_1643] {strides = array<i32>} : memref<512xi32, #tpu.memory_space<vmem>>, vector<16xi32>,
      tpu.vector_store_idx %arg12[%get3A_1644], %broadcast_in_dim3A_158 {add = true} : memref<320xf32, #tpu.memory_space<vmem>>[vector<16xi32>], vector<16xf32>,
      %add3A_1645 = arith.constant 64 : i32
      %add3A_1646 = vector.broadcast %add3A_1645 : i32 to vector<16xi32>
      %add3A_1647 = arith.addi %get3A_1644, %add3A_1646 : vector<16xi32>
      %get3A_1648 = arith.constant 0 : i32
      %get3A_1649 = arith.index_cast %get3A_1648 : i32 to index
      %get3A_1650 = arith.index_cast %mul3A_1642 : i32 to index
      %get3A_1651 = tpu.vector_load %arg8[%get3A_1649, %get3A_1650] {strides = array<i32>} : memref<4x512xf32, #tpu.memory_space<vmem>>, vector<16xf32>,
      tpu.vector_store_idx %arg12[%add3A_1647], %get3A_1651 {add = true} : memref<320xf32, #tpu.memory_space<vmem>>[vector<16xi32>], vector<16xf32>,
      %add3A_1652 = arith.constant 128 : i32
      %add3A_1653 = vector.broadcast %add3A_1652 : i32 to vector<16xi32>
      %add3A_1654 = arith.addi %get3A_1644, %add3A_1653 : vector<16xi32>
      %get3A_1655 = arith.constant 1 : i32
      %get3A_1656 = arith.index_cast %get3A_1655 : i32 to index
      %get3A_1657 = arith.index_cast %mul3A_1642 : i32 to index
      %get3A_1658 = tpu.vector_load %arg8[%get3A_1656, %get3A_1657] {strides = array<i32>} : memref<4x512xf32, #tpu.memory_space<vmem>>, vector<16xf32>,
      tpu.vector_store_idx %arg12[%add3A_1654], %get3A_1658 {add = true} : memref<320xf32, #tpu.memory_space<vmem>>[vector<16xi32>], vector<16xf32>,
      %add3A_1659 = arith.constant 192 : i32
      %add3A_1660 = vector.broadcast %add3A_1659 : i32 to vector<16xi32>
      %add3A_1661 = arith.addi %get3A_1644, %add3A_1660 : vector<16xi32>
      %get3A_1662 = arith.constant 2 : i32
      %get3A_1663 = arith.index_cast %get3A_1662 : i32 to index
      %get3A_1664 = arith.index_cast %mul3A_1642 : i32 to index
      %get3A_1665 = tpu.vector_load %arg8[%get3A_1663, %get3A_1664] {strides = array<i32>} : memref<4x512xf32, #tpu.memory_space<vmem>>, vector<16xf32>,
      tpu.vector_store_idx %arg12[%add3A_1661], %get3A_1665 {add = true} : memref<320xf32, #tpu.memory_space<vmem>>[vector<16xi32>], vector<16xf32>,
      %add3A_1666 = arith.constant 256 : i32
      %add3A_1667 = vector.broadcast %add3A_1666 : i32 to vector<16xi32>
      %add3A_1668 = arith.addi %get3A_1644, %add3A_1667 : vector<16xi32>
      %get3A_1669 = arith.constant 3 : i32
      %get3A_1670 = arith.index_cast %get3A_1669 : i32 to index
      %get3A_1671 = arith.index_cast %mul3A_1642 : i32 to index
      %get3A_1672 = tpu.vector_load %arg8[%get3A_1670, %get3A_1671] {strides = array<i32>} : memref<4x512xf32, #tpu.memory_space<vmem>>, vector<16xf32>,
      tpu.vector_store_idx %arg12[%add3A_1668], %get3A_1672 {add = true} : memref<320xf32, #tpu.memory_space<vmem>>[vector<16xi32>], vector<16xf32>,
      %scan3A_1673 = arith.constant 0 : i32
      scf.yield %scan3A_1673 : i32
    }
    %scan3A_1266 = arith.constant 32 : i32
    %mul3A_1267 = arith.constant 16 : i32
    %mul3A_1268 = arith.muli %select_n3A_28, %mul3A_1267 : i32
    %get3A_1269 = arith.index_cast %mul3A_1268 : i32 to index
    %get3A_1270 = tpu.vector_load %arg12[%get3A_1269] {strides = array<i32>} : memref<320xf32, #tpu.memory_space<vmem>>, vector<16xf32>,
    %add3A_1271 = arith.constant 64 : i32
    %add3A_1272 = arith.addi %add3A_1271, %mul3A_1268 : i32
    %get3A_1273 = arith.index_cast %add3A_1272 : i32 to index
    %get3A_1274 = tpu.vector_load %arg12[%get3A_1273] {strides = array<i32>} : memref<320xf32, #tpu.memory_space<vmem>>, vector<16xf32>,
    %add3A_1275 = arith.constant 128 : i32
    %add3A_1276 = arith.addi %add3A_1275, %mul3A_1268 : i32
    %get3A_1277 = arith.index_cast %add3A_1276 : i32 to index
    %get3A_1278 = tpu.vector_load %arg12[%get3A_1277] {strides = array<i32>} : memref<320xf32, #tpu.memory_space<vmem>>, vector<16xf32>,
    %add3A_1279 = arith.constant 192 : i32
    %add3A_1280 = arith.addi %add3A_1279, %mul3A_1268 : i32
    %get3A_1281 = arith.index_cast %add3A_1280 : i32 to index
    %get3A_1282 = tpu.vector_load %arg12[%get3A_1281] {strides = array<i32>} : memref<320xf32, #tpu.memory_space<vmem>>, vector<16xf32>,
    %add3A_1283 = arith.constant 256 : i32
    %add3A_1284 = arith.addi %add3A_1283, %mul3A_1268 : i32
    %get3A_1285 = arith.index_cast %add3A_1284 : i32 to index
    %get3A_1286 = tpu.vector_load %arg12[%get3A_1285] {strides = array<i32>} : memref<320xf32, #tpu.memory_space<vmem>>, vector<16xf32>,
    %max3A_1287 = arith.constant 1.000000e+00 : f32
    %max3A_1288 = vector.broadcast %max3A_1287 : f32 to vector<16xf32>
    %max3A_1289 = arith.maximumf %get3A_1270, %max3A_1288 : vector<16xf32>
    %get3A_1290 = arith.constant 0 : i32
    %get3A_1291 = arith.index_cast %get3A_1290 : i32 to index
    %get3A_1292 = arith.index_cast %mul3A_1268 : i32 to index
    %get3A_1293 = tpu.vector_load %arg10[%get3A_1291, %get3A_1292] {strides = array<i32>} : memref<4x64xf32, #tpu.memory_space<vmem>>, vector<16xf32>,
    %div3A_1294 = arith.divf %get3A_1274, %max3A_1289 : vector<16xf32>
    %sub3A_1295 = arith.subf %get3A_1293, %div3A_1294 : vector<16xf32>
    %abs3A = math.absf %sub3A_1295 : vector<16xf32>
    %lt3A_1296 = arith.constant 1.000000e+00 : f32
    %lt3A_1297 = vector.broadcast %lt3A_1296 : f32 to vector<16xf32>
    %lt3A_1298 = arith.cmpf olt, %abs3A, %lt3A_1297 : vector<16xf32>
    %mul3A_1299 = arith.constant 5.000000e-01 : f32
    %mul3A_1300 = vector.broadcast %mul3A_1299 : f32 to vector<16xf32>
    %mul3A_1301 = arith.mulf %mul3A_1300, %abs3A : vector<16xf32>
    %mul3A_1302 = arith.mulf %mul3A_1301, %abs3A : vector<16xf32>
    %sub3A_1303 = arith.constant 5.000000e-01 : f32
    %sub3A_1304 = vector.broadcast %sub3A_1303 : f32 to vector<16xf32>
    %sub3A_1305 = arith.subf %abs3A, %sub3A_1304 : vector<16xf32>
    %select_n3A_1306 = arith.select %lt3A_1298, %mul3A_1302, %sub3A_1305 : vector<16xi1>, vector<16xf32>
    %get3A_1307 = arith.constant 1 : i32
    %get3A_1308 = arith.index_cast %get3A_1307 : i32 to index
    %get3A_1309 = arith.index_cast %mul3A_1268 : i32 to index
    %get3A_1310 = tpu.vector_load %arg10[%get3A_1308, %get3A_1309] {strides = array<i32>} : memref<4x64xf32, #tpu.memory_space<vmem>>, vector<16xf32>,
    %div3A_1311 = arith.divf %get3A_1278, %max3A_1289 : vector<16xf32>
    %sub3A_1312 = arith.subf %get3A_1310, %div3A_1311 : vector<16xf32>
    %abs3A_1313 = math.absf %sub3A_1312 : vector<16xf32>
    %lt3A_1314 = arith.constant 1.000000e+00 : f32
    %lt3A_1315 = vector.broadcast %lt3A_1314 : f32 to vector<16xf32>
    %lt3A_1316 = arith.cmpf olt, %abs3A_1313, %lt3A_1315 : vector<16xf32>
    %mul3A_1317 = arith.constant 5.000000e-01 : f32
    %mul3A_1318 = vector.broadcast %mul3A_1317 : f32 to vector<16xf32>
    %mul3A_1319 = arith.mulf %mul3A_1318, %abs3A_1313 : vector<16xf32>
    %mul3A_1320 = arith.mulf %mul3A_1319, %abs3A_1313 : vector<16xf32>
    %sub3A_1321 = arith.constant 5.000000e-01 : f32
    %sub3A_1322 = vector.broadcast %sub3A_1321 : f32 to vector<16xf32>
    %sub3A_1323 = arith.subf %abs3A_1313, %sub3A_1322 : vector<16xf32>
    %select_n3A_1324 = arith.select %lt3A_1316, %mul3A_1320, %sub3A_1323 : vector<16xi1>, vector<16xf32>
    %add3A_1325 = arith.addf %select_n3A_1306, %select_n3A_1324 : vector<16xf32>
    %get3A_1326 = arith.constant 2 : i32
    %get3A_1327 = arith.index_cast %get3A_1326 : i32 to index
    %get3A_1328 = arith.index_cast %mul3A_1268 : i32 to index
    %get3A_1329 = tpu.vector_load %arg10[%get3A_1327, %get3A_1328] {strides = array<i32>} : memref<4x64xf32, #tpu.memory_space<vmem>>, vector<16xf32>,
    %div3A_1330 = arith.divf %get3A_1282, %max3A_1289 : vector<16xf32>
    %sub3A_1331 = arith.subf %get3A_1329, %div3A_1330 : vector<16xf32>
    %abs3A_1332 = math.absf %sub3A_1331 : vector<16xf32>
    %lt3A_1333 = arith.constant 1.000000e+00 : f32
    %lt3A_1334 = vector.broadcast %lt3A_1333 : f32 to vector<16xf32>
    %lt3A_1335 = arith.cmpf olt, %abs3A_1332, %lt3A_1334 : vector<16xf32>
    %mul3A_1336 = arith.constant 5.000000e-01 : f32
    %mul3A_1337 = vector.broadcast %mul3A_1336 : f32 to vector<16xf32>
    %mul3A_1338 = arith.mulf %mul3A_1337, %abs3A_1332 : vector<16xf32>
    %mul3A_1339 = arith.mulf %mul3A_1338, %abs3A_1332 : vector<16xf32>
    %sub3A_1340 = arith.constant 5.000000e-01 : f32
    %sub3A_1341 = vector.broadcast %sub3A_1340 : f32 to vector<16xf32>
    %sub3A_1342 = arith.subf %abs3A_1332, %sub3A_1341 : vector<16xf32>
    %select_n3A_1343 = arith.select %lt3A_1335, %mul3A_1339, %sub3A_1342 : vector<16xi1>, vector<16xf32>
    %add3A_1344 = arith.addf %add3A_1325, %select_n3A_1343 : vector<16xf32>
    %get3A_1345 = arith.constant 3 : i32
    %get3A_1346 = arith.index_cast %get3A_1345 : i32 to index
    %get3A_1347 = arith.index_cast %mul3A_1268 : i32 to index
    %get3A_1348 = tpu.vector_load %arg10[%get3A_1346, %get3A_1347] {strides = array<i32>} : memref<4x64xf32, #tpu.memory_space<vmem>>, vector<16xf32>,
    %div3A_1349 = arith.divf %get3A_1286, %max3A_1289 : vector<16xf32>
    %sub3A_1350 = arith.subf %get3A_1348, %div3A_1349 : vector<16xf32>
    %abs3A_1351 = math.absf %sub3A_1350 : vector<16xf32>
    %lt3A_1352 = arith.constant 1.000000e+00 : f32
    %lt3A_1353 = vector.broadcast %lt3A_1352 : f32 to vector<16xf32>
    %lt3A_1354 = arith.cmpf olt, %abs3A_1351, %lt3A_1353 : vector<16xf32>
    %mul3A_1355 = arith.constant 5.000000e-01 : f32
    %mul3A_1356 = vector.broadcast %mul3A_1355 : f32 to vector<16xf32>
    %mul3A_1357 = arith.mulf %mul3A_1356, %abs3A_1351 : vector<16xf32>
    %mul3A_1358 = arith.mulf %mul3A_1357, %abs3A_1351 : vector<16xf32>
    %sub3A_1359 = arith.constant 5.000000e-01 : f32
    %sub3A_1360 = vector.broadcast %sub3A_1359 : f32 to vector<16xf32>
    %sub3A_1361 = arith.subf %abs3A_1351, %sub3A_1360 : vector<16xf32>
    %select_n3A_1362 = arith.select %lt3A_1354, %mul3A_1358, %sub3A_1361 : vector<16xi1>, vector<16xf32>
    %add3A_1363 = arith.addf %add3A_1344, %select_n3A_1362 : vector<16xf32>
    %mul3A_1364 = arith.constant 2.500000e-01 : f32
    %mul3A_1365 = vector.broadcast %mul3A_1364 : f32 to vector<16xf32>
    %mul3A_1366 = arith.mulf %add3A_1363, %mul3A_1365 : vector<16xf32>
    %gt3A_1367 = arith.constant 1.000000e+00 : f32
    %gt3A_1368 = vector.broadcast %gt3A_1367 : f32 to vector<16xf32>
    %gt3A_1369 = arith.cmpf ogt, %get3A_1270, %gt3A_1368 : vector<16xf32>
    %jit3A_1370 = arith.constant 0.000000e+00 : f32
    %broadcast_in_dim3A_1371 = vector.broadcast %jit3A_1370 : f32 to vector<16xf32>
    %select_n3A_1372 = arith.select %gt3A_1369, %mul3A_1366, %broadcast_in_dim3A_1371 : vector<16xi1>, vector<16xf32>
    %reduce_sum3A_1373 = arith.constant true
    %reduce_sum3A_1374 = vector.broadcast %reduce_sum3A_1373 : i1 to vector<16xi1>
    %reduce_sum3A_1375 = tpu.scan <sum>, %select_n3A_1372 masked %reduce_sum3A_1374 : vector<16xf32>, vector<16xi1> -> vector<16xf32>
    %reduce_sum3A_1376 = vector.extract %reduce_sum3A_1375[15] : f32 from vector<16xf32>
    %jit3A_1377 = arith.constant 1.000000e+00 : f32
    %jit3A_1378 = arith.constant 0.000000e+00 : f32
    %broadcast_in_dim3A_1379 = vector.broadcast %jit3A_1377 : f32 to vector<16xf32>
    %broadcast_in_dim3A_1380 = vector.broadcast %jit3A_1378 : f32 to vector<16xf32>
    %select_n3A_1381 = arith.select %gt3A_1369, %broadcast_in_dim3A_1379, %broadcast_in_dim3A_1380 : vector<16xi1>, vector<16xf32>
    %reduce_sum3A_1382 = arith.constant true
    %reduce_sum3A_1383 = vector.broadcast %reduce_sum3A_1382 : i1 to vector<16xi1>
    %reduce_sum3A_1384 = tpu.scan <sum>, %select_n3A_1381 masked %reduce_sum3A_1383 : vector<16xf32>, vector<16xi1> -> vector<16xf32>
    %reduce_sum3A_1385 = vector.extract %reduce_sum3A_1384[15] : f32 from vector<16xf32>
    %dma_wait3A_1386 = arith.constant 0 : i32
    %dma_wait3A_1387 = arith.constant 0 : i32
    %dma_wait3A_1388 = tpu.memref_slice %arg7[%dma_wait3A_1386, %dma_wait3A_1387] : memref<8x1264xf32, #tpu.memory_space<vmem>> -> memref<1x1264xf32, #tpu.memory_space<vmem>>
    %dma_wait3A_1389 = tpu.memref_squeeze %dma_wait3A_1388 : memref<1x1264xf32, #tpu.memory_space<vmem>> -> memref<1264xf32, #tpu.memory_space<vmem>>
    %dma_wait3A_1390 = tpu.memref_slice %arg2[%add3A_31] : memref<161792xf32, #tpu.memory_space<hbm>> -> memref<1264xf32, #tpu.memory_space<hbm>>
    %dma_wait3A_1391 = arith.constant 0 : i32
    %dma_wait3A_1392 = tpu.memref_slice %arg7[%dma_wait3A_1386, %dma_wait3A_1391] : memref<8x1264xf32, #tpu.memory_space<vmem>> -> memref<1x1264xf32, #tpu.memory_space<vmem>>
    %dma_wait3A_1393 = tpu.memref_squeeze %dma_wait3A_1392 : memref<1x1264xf32, #tpu.memory_space<vmem>> -> memref<1264xf32, #tpu.memory_space<vmem>>
    %dma_wait3A_1394 = tpu.memref_slice %arg2[%add3A_31] : memref<161792xf32, #tpu.memory_space<hbm>> -> memref<1264xf32, #tpu.memory_space<hbm>>
    tpu.wait_dma2 semaphore(%arg17 : memref<!tpu.dma_semaphore, #tpu.memory_space<semaphore_mem>>) src(%dma_wait3A_1394 : memref<1264xf32, #tpu.memory_space<hbm>>) dst(%dma_wait3A_1393 : memref<1264xf32, #tpu.memory_space<vmem>>)
    %dma_wait3A_1395 = arith.constant 1 : i32
    %dma_wait3A_1396 = arith.constant 0 : i32
    %dma_wait3A_1397 = tpu.memref_slice %arg7[%dma_wait3A_1395, %dma_wait3A_1396] : memref<8x1264xf32, #tpu.memory_space<vmem>> -> memref<1x1264xf32, #tpu.memory_space<vmem>>
    %dma_wait3A_1398 = tpu.memref_squeeze %dma_wait3A_1397 : memref<1x1264xf32, #tpu.memory_space<vmem>> -> memref<1264xf32, #tpu.memory_space<vmem>>
    %dma_wait3A_1399 = tpu.memref_slice %arg2[%add3A_43] : memref<161792xf32, #tpu.memory_space<hbm>> -> memref<1264xf32, #tpu.memory_space<hbm>>
    %dma_wait3A_1400 = arith.constant 0 : i32
    %dma_wait3A_1401 = tpu.memref_slice %arg7[%dma_wait3A_1395, %dma_wait3A_1400] : memref<8x1264xf32, #tpu.memory_space<vmem>> -> memref<1x1264xf32, #tpu.memory_space<vmem>>
    %dma_wait3A_1402 = tpu.memref_squeeze %dma_wait3A_1401 : memref<1x1264xf32, #tpu.memory_space<vmem>> -> memref<1264xf32, #tpu.memory_space<vmem>>
    %dma_wait3A_1403 = tpu.memref_slice %arg2[%add3A_43] : memref<161792xf32, #tpu.memory_space<hbm>> -> memref<1264xf32, #tpu.memory_space<hbm>>
    tpu.wait_dma2 semaphore(%arg17 : memref<!tpu.dma_semaphore, #tpu.memory_space<semaphore_mem>>) src(%dma_wait3A_1403 : memref<1264xf32, #tpu.memory_space<hbm>>) dst(%dma_wait3A_1402 : memref<1264xf32, #tpu.memory_space<vmem>>)
    %dma_wait3A_1404 = arith.constant 2 : i32
    %dma_wait3A_1405 = arith.constant 0 : i32
    %dma_wait3A_1406 = tpu.memref_slice %arg7[%dma_wait3A_1404, %dma_wait3A_1405] : memref<8x1264xf32, #tpu.memory_space<vmem>> -> memref<1x1264xf32, #tpu.memory_space<vmem>>
    %dma_wait3A_1407 = tpu.memref_squeeze %dma_wait3A_1406 : memref<1x1264xf32, #tpu.memory_space<vmem>> -> memref<1264xf32, #tpu.memory_space<vmem>>
    %dma_wait3A_1408 = tpu.memref_slice %arg2[%add3A_56] : memref<161792xf32, #tpu.memory_space<hbm>> -> memref<1264xf32, #tpu.memory_space<hbm>>
    %dma_wait3A_1409 = arith.constant 0 : i32
    %dma_wait3A_1410 = tpu.memref_slice %arg7[%dma_wait3A_1404, %dma_wait3A_1409] : memref<8x1264xf32, #tpu.memory_space<vmem>> -> memref<1x1264xf32, #tpu.memory_space<vmem>>
    %dma_wait3A_1411 = tpu.memref_squeeze %dma_wait3A_1410 : memref<1x1264xf32, #tpu.memory_space<vmem>> -> memref<1264xf32, #tpu.memory_space<vmem>>
    %dma_wait3A_1412 = tpu.memref_slice %arg2[%add3A_56] : memref<161792xf32, #tpu.memory_space<hbm>> -> memref<1264xf32, #tpu.memory_space<hbm>>
    tpu.wait_dma2 semaphore(%arg17 : memref<!tpu.dma_semaphore, #tpu.memory_space<semaphore_mem>>) src(%dma_wait3A_1412 : memref<1264xf32, #tpu.memory_space<hbm>>) dst(%dma_wait3A_1411 : memref<1264xf32, #tpu.memory_space<vmem>>)
    %dma_wait3A_1413 = arith.constant 3 : i32
    %dma_wait3A_1414 = arith.constant 0 : i32
    %dma_wait3A_1415 = tpu.memref_slice %arg7[%dma_wait3A_1413, %dma_wait3A_1414] : memref<8x1264xf32, #tpu.memory_space<vmem>> -> memref<1x1264xf32, #tpu.memory_space<vmem>>
    %dma_wait3A_1416 = tpu.memref_squeeze %dma_wait3A_1415 : memref<1x1264xf32, #tpu.memory_space<vmem>> -> memref<1264xf32, #tpu.memory_space<vmem>>
    %dma_wait3A_1417 = tpu.memref_slice %arg2[%add3A_69] : memref<161792xf32, #tpu.memory_space<hbm>> -> memref<1264xf32, #tpu.memory_space<hbm>>
    %dma_wait3A_1418 = arith.constant 0 : i32
    %dma_wait3A_1419 = tpu.memref_slice %arg7[%dma_wait3A_1413, %dma_wait3A_1418] : memref<8x1264xf32, #tpu.memory_space<vmem>> -> memref<1x1264xf32, #tpu.memory_space<vmem>>
    %dma_wait3A_1420 = tpu.memref_squeeze %dma_wait3A_1419 : memref<1x1264xf32, #tpu.memory_space<vmem>> -> memref<1264xf32, #tpu.memory_space<vmem>>
    %dma_wait3A_1421 = tpu.memref_slice %arg2[%add3A_69] : memref<161792xf32, #tpu.memory_space<hbm>> -> memref<1264xf32, #tpu.memory_space<hbm>>
    tpu.wait_dma2 semaphore(%arg17 : memref<!tpu.dma_semaphore, #tpu.memory_space<semaphore_mem>>) src(%dma_wait3A_1421 : memref<1264xf32, #tpu.memory_space<hbm>>) dst(%dma_wait3A_1420 : memref<1264xf32, #tpu.memory_space<vmem>>)
    %dma_wait3A_1422 = arith.constant 4 : i32
    %dma_wait3A_1423 = arith.constant 0 : i32
    %dma_wait3A_1424 = tpu.memref_slice %arg7[%dma_wait3A_1422, %dma_wait3A_1423] : memref<8x1264xf32, #tpu.memory_space<vmem>> -> memref<1x1264xf32, #tpu.memory_space<vmem>>
    %dma_wait3A_1425 = tpu.memref_squeeze %dma_wait3A_1424 : memref<1x1264xf32, #tpu.memory_space<vmem>> -> memref<1264xf32, #tpu.memory_space<vmem>>
    %dma_wait3A_1426 = tpu.memref_slice %arg2[%add3A_82] : memref<161792xf32, #tpu.memory_space<hbm>> -> memref<1264xf32, #tpu.memory_space<hbm>>
    %dma_wait3A_1427 = arith.constant 0 : i32
    %dma_wait3A_1428 = tpu.memref_slice %arg7[%dma_wait3A_1422, %dma_wait3A_1427] : memref<8x1264xf32, #tpu.memory_space<vmem>> -> memref<1x1264xf32, #tpu.memory_space<vmem>>
    %dma_wait3A_1429 = tpu.memref_squeeze %dma_wait3A_1428 : memref<1x1264xf32, #tpu.memory_space<vmem>> -> memref<1264xf32, #tpu.memory_space<vmem>>
    %dma_wait3A_1430 = tpu.memref_slice %arg2[%add3A_82] : memref<161792xf32, #tpu.memory_space<hbm>> -> memref<1264xf32, #tpu.memory_space<hbm>>
    tpu.wait_dma2 semaphore(%arg17 : memref<!tpu.dma_semaphore, #tpu.memory_space<semaphore_mem>>) src(%dma_wait3A_1430 : memref<1264xf32, #tpu.memory_space<hbm>>) dst(%dma_wait3A_1429 : memref<1264xf32, #tpu.memory_space<vmem>>)
    %dma_wait3A_1431 = arith.constant 5 : i32
    %dma_wait3A_1432 = arith.constant 0 : i32
    %dma_wait3A_1433 = tpu.memref_slice %arg7[%dma_wait3A_1431, %dma_wait3A_1432] : memref<8x1264xf32, #tpu.memory_space<vmem>> -> memref<1x1264xf32, #tpu.memory_space<vmem>>
    %dma_wait3A_1434 = tpu.memref_squeeze %dma_wait3A_1433 : memref<1x1264xf32, #tpu.memory_space<vmem>> -> memref<1264xf32, #tpu.memory_space<vmem>>
    %dma_wait3A_1435 = tpu.memref_slice %arg2[%add3A_95] : memref<161792xf32, #tpu.memory_space<hbm>> -> memref<1264xf32, #tpu.memory_space<hbm>>
    %dma_wait3A_1436 = arith.constant 0 : i32
    %dma_wait3A_1437 = tpu.memref_slice %arg7[%dma_wait3A_1431, %dma_wait3A_1436] : memref<8x1264xf32, #tpu.memory_space<vmem>> -> memref<1x1264xf32, #tpu.memory_space<vmem>>
    %dma_wait3A_1438 = tpu.memref_squeeze %dma_wait3A_1437 : memref<1x1264xf32, #tpu.memory_space<vmem>> -> memref<1264xf32, #tpu.memory_space<vmem>>
    %dma_wait3A_1439 = tpu.memref_slice %arg2[%add3A_95] : memref<161792xf32, #tpu.memory_space<hbm>> -> memref<1264xf32, #tpu.memory_space<hbm>>
    tpu.wait_dma2 semaphore(%arg17 : memref<!tpu.dma_semaphore, #tpu.memory_space<semaphore_mem>>) src(%dma_wait3A_1439 : memref<1264xf32, #tpu.memory_space<hbm>>) dst(%dma_wait3A_1438 : memref<1264xf32, #tpu.memory_space<vmem>>)
    %dma_wait3A_1440 = arith.constant 6 : i32
    %dma_wait3A_1441 = arith.constant 0 : i32
    %dma_wait3A_1442 = tpu.memref_slice %arg7[%dma_wait3A_1440, %dma_wait3A_1441] : memref<8x1264xf32, #tpu.memory_space<vmem>> -> memref<1x1264xf32, #tpu.memory_space<vmem>>
    %dma_wait3A_1443 = tpu.memref_squeeze %dma_wait3A_1442 : memref<1x1264xf32, #tpu.memory_space<vmem>> -> memref<1264xf32, #tpu.memory_space<vmem>>
    %dma_wait3A_1444 = tpu.memref_slice %arg2[%add3A_108] : memref<161792xf32, #tpu.memory_space<hbm>> -> memref<1264xf32, #tpu.memory_space<hbm>>
    %dma_wait3A_1445 = arith.constant 0 : i32
    %dma_wait3A_1446 = tpu.memref_slice %arg7[%dma_wait3A_1440, %dma_wait3A_1445] : memref<8x1264xf32, #tpu.memory_space<vmem>> -> memref<1x1264xf32, #tpu.memory_space<vmem>>
    %dma_wait3A_1447 = tpu.memref_squeeze %dma_wait3A_1446 : memref<1x1264xf32, #tpu.memory_space<vmem>> -> memref<1264xf32, #tpu.memory_space<vmem>>
    %dma_wait3A_1448 = tpu.memref_slice %arg2[%add3A_108] : memref<161792xf32, #tpu.memory_space<hbm>> -> memref<1264xf32, #tpu.memory_space<hbm>>
    tpu.wait_dma2 semaphore(%arg17 : memref<!tpu.dma_semaphore, #tpu.memory_space<semaphore_mem>>) src(%dma_wait3A_1448 : memref<1264xf32, #tpu.memory_space<hbm>>) dst(%dma_wait3A_1447 : memref<1264xf32, #tpu.memory_space<vmem>>)
    %dma_wait3A_1449 = arith.constant 7 : i32
    %dma_wait3A_1450 = arith.constant 0 : i32
    %dma_wait3A_1451 = tpu.memref_slice %arg7[%dma_wait3A_1449, %dma_wait3A_1450] : memref<8x1264xf32, #tpu.memory_space<vmem>> -> memref<1x1264xf32, #tpu.memory_space<vmem>>
    %dma_wait3A_1452 = tpu.memref_squeeze %dma_wait3A_1451 : memref<1x1264xf32, #tpu.memory_space<vmem>> -> memref<1264xf32, #tpu.memory_space<vmem>>
    %dma_wait3A_1453 = tpu.memref_slice %arg2[%add3A_121] : memref<161792xf32, #tpu.memory_space<hbm>> -> memref<1264xf32, #tpu.memory_space<hbm>>
    %dma_wait3A_1454 = arith.constant 0 : i32
    %dma_wait3A_1455 = tpu.memref_slice %arg7[%dma_wait3A_1449, %dma_wait3A_1454] : memref<8x1264xf32, #tpu.memory_space<vmem>> -> memref<1x1264xf32, #tpu.memory_space<vmem>>
    %dma_wait3A_1456 = tpu.memref_squeeze %dma_wait3A_1455 : memref<1x1264xf32, #tpu.memory_space<vmem>> -> memref<1264xf32, #tpu.memory_space<vmem>>
    %dma_wait3A_1457 = tpu.memref_slice %arg2[%add3A_121] : memref<161792xf32, #tpu.memory_space<hbm>> -> memref<1264xf32, #tpu.memory_space<hbm>>
    tpu.wait_dma2 semaphore(%arg17 : memref<!tpu.dma_semaphore, #tpu.memory_space<semaphore_mem>>) src(%dma_wait3A_1457 : memref<1264xf32, #tpu.memory_space<hbm>>) dst(%dma_wait3A_1456 : memref<1264xf32, #tpu.memory_space<vmem>>)
    %scan3A_1458 = arith.constant 0 : i32
    %scan3A_1459 = arith.constant 78 : i32
    %scan3A_1460 = arith.addi %scan3A_1458, %scan3A_1459 : i32
    %scan3A_1461 = arith.constant 2 : i32
    %scan3A_1462 = scf.for %scan3A_1639 = %scan3A_1458 to %scan3A_1460 step %scan3A_1461 iter_args(%scan3A_1640 = %broadcast_in_dim3A_156) -> (vector<16xf32>)  : i32 {
      %mul3A_1641 = arith.constant 16 : i32
      %mul3A_1642 = arith.muli %scan3A_1639, %mul3A_1641 : i32
      %get3A_1643 = arith.constant 0 : i32
      %get3A_1644 = arith.index_cast %get3A_1643 : i32 to index
      %get3A_1645 = arith.index_cast %mul3A_1642 : i32 to index
      %get3A_1646 = tpu.vector_load %arg7[%get3A_1644, %get3A_1645] {strides = array<i32>} : memref<8x1264xf32, #tpu.memory_space<vmem>>, vector<16xf32>,
      %get3A_1647 = arith.constant 1 : i32
      %get3A_1648 = arith.index_cast %get3A_1647 : i32 to index
      %get3A_1649 = arith.index_cast %mul3A_1642 : i32 to index
      %get3A_1650 = tpu.vector_load %arg7[%get3A_1648, %get3A_1649] {strides = array<i32>} : memref<8x1264xf32, #tpu.memory_space<vmem>>, vector<16xf32>,
      %get3A_1651 = arith.constant 2 : i32
      %get3A_1652 = arith.index_cast %get3A_1651 : i32 to index
      %get3A_1653 = arith.index_cast %mul3A_1642 : i32 to index
      %get3A_1654 = tpu.vector_load %arg7[%get3A_1652, %get3A_1653] {strides = array<i32>} : memref<8x1264xf32, #tpu.memory_space<vmem>>, vector<16xf32>,
      %get3A_1655 = arith.constant 3 : i32
      %get3A_1656 = arith.index_cast %get3A_1655 : i32 to index
      %get3A_1657 = arith.index_cast %mul3A_1642 : i32 to index
      %get3A_1658 = tpu.vector_load %arg7[%get3A_1656, %get3A_1657] {strides = array<i32>} : memref<8x1264xf32, #tpu.memory_space<vmem>>, vector<16xf32>,
      %get3A_1659 = arith.constant 4 : i32
      %get3A_1660 = arith.index_cast %get3A_1659 : i32 to index
      %get3A_1661 = arith.index_cast %mul3A_1642 : i32 to index
      %get3A_1662 = tpu.vector_load %arg7[%get3A_1660, %get3A_1661] {strides = array<i32>} : memref<8x1264xf32, #tpu.memory_space<vmem>>, vector<16xf32>,
      %get3A_1663 = arith.constant 5 : i32
      %get3A_1664 = arith.index_cast %get3A_1663 : i32 to index
      %get3A_1665 = arith.index_cast %mul3A_1642 : i32 to index
      %get3A_1666 = tpu.vector_load %arg7[%get3A_1664, %get3A_1665] {strides = array<i32>} : memref<8x1264xf32, #tpu.memory_space<vmem>>, vector<16xf32>,
      %get3A_1667 = arith.constant 6 : i32
      %get3A_1668 = arith.index_cast %get3A_1667 : i32 to index
      %get3A_1669 = arith.index_cast %mul3A_1642 : i32 to index
      %get3A_1670 = tpu.vector_load %arg7[%get3A_1668, %get3A_1669] {strides = array<i32>} : memref<8x1264xf32, #tpu.memory_space<vmem>>, vector<16xf32>,
      %get3A_1671 = arith.constant 7 : i32
      %get3A_1672 = arith.index_cast %get3A_1671 : i32 to index
      %get3A_1673 = arith.index_cast %mul3A_1642 : i32 to index
      %get3A_1674 = tpu.vector_load %arg7[%get3A_1672, %get3A_1673] {strides = array<i32>} : memref<8x1264xf32, #tpu.memory_space<vmem>>, vector<16xf32>,
      %min3A_1675 = arith.minimumf %get3A_1654, %get3A_1670 : vector<16xf32>
      %max3A_1676 = arith.maximumf %get3A_1646, %get3A_1662 : vector<16xf32>
      %sub3A_1677 = arith.subf %min3A_1675, %max3A_1676 : vector<16xf32>
      %max3A_1678 = arith.constant 0.000000e+00 : f32
      %max3A_1679 = vector.broadcast %max3A_1678 : f32 to vector<16xf32>
      %max3A_1680 = arith.maximumf %sub3A_1677, %max3A_1679 : vector<16xf32>
      %min3A_1681 = arith.minimumf %get3A_1658, %get3A_1674 : vector<16xf32>
      %max3A_1682 = arith.maximumf %get3A_1650, %get3A_1666 : vector<16xf32>
      %sub3A_1683 = arith.subf %min3A_1681, %max3A_1682 : vector<16xf32>
      %max3A_1684 = arith.constant 0.000000e+00 : f32
      %max3A_1685 = vector.broadcast %max3A_1684 : f32 to vector<16xf32>
      %max3A_1686 = arith.maximumf %sub3A_1683, %max3A_1685 : vector<16xf32>
      %mul3A_1687 = arith.mulf %max3A_1680, %max3A_1686 : vector<16xf32>
      %sub3A_1688 = arith.subf %get3A_1654, %get3A_1646 : vector<16xf32>
      %sub3A_1689 = arith.subf %get3A_1658, %get3A_1650 : vector<16xf32>
      %mul3A_1690 = arith.mulf %sub3A_1688, %sub3A_1689 : vector<16xf32>
      %sub3A_1691 = arith.subf %get3A_1670, %get3A_1662 : vector<16xf32>
      %sub3A_1692 = arith.subf %get3A_1674, %get3A_1666 : vector<16xf32>
      %mul3A_1693 = arith.mulf %sub3A_1691, %sub3A_1692 : vector<16xf32>
      %add3A_1694 = arith.addf %mul3A_1690, %mul3A_1693 : vector<16xf32>
      %sub3A_1695 = arith.subf %add3A_1694, %mul3A_1687 : vector<16xf32>
      %max3A_1696 = arith.constant 9.99999997E-7 : f32
      %max3A_1697 = vector.broadcast %max3A_1696 : f32 to vector<16xf32>
      %max3A_1698 = arith.maximumf %sub3A_1695, %max3A_1697 : vector<16xf32>
      %div3A_1699 = arith.divf %mul3A_1687, %max3A_1698 : vector<16xf32>
      %max3A_1700 = arith.constant 9.99999997E-7 : f32
      %max3A_1701 = vector.broadcast %max3A_1700 : f32 to vector<16xf32>
      %max3A_1702 = arith.maximumf %div3A_1699, %max3A_1701 : vector<16xf32>
      %bitcast3A_1703 = vector.bitcast %max3A_1702 : vector<16xf32> to vector<16xi32>
      %shift_right_logical3A_1704 = arith.constant 23 : i32
      %shift_right_logical3A_1705 = vector.broadcast %shift_right_logical3A_1704 : i32 to vector<16xi32>
      %shift_right_logical3A_1706 = arith.shrui %bitcast3A_1703, %shift_right_logical3A_1705 : vector<16xi32>
      %sub3A_1707 = arith.constant 127 : i32
      %sub3A_1708 = vector.broadcast %sub3A_1707 : i32 to vector<16xi32>
      %sub3A_1709 = arith.subi %shift_right_logical3A_1706, %sub3A_1708 : vector<16xi32>
      %and3A_1710 = arith.constant 8388607 : i32
      %and3A_1711 = vector.broadcast %and3A_1710 : i32 to vector<16xi32>
      %and3A_1712 = arith.andi %bitcast3A_1703, %and3A_1711 : vector<16xi32>
      %or3A_1713 = arith.constant 1065353216 : i32
      %or3A_1714 = vector.broadcast %or3A_1713 : i32 to vector<16xi32>
      %or3A_1715 = arith.ori %and3A_1712, %or3A_1714 : vector<16xi32>
      %bitcast3A_1716 = vector.bitcast %or3A_1715 : vector<16xi32> to vector<16xf32>
      %gt3A_1717 = arith.constant 1.41421354 : f32
      %gt3A_1718 = vector.broadcast %gt3A_1717 : f32 to vector<16xf32>
      %gt3A_1719 = arith.cmpf ogt, %bitcast3A_1716, %gt3A_1718 : vector<16xf32>
      %mul3A_1720 = arith.constant 5.000000e-01 : f32
      %mul3A_1721 = vector.broadcast %mul3A_1720 : f32 to vector<16xf32>
      %mul3A_1722 = arith.mulf %mul3A_1721, %bitcast3A_1716 : vector<16xf32>
      %select_n3A_1723 = arith.select %gt3A_1719, %mul3A_1722, %bitcast3A_1716 : vector<16xi1>, vector<16xf32>
      %jit3A_1724 = arith.constant 1 : i32
      %jit3A_1725 = arith.constant 0 : i32
      %broadcast_in_dim3A_1726 = vector.broadcast %jit3A_1724 : i32 to vector<16xi32>
      %broadcast_in_dim3A_1727 = vector.broadcast %jit3A_1725 : i32 to vector<16xi32>
      %select_n3A_1728 = arith.select %gt3A_1719, %broadcast_in_dim3A_1726, %broadcast_in_dim3A_1727 : vector<16xi1>, vector<16xi32>
      %add3A_1729 = arith.addi %sub3A_1709, %select_n3A_1728 : vector<16xi32>
      %convert_element_type3A_1730 = arith.sitofp %add3A_1729 : vector<16xi32> to vector<16xf32>
      %sub3A_1731 = arith.constant 1.000000e+00 : f32
      %sub3A_1732 = vector.broadcast %sub3A_1731 : f32 to vector<16xf32>
      %sub3A_1733 = arith.subf %select_n3A_1723, %sub3A_1732 : vector<16xf32>
      %add3A_1734 = arith.constant 1.000000e+00 : f32
      %add3A_1735 = vector.broadcast %add3A_1734 : f32 to vector<16xf32>
      %add3A_1736 = arith.addf %select_n3A_1723, %add3A_1735 : vector<16xf32>
      %div3A_1737 = arith.divf %sub3A_1733, %add3A_1736 : vector<16xf32>
      %mul3A_1738 = arith.mulf %div3A_1737, %div3A_1737 : vector<16xf32>
      %mul3A_1739 = arith.constant 0.111111112 : f32
      %mul3A_1740 = vector.broadcast %mul3A_1739 : f32 to vector<16xf32>
      %mul3A_1741 = arith.mulf %mul3A_1738, %mul3A_1740 : vector<16xf32>
      %add3A_1742 = arith.constant 0.142857149 : f32
      %add3A_1743 = vector.broadcast %add3A_1742 : f32 to vector<16xf32>
      %add3A_1744 = arith.addf %add3A_1743, %mul3A_1741 : vector<16xf32>
      %mul3A_1745 = arith.mulf %mul3A_1738, %add3A_1744 : vector<16xf32>
      %add3A_1746 = arith.constant 2.000000e-01 : f32
      %add3A_1747 = vector.broadcast %add3A_1746 : f32 to vector<16xf32>
      %add3A_1748 = arith.addf %add3A_1747, %mul3A_1745 : vector<16xf32>
      %mul3A_1749 = arith.mulf %mul3A_1738, %add3A_1748 : vector<16xf32>
      %add3A_1750 = arith.constant 0.333333343 : f32
      %add3A_1751 = vector.broadcast %add3A_1750 : f32 to vector<16xf32>
      %add3A_1752 = arith.addf %add3A_1751, %mul3A_1749 : vector<16xf32>
      %mul3A_1753 = arith.mulf %mul3A_1738, %add3A_1752 : vector<16xf32>
      %add3A_1754 = arith.constant 1.000000e+00 : f32
      %add3A_1755 = vector.broadcast %add3A_1754 : f32 to vector<16xf32>
      %add3A_1756 = arith.addf %add3A_1755, %mul3A_1753 : vector<16xf32>
      %mul3A_1757 = arith.constant 2.000000e+00 : f32
      %mul3A_1758 = vector.broadcast %mul3A_1757 : f32 to vector<16xf32>
      %mul3A_1759 = arith.mulf %mul3A_1758, %div3A_1737 : vector<16xf32>
      %mul3A_1760 = arith.mulf %mul3A_1759, %add3A_1756 : vector<16xf32>
      %mul3A_1761 = arith.constant 0.693147182 : f32
      %mul3A_1762 = vector.broadcast %mul3A_1761 : f32 to vector<16xf32>
      %mul3A_1763 = arith.mulf %convert_element_type3A_1730, %mul3A_1762 : vector<16xf32>
      %add3A_1764 = arith.addf %mul3A_1760, %mul3A_1763 : vector<16xf32>
      %sub3A_1765 = arith.subf %scan3A_1640, %add3A_1764 : vector<16xf32>
      %scan3A_1766 = arith.constant 1 : i32
      %scan3A_1767 = arith.addi %scan3A_1639, %scan3A_1766 : i32
      %mul3A_1768 = arith.constant 16 : i32
      %mul3A_1769 = arith.muli %scan3A_1767, %mul3A_1768 : i32
      %get3A_1770 = arith.constant 0 : i32
      %get3A_1771 = arith.index_cast %get3A_1770 : i32 to index
      %get3A_1772 = arith.index_cast %mul3A_1769 : i32 to index
      %get3A_1773 = tpu.vector_load %arg7[%get3A_1771, %get3A_1772] {strides = array<i32>} : memref<8x1264xf32, #tpu.memory_space<vmem>>, vector<16xf32>,
      %get3A_1774 = arith.constant 1 : i32
      %get3A_1775 = arith.index_cast %get3A_1774 : i32 to index
      %get3A_1776 = arith.index_cast %mul3A_1769 : i32 to index
      %get3A_1777 = tpu.vector_load %arg7[%get3A_1775, %get3A_1776] {strides = array<i32>} : memref<8x1264xf32, #tpu.memory_space<vmem>>, vector<16xf32>,
      %get3A_1778 = arith.constant 2 : i32
      %get3A_1779 = arith.index_cast %get3A_1778 : i32 to index
      %get3A_1780 = arith.index_cast %mul3A_1769 : i32 to index
      %get3A_1781 = tpu.vector_load %arg7[%get3A_1779, %get3A_1780] {strides = array<i32>} : memref<8x1264xf32, #tpu.memory_space<vmem>>, vector<16xf32>,
      %get3A_1782 = arith.constant 3 : i32
      %get3A_1783 = arith.index_cast %get3A_1782 : i32 to index
      %get3A_1784 = arith.index_cast %mul3A_1769 : i32 to index
      %get3A_1785 = tpu.vector_load %arg7[%get3A_1783, %get3A_1784] {strides = array<i32>} : memref<8x1264xf32, #tpu.memory_space<vmem>>, vector<16xf32>,
      %get3A_1786 = arith.constant 4 : i32
      %get3A_1787 = arith.index_cast %get3A_1786 : i32 to index
      %get3A_1788 = arith.index_cast %mul3A_1769 : i32 to index
      %get3A_1789 = tpu.vector_load %arg7[%get3A_1787, %get3A_1788] {strides = array<i32>} : memref<8x1264xf32, #tpu.memory_space<vmem>>, vector<16xf32>,
      %get3A_1790 = arith.constant 5 : i32
      %get3A_1791 = arith.index_cast %get3A_1790 : i32 to index
      %get3A_1792 = arith.index_cast %mul3A_1769 : i32 to index
      %get3A_1793 = tpu.vector_load %arg7[%get3A_1791, %get3A_1792] {strides = array<i32>} : memref<8x1264xf32, #tpu.memory_space<vmem>>, vector<16xf32>,
      %get3A_1794 = arith.constant 6 : i32
      %get3A_1795 = arith.index_cast %get3A_1794 : i32 to index
      %get3A_1796 = arith.index_cast %mul3A_1769 : i32 to index
      %get3A_1797 = tpu.vector_load %arg7[%get3A_1795, %get3A_1796] {strides = array<i32>} : memref<8x1264xf32, #tpu.memory_space<vmem>>, vector<16xf32>,
      %get3A_1798 = arith.constant 7 : i32
      %get3A_1799 = arith.index_cast %get3A_1798 : i32 to index
      %get3A_1800 = arith.index_cast %mul3A_1769 : i32 to index
      %get3A_1801 = tpu.vector_load %arg7[%get3A_1799, %get3A_1800] {strides = array<i32>} : memref<8x1264xf32, #tpu.memory_space<vmem>>, vector<16xf32>,
      %min3A_1802 = arith.minimumf %get3A_1781, %get3A_1797 : vector<16xf32>
      %max3A_1803 = arith.maximumf %get3A_1773, %get3A_1789 : vector<16xf32>
      %sub3A_1804 = arith.subf %min3A_1802, %max3A_1803 : vector<16xf32>
      %max3A_1805 = arith.constant 0.000000e+00 : f32
      %max3A_1806 = vector.broadcast %max3A_1805 : f32 to vector<16xf32>
      %max3A_1807 = arith.maximumf %sub3A_1804, %max3A_1806 : vector<16xf32>
      %min3A_1808 = arith.minimumf %get3A_1785, %get3A_1801 : vector<16xf32>
      %max3A_1809 = arith.maximumf %get3A_1777, %get3A_1793 : vector<16xf32>
      %sub3A_1810 = arith.subf %min3A_1808, %max3A_1809 : vector<16xf32>
      %max3A_1811 = arith.constant 0.000000e+00 : f32
      %max3A_1812 = vector.broadcast %max3A_1811 : f32 to vector<16xf32>
      %max3A_1813 = arith.maximumf %sub3A_1810, %max3A_1812 : vector<16xf32>
      %mul3A_1814 = arith.mulf %max3A_1807, %max3A_1813 : vector<16xf32>
      %sub3A_1815 = arith.subf %get3A_1781, %get3A_1773 : vector<16xf32>
      %sub3A_1816 = arith.subf %get3A_1785, %get3A_1777 : vector<16xf32>
      %mul3A_1817 = arith.mulf %sub3A_1815, %sub3A_1816 : vector<16xf32>
      %sub3A_1818 = arith.subf %get3A_1797, %get3A_1789 : vector<16xf32>
      %sub3A_1819 = arith.subf %get3A_1801, %get3A_1793 : vector<16xf32>
      %mul3A_1820 = arith.mulf %sub3A_1818, %sub3A_1819 : vector<16xf32>
      %add3A_1821 = arith.addf %mul3A_1817, %mul3A_1820 : vector<16xf32>
      %sub3A_1822 = arith.subf %add3A_1821, %mul3A_1814 : vector<16xf32>
      %max3A_1823 = arith.constant 9.99999997E-7 : f32
      %max3A_1824 = vector.broadcast %max3A_1823 : f32 to vector<16xf32>
      %max3A_1825 = arith.maximumf %sub3A_1822, %max3A_1824 : vector<16xf32>
      %div3A_1826 = arith.divf %mul3A_1814, %max3A_1825 : vector<16xf32>
      %max3A_1827 = arith.constant 9.99999997E-7 : f32
      %max3A_1828 = vector.broadcast %max3A_1827 : f32 to vector<16xf32>
      %max3A_1829 = arith.maximumf %div3A_1826, %max3A_1828 : vector<16xf32>
      %bitcast3A_1830 = vector.bitcast %max3A_1829 : vector<16xf32> to vector<16xi32>
      %shift_right_logical3A_1831 = arith.constant 23 : i32
      %shift_right_logical3A_1832 = vector.broadcast %shift_right_logical3A_1831 : i32 to vector<16xi32>
      %shift_right_logical3A_1833 = arith.shrui %bitcast3A_1830, %shift_right_logical3A_1832 : vector<16xi32>
      %sub3A_1834 = arith.constant 127 : i32
      %sub3A_1835 = vector.broadcast %sub3A_1834 : i32 to vector<16xi32>
      %sub3A_1836 = arith.subi %shift_right_logical3A_1833, %sub3A_1835 : vector<16xi32>
      %and3A_1837 = arith.constant 8388607 : i32
      %and3A_1838 = vector.broadcast %and3A_1837 : i32 to vector<16xi32>
      %and3A_1839 = arith.andi %bitcast3A_1830, %and3A_1838 : vector<16xi32>
      %or3A_1840 = arith.constant 1065353216 : i32
      %or3A_1841 = vector.broadcast %or3A_1840 : i32 to vector<16xi32>
      %or3A_1842 = arith.ori %and3A_1839, %or3A_1841 : vector<16xi32>
      %bitcast3A_1843 = vector.bitcast %or3A_1842 : vector<16xi32> to vector<16xf32>
      %gt3A_1844 = arith.constant 1.41421354 : f32
      %gt3A_1845 = vector.broadcast %gt3A_1844 : f32 to vector<16xf32>
      %gt3A_1846 = arith.cmpf ogt, %bitcast3A_1843, %gt3A_1845 : vector<16xf32>
      %mul3A_1847 = arith.constant 5.000000e-01 : f32
      %mul3A_1848 = vector.broadcast %mul3A_1847 : f32 to vector<16xf32>
      %mul3A_1849 = arith.mulf %mul3A_1848, %bitcast3A_1843 : vector<16xf32>
      %select_n3A_1850 = arith.select %gt3A_1846, %mul3A_1849, %bitcast3A_1843 : vector<16xi1>, vector<16xf32>
      %jit3A_1851 = arith.constant 1 : i32
      %jit3A_1852 = arith.constant 0 : i32
      %broadcast_in_dim3A_1853 = vector.broadcast %jit3A_1851 : i32 to vector<16xi32>
      %broadcast_in_dim3A_1854 = vector.broadcast %jit3A_1852 : i32 to vector<16xi32>
      %select_n3A_1855 = arith.select %gt3A_1846, %broadcast_in_dim3A_1853, %broadcast_in_dim3A_1854 : vector<16xi1>, vector<16xi32>
      %add3A_1856 = arith.addi %sub3A_1836, %select_n3A_1855 : vector<16xi32>
      %convert_element_type3A_1857 = arith.sitofp %add3A_1856 : vector<16xi32> to vector<16xf32>
      %sub3A_1858 = arith.constant 1.000000e+00 : f32
      %sub3A_1859 = vector.broadcast %sub3A_1858 : f32 to vector<16xf32>
      %sub3A_1860 = arith.subf %select_n3A_1850, %sub3A_1859 : vector<16xf32>
      %add3A_1861 = arith.constant 1.000000e+00 : f32
      %add3A_1862 = vector.broadcast %add3A_1861 : f32 to vector<16xf32>
      %add3A_1863 = arith.addf %select_n3A_1850, %add3A_1862 : vector<16xf32>
      %div3A_1864 = arith.divf %sub3A_1860, %add3A_1863 : vector<16xf32>
      %mul3A_1865 = arith.mulf %div3A_1864, %div3A_1864 : vector<16xf32>
      %mul3A_1866 = arith.constant 0.111111112 : f32
      %mul3A_1867 = vector.broadcast %mul3A_1866 : f32 to vector<16xf32>
      %mul3A_1868 = arith.mulf %mul3A_1865, %mul3A_1867 : vector<16xf32>
      %add3A_1869 = arith.constant 0.142857149 : f32
      %add3A_1870 = vector.broadcast %add3A_1869 : f32 to vector<16xf32>
      %add3A_1871 = arith.addf %add3A_1870, %mul3A_1868 : vector<16xf32>
      %mul3A_1872 = arith.mulf %mul3A_1865, %add3A_1871 : vector<16xf32>
      %add3A_1873 = arith.constant 2.000000e-01 : f32
      %add3A_1874 = vector.broadcast %add3A_1873 : f32 to vector<16xf32>
      %add3A_1875 = arith.addf %add3A_1874, %mul3A_1872 : vector<16xf32>
      %mul3A_1876 = arith.mulf %mul3A_1865, %add3A_1875 : vector<16xf32>
      %add3A_1877 = arith.constant 0.333333343 : f32
      %add3A_1878 = vector.broadcast %add3A_1877 : f32 to vector<16xf32>
      %add3A_1879 = arith.addf %add3A_1878, %mul3A_1876 : vector<16xf32>
      %mul3A_1880 = arith.mulf %mul3A_1865, %add3A_1879 : vector<16xf32>
      %add3A_1881 = arith.constant 1.000000e+00 : f32
      %add3A_1882 = vector.broadcast %add3A_1881 : f32 to vector<16xf32>
      %add3A_1883 = arith.addf %add3A_1882, %mul3A_1880 : vector<16xf32>
      %mul3A_1884 = arith.constant 2.000000e+00 : f32
      %mul3A_1885 = vector.broadcast %mul3A_1884 : f32 to vector<16xf32>
      %mul3A_1886 = arith.mulf %mul3A_1885, %div3A_1864 : vector<16xf32>
      %mul3A_1887 = arith.mulf %mul3A_1886, %add3A_1883 : vector<16xf32>
      %mul3A_1888 = arith.constant 0.693147182 : f32
      %mul3A_1889 = vector.broadcast %mul3A_1888 : f32 to vector<16xf32>
      %mul3A_1890 = arith.mulf %convert_element_type3A_1857, %mul3A_1889 : vector<16xf32>
      %add3A_1891 = arith.addf %mul3A_1887, %mul3A_1890 : vector<16xf32>
      %sub3A_1892 = arith.subf %sub3A_1765, %add3A_1891 : vector<16xf32>
      scf.yield %sub3A_1892 : vector<16xf32>
    }
    %scan3A_1463 = arith.constant 78 : i32
    %scan3A_1464 = arith.addi %scan3A_1458, %scan3A_1463 : i32
    %mul3A_1465 = arith.constant 16 : i32
    %mul3A_1466 = arith.muli %scan3A_1464, %mul3A_1465 : i32
    %get3A_1467 = arith.constant 0 : i32
    %get3A_1468 = arith.index_cast %get3A_1467 : i32 to index
    %get3A_1469 = arith.index_cast %mul3A_1466 : i32 to index
    %get3A_1470 = tpu.vector_load %arg7[%get3A_1468, %get3A_1469] {strides = array<i32>} : memref<8x1264xf32, #tpu.memory_space<vmem>>, vector<16xf32>,
    %get3A_1471 = arith.constant 1 : i32
    %get3A_1472 = arith.index_cast %get3A_1471 : i32 to index
    %get3A_1473 = arith.index_cast %mul3A_1466 : i32 to index
    %get3A_1474 = tpu.vector_load %arg7[%get3A_1472, %get3A_1473] {strides = array<i32>} : memref<8x1264xf32, #tpu.memory_space<vmem>>, vector<16xf32>,
    %get3A_1475 = arith.constant 2 : i32
    %get3A_1476 = arith.index_cast %get3A_1475 : i32 to index
    %get3A_1477 = arith.index_cast %mul3A_1466 : i32 to index
    %get3A_1478 = tpu.vector_load %arg7[%get3A_1476, %get3A_1477] {strides = array<i32>} : memref<8x1264xf32, #tpu.memory_space<vmem>>, vector<16xf32>,
    %get3A_1479 = arith.constant 3 : i32
    %get3A_1480 = arith.index_cast %get3A_1479 : i32 to index
    %get3A_1481 = arith.index_cast %mul3A_1466 : i32 to index
    %get3A_1482 = tpu.vector_load %arg7[%get3A_1480, %get3A_1481] {strides = array<i32>} : memref<8x1264xf32, #tpu.memory_space<vmem>>, vector<16xf32>,
    %get3A_1483 = arith.constant 4 : i32
    %get3A_1484 = arith.index_cast %get3A_1483 : i32 to index
    %get3A_1485 = arith.index_cast %mul3A_1466 : i32 to index
    %get3A_1486 = tpu.vector_load %arg7[%get3A_1484, %get3A_1485] {strides = array<i32>} : memref<8x1264xf32, #tpu.memory_space<vmem>>, vector<16xf32>,
    %get3A_1487 = arith.constant 5 : i32
    %get3A_1488 = arith.index_cast %get3A_1487 : i32 to index
    %get3A_1489 = arith.index_cast %mul3A_1466 : i32 to index
    %get3A_1490 = tpu.vector_load %arg7[%get3A_1488, %get3A_1489] {strides = array<i32>} : memref<8x1264xf32, #tpu.memory_space<vmem>>, vector<16xf32>,
    %get3A_1491 = arith.constant 6 : i32
    %get3A_1492 = arith.index_cast %get3A_1491 : i32 to index
    %get3A_1493 = arith.index_cast %mul3A_1466 : i32 to index
    %get3A_1494 = tpu.vector_load %arg7[%get3A_1492, %get3A_1493] {strides = array<i32>} : memref<8x1264xf32, #tpu.memory_space<vmem>>, vector<16xf32>,
    %get3A_1495 = arith.constant 7 : i32
    %get3A_1496 = arith.index_cast %get3A_1495 : i32 to index
    %get3A_1497 = arith.index_cast %mul3A_1466 : i32 to index
    %get3A_1498 = tpu.vector_load %arg7[%get3A_1496, %get3A_1497] {strides = array<i32>} : memref<8x1264xf32, #tpu.memory_space<vmem>>, vector<16xf32>,
    %min3A = arith.minimumf %get3A_1478, %get3A_1494 : vector<16xf32>
    %max3A_1499 = arith.maximumf %get3A_1470, %get3A_1486 : vector<16xf32>
    %sub3A_1500 = arith.subf %min3A, %max3A_1499 : vector<16xf32>
    %max3A_1501 = arith.constant 0.000000e+00 : f32
    %max3A_1502 = vector.broadcast %max3A_1501 : f32 to vector<16xf32>
    %max3A_1503 = arith.maximumf %sub3A_1500, %max3A_1502 : vector<16xf32>
    %min3A_1504 = arith.minimumf %get3A_1482, %get3A_1498 : vector<16xf32>
    %max3A_1505 = arith.maximumf %get3A_1474, %get3A_1490 : vector<16xf32>
    %sub3A_1506 = arith.subf %min3A_1504, %max3A_1505 : vector<16xf32>
    %max3A_1507 = arith.constant 0.000000e+00 : f32
    %max3A_1508 = vector.broadcast %max3A_1507 : f32 to vector<16xf32>
    %max3A_1509 = arith.maximumf %sub3A_1506, %max3A_1508 : vector<16xf32>
    %mul3A_1510 = arith.mulf %max3A_1503, %max3A_1509 : vector<16xf32>
    %sub3A_1511 = arith.subf %get3A_1478, %get3A_1470 : vector<16xf32>
    %sub3A_1512 = arith.subf %get3A_1482, %get3A_1474 : vector<16xf32>
    %mul3A_1513 = arith.mulf %sub3A_1511, %sub3A_1512 : vector<16xf32>
    %sub3A_1514 = arith.subf %get3A_1494, %get3A_1486 : vector<16xf32>
    %sub3A_1515 = arith.subf %get3A_1498, %get3A_1490 : vector<16xf32>
    %mul3A_1516 = arith.mulf %sub3A_1514, %sub3A_1515 : vector<16xf32>
    %add3A_1517 = arith.addf %mul3A_1513, %mul3A_1516 : vector<16xf32>
    %sub3A_1518 = arith.subf %add3A_1517, %mul3A_1510 : vector<16xf32>
    %max3A_1519 = arith.constant 9.99999997E-7 : f32
    %max3A_1520 = vector.broadcast %max3A_1519 : f32 to vector<16xf32>
    %max3A_1521 = arith.maximumf %sub3A_1518, %max3A_1520 : vector<16xf32>
    %div3A_1522 = arith.divf %mul3A_1510, %max3A_1521 : vector<16xf32>
    %max3A_1523 = arith.constant 9.99999997E-7 : f32
    %max3A_1524 = vector.broadcast %max3A_1523 : f32 to vector<16xf32>
    %max3A_1525 = arith.maximumf %div3A_1522, %max3A_1524 : vector<16xf32>
    %bitcast3A_1526 = vector.bitcast %max3A_1525 : vector<16xf32> to vector<16xi32>
    %shift_right_logical3A_1527 = arith.constant 23 : i32
    %shift_right_logical3A_1528 = vector.broadcast %shift_right_logical3A_1527 : i32 to vector<16xi32>
    %shift_right_logical3A_1529 = arith.shrui %bitcast3A_1526, %shift_right_logical3A_1528 : vector<16xi32>
    %sub3A_1530 = arith.constant 127 : i32
    %sub3A_1531 = vector.broadcast %sub3A_1530 : i32 to vector<16xi32>
    %sub3A_1532 = arith.subi %shift_right_logical3A_1529, %sub3A_1531 : vector<16xi32>
    %and3A_1533 = arith.constant 8388607 : i32
    %and3A_1534 = vector.broadcast %and3A_1533 : i32 to vector<16xi32>
    %and3A_1535 = arith.andi %bitcast3A_1526, %and3A_1534 : vector<16xi32>
    %or3A_1536 = arith.constant 1065353216 : i32
    %or3A_1537 = vector.broadcast %or3A_1536 : i32 to vector<16xi32>
    %or3A_1538 = arith.ori %and3A_1535, %or3A_1537 : vector<16xi32>
    %bitcast3A_1539 = vector.bitcast %or3A_1538 : vector<16xi32> to vector<16xf32>
    %gt3A_1540 = arith.constant 1.41421354 : f32
    %gt3A_1541 = vector.broadcast %gt3A_1540 : f32 to vector<16xf32>
    %gt3A_1542 = arith.cmpf ogt, %bitcast3A_1539, %gt3A_1541 : vector<16xf32>
    %mul3A_1543 = arith.constant 5.000000e-01 : f32
    %mul3A_1544 = vector.broadcast %mul3A_1543 : f32 to vector<16xf32>
    %mul3A_1545 = arith.mulf %mul3A_1544, %bitcast3A_1539 : vector<16xf32>
    %select_n3A_1546 = arith.select %gt3A_1542, %mul3A_1545, %bitcast3A_1539 : vector<16xi1>, vector<16xf32>
    %jit3A_1547 = arith.constant 1 : i32
    %jit3A_1548 = arith.constant 0 : i32
    %broadcast_in_dim3A_1549 = vector.broadcast %jit3A_1547 : i32 to vector<16xi32>
    %broadcast_in_dim3A_1550 = vector.broadcast %jit3A_1548 : i32 to vector<16xi32>
    %select_n3A_1551 = arith.select %gt3A_1542, %broadcast_in_dim3A_1549, %broadcast_in_dim3A_1550 : vector<16xi1>, vector<16xi32>
    %add3A_1552 = arith.addi %sub3A_1532, %select_n3A_1551 : vector<16xi32>
    %convert_element_type3A_1553 = arith.sitofp %add3A_1552 : vector<16xi32> to vector<16xf32>
    %sub3A_1554 = arith.constant 1.000000e+00 : f32
    %sub3A_1555 = vector.broadcast %sub3A_1554 : f32 to vector<16xf32>
    %sub3A_1556 = arith.subf %select_n3A_1546, %sub3A_1555 : vector<16xf32>
    %add3A_1557 = arith.constant 1.000000e+00 : f32
    %add3A_1558 = vector.broadcast %add3A_1557 : f32 to vector<16xf32>
    %add3A_1559 = arith.addf %select_n3A_1546, %add3A_1558 : vector<16xf32>
    %div3A_1560 = arith.divf %sub3A_1556, %add3A_1559 : vector<16xf32>
    %mul3A_1561 = arith.mulf %div3A_1560, %div3A_1560 : vector<16xf32>
    %mul3A_1562 = arith.constant 0.111111112 : f32
    %mul3A_1563 = vector.broadcast %mul3A_1562 : f32 to vector<16xf32>
    %mul3A_1564 = arith.mulf %mul3A_1561, %mul3A_1563 : vector<16xf32>
    %add3A_1565 = arith.constant 0.142857149 : f32
    %add3A_1566 = vector.broadcast %add3A_1565 : f32 to vector<16xf32>
    %add3A_1567 = arith.addf %add3A_1566, %mul3A_1564 : vector<16xf32>
    %mul3A_1568 = arith.mulf %mul3A_1561, %add3A_1567 : vector<16xf32>
    %add3A_1569 = arith.constant 2.000000e-01 : f32
    %add3A_1570 = vector.broadcast %add3A_1569 : f32 to vector<16xf32>
    %add3A_1571 = arith.addf %add3A_1570, %mul3A_1568 : vector<16xf32>
    %mul3A_1572 = arith.mulf %mul3A_1561, %add3A_1571 : vector<16xf32>
    %add3A_1573 = arith.constant 0.333333343 : f32
    %add3A_1574 = vector.broadcast %add3A_1573 : f32 to vector<16xf32>
    %add3A_1575 = arith.addf %add3A_1574, %mul3A_1572 : vector<16xf32>
    %mul3A_1576 = arith.mulf %mul3A_1561, %add3A_1575 : vector<16xf32>
    %add3A_1577 = arith.constant 1.000000e+00 : f32
    %add3A_1578 = vector.broadcast %add3A_1577 : f32 to vector<16xf32>
    %add3A_1579 = arith.addf %add3A_1578, %mul3A_1576 : vector<16xf32>
    %mul3A_1580 = arith.constant 2.000000e+00 : f32
    %mul3A_1581 = vector.broadcast %mul3A_1580 : f32 to vector<16xf32>
    %mul3A_1582 = arith.mulf %mul3A_1581, %div3A_1560 : vector<16xf32>
    %mul3A_1583 = arith.mulf %mul3A_1582, %add3A_1579 : vector<16xf32>
    %mul3A_1584 = arith.constant 0.693147182 : f32
    %mul3A_1585 = vector.broadcast %mul3A_1584 : f32 to vector<16xf32>
    %mul3A_1586 = arith.mulf %convert_element_type3A_1553, %mul3A_1585 : vector<16xf32>
    %add3A_1587 = arith.addf %mul3A_1583, %mul3A_1586 : vector<16xf32>
    %sub3A_1588 = arith.subf %scan3A_1462, %add3A_1587 : vector<16xf32>
    %scan3A_1589 = arith.constant 79 : i32
    %reduce_sum3A_1590 = arith.constant true
    %reduce_sum3A_1591 = vector.broadcast %reduce_sum3A_1590 : i1 to vector<16xi1>
    %reduce_sum3A_1592 = tpu.scan <sum>, %sub3A_1588 masked %reduce_sum3A_1591 : vector<16xf32>, vector<16xi1> -> vector<16xf32>
    %reduce_sum3A_1593 = vector.extract %reduce_sum3A_1592[15] : f32 from vector<16xf32>
    %eq3A_1594 = arith.constant 0 : i32
    %eq3A_1595 = vector.broadcast %eq3A_1594 : i32 to vector<16xi32>
    %eq3A_1596 = arith.cmpi eq, %iota3A, %eq3A_1595 : vector<16xi32>
    %jit3A_1597 = arith.constant 0.000000e+00 : f32
    %broadcast_in_dim3A_1598 = vector.broadcast %reduce_sum3A_1593 : f32 to vector<16xf32>
    %broadcast_in_dim3A_1599 = vector.broadcast %jit3A_1597 : f32 to vector<16xf32>
    %select_n3A_1600 = arith.select %eq3A_1596, %broadcast_in_dim3A_1598, %broadcast_in_dim3A_1599 : vector<16xi1>, vector<16xf32>
    %eq3A_1601 = arith.constant 1 : i32
    %eq3A_1602 = vector.broadcast %eq3A_1601 : i32 to vector<16xi32>
    %eq3A_1603 = arith.cmpi eq, %iota3A, %eq3A_1602 : vector<16xi32>
    %jit3A_1604 = arith.constant 0.000000e+00 : f32
    %broadcast_in_dim3A_1605 = vector.broadcast %reduce_sum3A_1215 : f32 to vector<16xf32>
    %broadcast_in_dim3A_1606 = vector.broadcast %jit3A_1604 : f32 to vector<16xf32>
    %select_n3A_1607 = arith.select %eq3A_1603, %broadcast_in_dim3A_1605, %broadcast_in_dim3A_1606 : vector<16xi1>, vector<16xf32>
    %add3A_1608 = arith.addf %select_n3A_1600, %select_n3A_1607 : vector<16xf32>
    %eq3A_1609 = arith.constant 2 : i32
    %eq3A_1610 = vector.broadcast %eq3A_1609 : i32 to vector<16xi32>
    %eq3A_1611 = arith.cmpi eq, %iota3A, %eq3A_1610 : vector<16xi32>
    %jit3A_1612 = arith.constant 0.000000e+00 : f32
    %broadcast_in_dim3A_1613 = vector.broadcast %reduce_sum3A_1219 : f32 to vector<16xf32>
    %broadcast_in_dim3A_1614 = vector.broadcast %jit3A_1612 : f32 to vector<16xf32>
    %select_n3A_1615 = arith.select %eq3A_1611, %broadcast_in_dim3A_1613, %broadcast_in_dim3A_1614 : vector<16xi1>, vector<16xf32>
    %add3A_1616 = arith.addf %add3A_1608, %select_n3A_1615 : vector<16xf32>
    %eq3A_1617 = arith.constant 3 : i32
    %eq3A_1618 = vector.broadcast %eq3A_1617 : i32 to vector<16xi32>
    %eq3A_1619 = arith.cmpi eq, %iota3A, %eq3A_1618 : vector<16xi32>
    %jit3A_1620 = arith.constant 0.000000e+00 : f32
    %broadcast_in_dim3A_1621 = vector.broadcast %reduce_sum3A_1376 : f32 to vector<16xf32>
    %broadcast_in_dim3A_1622 = vector.broadcast %jit3A_1620 : f32 to vector<16xf32>
    %select_n3A_1623 = arith.select %eq3A_1619, %broadcast_in_dim3A_1621, %broadcast_in_dim3A_1622 : vector<16xi1>, vector<16xf32>
    %add3A_1624 = arith.addf %add3A_1616, %select_n3A_1623 : vector<16xf32>
    %eq3A_1625 = arith.constant 4 : i32
    %eq3A_1626 = vector.broadcast %eq3A_1625 : i32 to vector<16xi32>
    %eq3A_1627 = arith.cmpi eq, %iota3A, %eq3A_1626 : vector<16xi32>
    %jit3A_1628 = arith.constant 0.000000e+00 : f32
    %broadcast_in_dim3A_1629 = vector.broadcast %reduce_sum3A_1385 : f32 to vector<16xf32>
    %broadcast_in_dim3A_1630 = vector.broadcast %jit3A_1628 : f32 to vector<16xf32>
    %select_n3A_1631 = arith.select %eq3A_1627, %broadcast_in_dim3A_1629, %broadcast_in_dim3A_1630 : vector<16xi1>, vector<16xf32>
    %add3A_1632 = arith.addf %add3A_1624, %select_n3A_1631 : vector<16xf32>
    %swap3A_1633 = arith.constant 0 : index
    %swap3A_1634 = tpu.vector_load %arg13[%swap3A_1633] {strides = array<i32>} : memref<16xf32, #tpu.memory_space<vmem>>, vector<16xf32>,
    tpu.vector_store %arg13[%swap3A_1633], %add3A_1632 {strides = array<i32>} : memref<16xf32, #tpu.memory_space<vmem>>, vector<16xf32>,
    "tpu.region"() ({
      %run_scoped3A = tpu.sem_alloc : memref<!tpu.dma_semaphore, #tpu.memory_space<semaphore_mem>>
      %dma_start3A_1639 = arith.constant 0 : i32
      %dma_start3A_1640 = tpu.memref_slice %arg14[%arg1, %dma_start3A_1639] : memref<16x16xf32, #tpu.memory_space<vmem_shared>> -> memref<1x16xf32, #tpu.memory_space<vmem_shared>>
      %dma_start3A_1641 = tpu.memref_squeeze %dma_start3A_1640 : memref<1x16xf32, #tpu.memory_space<vmem_shared>> -> memref<16xf32, #tpu.memory_space<vmem_shared>>
      %dma_start3A_1642 = arith.constant 0 : i32
      %dma_start3A_1643 = tpu.memref_slice %arg14[%arg1, %dma_start3A_1642] : memref<16x16xf32, #tpu.memory_space<vmem_shared>> -> memref<1x16xf32, #tpu.memory_space<vmem_shared>>
      %dma_start3A_1644 = tpu.memref_squeeze %dma_start3A_1643 : memref<1x16xf32, #tpu.memory_space<vmem_shared>> -> memref<16xf32, #tpu.memory_space<vmem_shared>>
      tpu.enqueue_dma source(%arg13 : memref<16xf32, #tpu.memory_space<vmem>>) target(%dma_start3A_1644 : memref<16xf32, #tpu.memory_space<vmem_shared>>) target_semaphore(%run_scoped3A : memref<!tpu.dma_semaphore, #tpu.memory_space<semaphore_mem>>)
      %dma_wait3A_1645 = arith.constant 0 : i32
      %dma_wait3A_1646 = tpu.memref_slice %arg14[%arg1, %dma_wait3A_1645] : memref<16x16xf32, #tpu.memory_space<vmem_shared>> -> memref<1x16xf32, #tpu.memory_space<vmem_shared>>
      %dma_wait3A_1647 = tpu.memref_squeeze %dma_wait3A_1646 : memref<1x16xf32, #tpu.memory_space<vmem_shared>> -> memref<16xf32, #tpu.memory_space<vmem_shared>>
      %dma_wait3A_1648 = arith.constant 0 : i32
      %dma_wait3A_1649 = tpu.memref_slice %arg14[%arg1, %dma_wait3A_1648] : memref<16x16xf32, #tpu.memory_space<vmem_shared>> -> memref<1x16xf32, #tpu.memory_space<vmem_shared>>
      %dma_wait3A_1650 = tpu.memref_squeeze %dma_wait3A_1649 : memref<1x16xf32, #tpu.memory_space<vmem_shared>> -> memref<16xf32, #tpu.memory_space<vmem_shared>>
      tpu.wait_dma2 semaphore(%run_scoped3A : memref<!tpu.dma_semaphore, #tpu.memory_space<semaphore_mem>>) src(%arg13 : memref<16xf32, #tpu.memory_space<vmem>>) dst(%dma_wait3A_1650 : memref<16xf32, #tpu.memory_space<vmem_shared>>)
      tpu.yield
    }) : () -> ()
    %barrier3A = arith.constant 0 : index
    tpu.barrier barrier_id(%barrier3A)
    %eq3A_1635 = arith.constant 0 : i32
    %eq3A_1636 = arith.cmpi eq, %arg1, %eq3A_1635 : i32
    %convert_element_type3A_1637 = arith.extui %eq3A_1636 : i1 to i32
    %cond3A = arith.constant 0 : i32
    %cond3A_1638 = arith.cmpi ne, %convert_element_type3A_1637, %cond3A : i32
    scf.if %cond3A_1638 {
      "tpu.region"() ({
        %run_scoped3A = tpu.sem_alloc : memref<!tpu.dma_semaphore, #tpu.memory_space<semaphore_mem>>
        tpu.enqueue_dma source(%arg14 : memref<16x16xf32, #tpu.memory_space<vmem_shared>>) target(%arg15 : memref<16x16xf32, #tpu.memory_space<vmem>>) target_semaphore(%run_scoped3A : memref<!tpu.dma_semaphore, #tpu.memory_space<semaphore_mem>>)
        tpu.wait_dma2 semaphore(%run_scoped3A : memref<!tpu.dma_semaphore, #tpu.memory_space<semaphore_mem>>) src(%arg14 : memref<16x16xf32, #tpu.memory_space<vmem_shared>>) dst(%arg15 : memref<16x16xf32, #tpu.memory_space<vmem>>)
        tpu.yield
      }) : () -> ()
      %get3A_1639 = arith.constant 0 : i32
      %get3A_1640 = arith.index_cast %get3A_1639 : i32 to index
      %get3A_1641 = arith.constant 0 : index
      %get3A_1642 = tpu.vector_load %arg15[%get3A_1640, %get3A_1641] {strides = array<i32>} : memref<16x16xf32, #tpu.memory_space<vmem>>, vector<16xf32>,
      %add3A_1643 = arith.addf %broadcast_in_dim3A_156, %get3A_1642 : vector<16xf32>
      %get3A_1644 = arith.constant 1 : i32
      %get3A_1645 = arith.index_cast %get3A_1644 : i32 to index
      %get3A_1646 = arith.constant 0 : index
      %get3A_1647 = tpu.vector_load %arg15[%get3A_1645, %get3A_1646] {strides = array<i32>} : memref<16x16xf32, #tpu.memory_space<vmem>>, vector<16xf32>,
      %add3A_1648 = arith.addf %add3A_1643, %get3A_1647 : vector<16xf32>
      %get3A_1649 = arith.constant 2 : i32
      %get3A_1650 = arith.index_cast %get3A_1649 : i32 to index
      %get3A_1651 = arith.constant 0 : index
      %get3A_1652 = tpu.vector_load %arg15[%get3A_1650, %get3A_1651] {strides = array<i32>} : memref<16x16xf32, #tpu.memory_space<vmem>>, vector<16xf32>,
      %add3A_1653 = arith.addf %add3A_1648, %get3A_1652 : vector<16xf32>
      %get3A_1654 = arith.constant 3 : i32
      %get3A_1655 = arith.index_cast %get3A_1654 : i32 to index
      %get3A_1656 = arith.constant 0 : index
      %get3A_1657 = tpu.vector_load %arg15[%get3A_1655, %get3A_1656] {strides = array<i32>} : memref<16x16xf32, #tpu.memory_space<vmem>>, vector<16xf32>,
      %add3A_1658 = arith.addf %add3A_1653, %get3A_1657 : vector<16xf32>
      %get3A_1659 = arith.constant 4 : i32
      %get3A_1660 = arith.index_cast %get3A_1659 : i32 to index
      %get3A_1661 = arith.constant 0 : index
      %get3A_1662 = tpu.vector_load %arg15[%get3A_1660, %get3A_1661] {strides = array<i32>} : memref<16x16xf32, #tpu.memory_space<vmem>>, vector<16xf32>,
      %add3A_1663 = arith.addf %add3A_1658, %get3A_1662 : vector<16xf32>
      %get3A_1664 = arith.constant 5 : i32
      %get3A_1665 = arith.index_cast %get3A_1664 : i32 to index
      %get3A_1666 = arith.constant 0 : index
      %get3A_1667 = tpu.vector_load %arg15[%get3A_1665, %get3A_1666] {strides = array<i32>} : memref<16x16xf32, #tpu.memory_space<vmem>>, vector<16xf32>,
      %add3A_1668 = arith.addf %add3A_1663, %get3A_1667 : vector<16xf32>
      %get3A_1669 = arith.constant 6 : i32
      %get3A_1670 = arith.index_cast %get3A_1669 : i32 to index
      %get3A_1671 = arith.constant 0 : index
      %get3A_1672 = tpu.vector_load %arg15[%get3A_1670, %get3A_1671] {strides = array<i32>} : memref<16x16xf32, #tpu.memory_space<vmem>>, vector<16xf32>,
      %add3A_1673 = arith.addf %add3A_1668, %get3A_1672 : vector<16xf32>
      %get3A_1674 = arith.constant 7 : i32
      %get3A_1675 = arith.index_cast %get3A_1674 : i32 to index
      %get3A_1676 = arith.constant 0 : index
      %get3A_1677 = tpu.vector_load %arg15[%get3A_1675, %get3A_1676] {strides = array<i32>} : memref<16x16xf32, #tpu.memory_space<vmem>>, vector<16xf32>,
      %add3A_1678 = arith.addf %add3A_1673, %get3A_1677 : vector<16xf32>
      %get3A_1679 = arith.constant 8 : i32
      %get3A_1680 = arith.index_cast %get3A_1679 : i32 to index
      %get3A_1681 = arith.constant 0 : index
      %get3A_1682 = tpu.vector_load %arg15[%get3A_1680, %get3A_1681] {strides = array<i32>} : memref<16x16xf32, #tpu.memory_space<vmem>>, vector<16xf32>,
      %add3A_1683 = arith.addf %add3A_1678, %get3A_1682 : vector<16xf32>
      %get3A_1684 = arith.constant 9 : i32
      %get3A_1685 = arith.index_cast %get3A_1684 : i32 to index
      %get3A_1686 = arith.constant 0 : index
      %get3A_1687 = tpu.vector_load %arg15[%get3A_1685, %get3A_1686] {strides = array<i32>} : memref<16x16xf32, #tpu.memory_space<vmem>>, vector<16xf32>,
      %add3A_1688 = arith.addf %add3A_1683, %get3A_1687 : vector<16xf32>
      %get3A_1689 = arith.constant 10 : i32
      %get3A_1690 = arith.index_cast %get3A_1689 : i32 to index
      %get3A_1691 = arith.constant 0 : index
      %get3A_1692 = tpu.vector_load %arg15[%get3A_1690, %get3A_1691] {strides = array<i32>} : memref<16x16xf32, #tpu.memory_space<vmem>>, vector<16xf32>,
      %add3A_1693 = arith.addf %add3A_1688, %get3A_1692 : vector<16xf32>
      %get3A_1694 = arith.constant 11 : i32
      %get3A_1695 = arith.index_cast %get3A_1694 : i32 to index
      %get3A_1696 = arith.constant 0 : index
      %get3A_1697 = tpu.vector_load %arg15[%get3A_1695, %get3A_1696] {strides = array<i32>} : memref<16x16xf32, #tpu.memory_space<vmem>>, vector<16xf32>,
      %add3A_1698 = arith.addf %add3A_1693, %get3A_1697 : vector<16xf32>
      %get3A_1699 = arith.constant 12 : i32
      %get3A_1700 = arith.index_cast %get3A_1699 : i32 to index
      %get3A_1701 = arith.constant 0 : index
      %get3A_1702 = tpu.vector_load %arg15[%get3A_1700, %get3A_1701] {strides = array<i32>} : memref<16x16xf32, #tpu.memory_space<vmem>>, vector<16xf32>,
      %add3A_1703 = arith.addf %add3A_1698, %get3A_1702 : vector<16xf32>
      %get3A_1704 = arith.constant 13 : i32
      %get3A_1705 = arith.index_cast %get3A_1704 : i32 to index
      %get3A_1706 = arith.constant 0 : index
      %get3A_1707 = tpu.vector_load %arg15[%get3A_1705, %get3A_1706] {strides = array<i32>} : memref<16x16xf32, #tpu.memory_space<vmem>>, vector<16xf32>,
      %add3A_1708 = arith.addf %add3A_1703, %get3A_1707 : vector<16xf32>
      %get3A_1709 = arith.constant 14 : i32
      %get3A_1710 = arith.index_cast %get3A_1709 : i32 to index
      %get3A_1711 = arith.constant 0 : index
      %get3A_1712 = tpu.vector_load %arg15[%get3A_1710, %get3A_1711] {strides = array<i32>} : memref<16x16xf32, #tpu.memory_space<vmem>>, vector<16xf32>,
      %add3A_1713 = arith.addf %add3A_1708, %get3A_1712 : vector<16xf32>
      %get3A_1714 = arith.constant 15 : i32
      %get3A_1715 = arith.index_cast %get3A_1714 : i32 to index
      %get3A_1716 = arith.constant 0 : index
      %get3A_1717 = tpu.vector_load %arg15[%get3A_1715, %get3A_1716] {strides = array<i32>} : memref<16x16xf32, #tpu.memory_space<vmem>>, vector<16xf32>,
      %add3A_1718 = arith.addf %add3A_1713, %get3A_1717 : vector<16xf32>
      %slice3A = vector.extract_strided_slice %add3A_1718 {offsets = [0], sizes = [1], strides = [1]} : vector<16xf32> to vector<1xf32>
      %squeeze3A = vector.extract %slice3A[0] : f32 from vector<1xf32>
      %broadcast_in_dim3A_1719 = vector.broadcast %squeeze3A : f32 to vector<16xf32>
      %slice3A_1720 = vector.extract_strided_slice %add3A_1718 {offsets = [1], sizes = [1], strides = [1]} : vector<16xf32> to vector<1xf32>
      %squeeze3A_1721 = vector.extract %slice3A_1720[0] : f32 from vector<1xf32>
      %broadcast_in_dim3A_1722 = vector.broadcast %squeeze3A_1721 : f32 to vector<16xf32>
      %slice3A_1723 = vector.extract_strided_slice %add3A_1718 {offsets = [2], sizes = [1], strides = [1]} : vector<16xf32> to vector<1xf32>
      %squeeze3A_1724 = vector.extract %slice3A_1723[0] : f32 from vector<1xf32>
      %broadcast_in_dim3A_1725 = vector.broadcast %squeeze3A_1724 : f32 to vector<16xf32>
      %slice3A_1726 = vector.extract_strided_slice %add3A_1718 {offsets = [3], sizes = [1], strides = [1]} : vector<16xf32> to vector<1xf32>
      %squeeze3A_1727 = vector.extract %slice3A_1726[0] : f32 from vector<1xf32>
      %broadcast_in_dim3A_1728 = vector.broadcast %squeeze3A_1727 : f32 to vector<16xf32>
      %slice3A_1729 = vector.extract_strided_slice %add3A_1718 {offsets = [4], sizes = [1], strides = [1]} : vector<16xf32> to vector<1xf32>
      %squeeze3A_1730 = vector.extract %slice3A_1729[0] : f32 from vector<1xf32>
      %broadcast_in_dim3A_1731 = vector.broadcast %squeeze3A_1730 : f32 to vector<16xf32>
      %gt3A_1732 = arith.constant 0.000000e+00 : f32
      %gt3A_1733 = vector.broadcast %gt3A_1732 : f32 to vector<16xf32>
      %gt3A_1734 = arith.cmpf ogt, %broadcast_in_dim3A_1725, %gt3A_1733 : vector<16xf32>
      %mul3A_1735 = arith.constant 1.000000e+01 : f32
      %mul3A_1736 = vector.broadcast %mul3A_1735 : f32 to vector<16xf32>
      %mul3A_1737 = arith.mulf %mul3A_1736, %broadcast_in_dim3A_1722 : vector<16xf32>
      %max3A_1738 = arith.constant 1.000000e+00 : f32
      %max3A_1739 = vector.broadcast %max3A_1738 : f32 to vector<16xf32>
      %max3A_1740 = arith.maximumf %broadcast_in_dim3A_1725, %max3A_1739 : vector<16xf32>
      %div3A_1741 = arith.divf %mul3A_1737, %max3A_1740 : vector<16xf32>
      %jit3A_1742 = arith.constant 0.000000e+00 : f32
      %broadcast_in_dim3A_1743 = vector.broadcast %jit3A_1742 : f32 to vector<16xf32>
      %select_n3A_1744 = arith.select %gt3A_1734, %div3A_1741, %broadcast_in_dim3A_1743 : vector<16xi1>, vector<16xf32>
      %gt3A_1745 = arith.constant 0.000000e+00 : f32
      %gt3A_1746 = vector.broadcast %gt3A_1745 : f32 to vector<16xf32>
      %gt3A_1747 = arith.cmpf ogt, %broadcast_in_dim3A_1731, %gt3A_1746 : vector<16xf32>
      %mul3A_1748 = arith.constant 1.000000e+01 : f32
      %mul3A_1749 = vector.broadcast %mul3A_1748 : f32 to vector<16xf32>
      %mul3A_1750 = arith.mulf %mul3A_1749, %broadcast_in_dim3A_1728 : vector<16xf32>
      %max3A_1751 = arith.constant 1.000000e+00 : f32
      %max3A_1752 = vector.broadcast %max3A_1751 : f32 to vector<16xf32>
      %max3A_1753 = arith.maximumf %broadcast_in_dim3A_1731, %max3A_1752 : vector<16xf32>
      %div3A_1754 = arith.divf %mul3A_1750, %max3A_1753 : vector<16xf32>
      %jit3A_1755 = arith.constant 0.000000e+00 : f32
      %broadcast_in_dim3A_1756 = vector.broadcast %jit3A_1755 : f32 to vector<16xf32>
      %select_n3A_1757 = arith.select %gt3A_1747, %div3A_1754, %broadcast_in_dim3A_1756 : vector<16xi1>, vector<16xf32>
      %mul3A_1758 = arith.constant 5.000000e-05 : f32
      %mul3A_1759 = vector.broadcast %mul3A_1758 : f32 to vector<16xf32>
      %mul3A_1760 = arith.mulf %broadcast_in_dim3A_1719, %mul3A_1759 : vector<16xf32>
      %add3A_1761 = arith.addf %mul3A_1760, %select_n3A_1744 : vector<16xf32>
      %add3A_1762 = arith.addf %add3A_1761, %select_n3A_1757 : vector<16xf32>
      %eq3A_1763 = arith.constant 0 : i32
      %eq3A_1764 = vector.broadcast %eq3A_1763 : i32 to vector<16xi32>
      %eq3A_1765 = arith.cmpi eq, %iota3A, %eq3A_1764 : vector<16xi32>
      %jit3A_1766 = arith.constant 0.000000e+00 : f32
      %broadcast_in_dim3A_1767 = vector.broadcast %jit3A_1766 : f32 to vector<16xf32>
      %select_n3A_1768 = arith.select %eq3A_1765, %add3A_1762, %broadcast_in_dim3A_1767 : vector<16xi1>, vector<16xf32>
      %swap3A_1769 = arith.constant 0 : index
      %swap3A_1770 = tpu.vector_load %arg16[%swap3A_1769] {strides = array<i32>} : memref<16xf32, #tpu.memory_space<vmem>>, vector<16xf32>,
      tpu.vector_store %arg16[%swap3A_1769], %select_n3A_1768 {strides = array<i32>} : memref<16xf32, #tpu.memory_space<vmem>>, vector<16xf32>,
      "tpu.region"() ({
        %run_scoped3A = tpu.sem_alloc : memref<!tpu.dma_semaphore, #tpu.memory_space<semaphore_mem>>
        tpu.enqueue_dma source(%arg16 : memref<16xf32, #tpu.memory_space<vmem>>) target(%arg6 : memref<16xf32, #tpu.memory_space<hbm>>) target_semaphore(%run_scoped3A : memref<!tpu.dma_semaphore, #tpu.memory_space<semaphore_mem>>)
        tpu.wait_dma2 semaphore(%run_scoped3A : memref<!tpu.dma_semaphore, #tpu.memory_space<semaphore_mem>>) src(%arg16 : memref<16xf32, #tpu.memory_space<vmem>>) dst(%arg6 : memref<16xf32, #tpu.memory_space<hbm>>)
        tpu.yield
      }) : () -> ()
    } else {
    }
    return
  }
}

</mosaic_0001>

<sc_bundles>
// kernel: kernel.3.cloned.1.call-start
scs
__scs_entry_jumppad:
0x0: {  	(pc) =	sbr.rel $0x88, $3  }
0x1: {  	(tag) =	ssettag $0x0;
	lr =	simm.s32 $0x1  }
0x2: {  	[smem:$0x3F9C] =	sst lr;
	_ =	strace $0xD0000000  }
0x3: {  	_ = 	snop  }
0x4: {  	_ = 	snop  }
0x5: {  	_ = 	snop  }
0x6: {  	_ = 	snop  }
0x7: {  	_ = 	snop  }
__scs_overlays_trampoline_lowered:
0x8: {  	[smem:$0x3FAB] =	sst s0  }
0x9: {  	[smem:$0x3FAC] =	sst s1  }
0xa: {  	[smem:$0x3FAD] =	sst s2  }
0xb: {  	[smem:$0x3FAE] =	sst s3  }
0xc: {  	[smem:$0x3FAF] =	sst s4  }
0xd: {  	[smem:$0x3FB0] =	sst s5  }
0xe: {  	[smem:$0x3FB1] =	sst s6  }
0xf: {  	[smem:$0x3FB2] =	sst s7  }
0x10: {  	[smem:$0x3FB3] =	sst s8  }
0x11: {  	[smem:$0x3FB4] =	sst s9;
	s0 =	simm.s32 @!p0 $0x0  }
0x12: {  	s1 =	sld [smem:$0x3F9A];
	s0 =	simm.s32 @p0 $0x1  }
0x13: {  	[smem:$0x3FB5] =	sst s0;
	s0 =	simm.s32 @!p1 $0x0  }
0x14: {  	s2 =	sld [smem:$0x3F99];
	s0 =	simm.s32 @p1 $0x1  }
0x15: {  	[smem:$0x3FB6] =	sst s0;
	s0 =	simm.s32 @!p2 $0x0  }
0x16: {  	s3 =	sld [smem:$0x3FDB];
	s0 =	simm.s32 @p2 $0x1  }
0x17: {  	s4 =	simm.s32 $0x1BF5;
	[smem:$0x3FB8] =	sst s0  }
0x18: {  	s0 =	sld [smem:$0x3F9B];
	_ =	swait.ge [sflag:s4], $0x0  }
0x19: {  	s7 =	sld [smem:$0x3F9C]  }
0x1a: {  	s8 =	sadd.s32 $0xFFFFE003, lr  }
0x1b: {  	s9 =	sadd.s32 $0xFFFFFEF7, lr;
	s5 =	simm.s32 $0xFFFFFFFF;
	p2 =	slt.u32 s8, $0xFFFFF086  }
0x1c: {  	p1 =	slt.u32 s9, $0xF7A;
	s5 =	simm.s32 @!p2 $0x0  }
0x1d: {  	s5 =	simm.s32 @p1 $0x1;
	p0 =	seq.s32 s7, s2  }
0x1e: {  	s7 =	smul.u32 @!p0 $0xF7A, s2;
	p2 =	seq.s32 @!p0 s5, $0x0  }
0x1f: {  	s9 =	smul.u32 $0xF7A, s1;
	s8 =	simm.s32 @!p0 $0x1BF5;
	p2 =	por !p2, p0  }
0x20: {  	[sflag:s8] =	ssyncset.s32 @!p0 $0xFFFFF086;
	s6 =	sadd.s32 @!p0 s3, s7;
	s7 =	simm.s32 @!p0 $0x108  }
0x21: {  	s3 =	sadd.s32 s3, s9;
	s6 =	sadd.s32 @!p0 $0x88, s6;
	s7 =	simm.s32 @p2 $0x1082  }
0x22: {  	[simem:s7], [sflag:s8] =	dma.local @!p0 [hbm:s6], $0xF7A  }
0x23: {  	s9 =	sor.u32 $0xD0000000, s2;
	s6 =	simm.s32 $0x108;
	_ =	swait.ge @!p0 [sflag:s8], $0x0  }
0x24: {  	s3 =	sadd.s32 $0x88, s3;
	s6 =	simm.s32 @!p1 $0x1082;
	[sflag:s4] =	ssyncset.s32 $0xFFFFF086  }
0x25: {  	[simem:s6], [sflag:s4] =	dma.local [hbm:s3], $0xF7A  }
0x26: {  	[smem:$0x3F9C] =	sst s1;
	(tag) =	ssettag s2;
	_ =	strace s9  }
0x27: {  	s1 =	sld [smem:$0x3FAC]  }
0x28: {  	s2 =	sld [smem:$0x3FAD]  }
0x29: {  	s4 =	sld [smem:$0x3FAF]  }
0x2a: {  	p0 =	seq.s32 s5, $0x0;
	s5 =	sld [smem:$0x3FB0]  }
0x2b: {  	s6 =	sld [smem:$0x3FB1]  }
0x2c: {  	s7 =	sld [smem:$0x3FB2]  }
0x2d: {  	s3 =	simm.s32 $0x108;
	s8 =	sld [smem:$0x3FB3]  }
0x2e: {  	s3 =	simm.s32 @!p0 $0x1082;
	s9 =	sld [smem:$0x3FB4]  }
0x2f: {  	lr =	sadd.s32 s0, s3;
	s0 =	sld [smem:$0x3FAB]  }
0x30: {  	s3 =	sld [smem:$0x3FAE]  }
0x31: {  	[smem:$0x3FB7] =	sst s10  }
0x32: {  	s10 =	sld [smem:$0x3FB5];
	_ =	sdelay $0x3  }
0x33: {  	p0 =	seq.s32 s10, $0x1;
	s10 =	sld [smem:$0x3FB7];
	_ =	sdelay $0x3  }
0x34: {  	[smem:$0x3FB7] =	sst s10  }
0x35: {  	s10 =	sld [smem:$0x3FB6];
	_ =	sdelay $0x3  }
0x36: {  	p1 =	seq.s32 s10, $0x1;
	s10 =	sld [smem:$0x3FB7];
	_ =	sdelay $0x3  }
0x37: {  	[smem:$0x3FB7] =	sst s10  }
0x38: {  	s10 =	sld [smem:$0x3FB8]  }
0x39: {  	_ = 	snop;
	(pc) =	sbr.ind lr, $3  }
0x3a: {  	_ = 	snop  }
0x3b: {  	_ = 	snop  }
0x3c: {  	p2 =	seq.s32 s10, $0x1;
	s10 =	sld [smem:$0x3FB7]  }
0x3d: {  	_ =	shalt  }
0x3e: {  	_ =	shalt  }
0x3f: {  	_ =	shalt  }
0x40: {  	_ =	shalt  }
0x41: {  	_ =	shalt  }
0x42: {  	_ =	shalt  }
0x43: {  	_ =	shalt  }
0x44: {  	_ =	shalt  }
0x45: {  	_ =	shalt  }
0x46: {  	_ =	shalt  }
0x47: {  	_ =	shalt  }
0x48: {  	_ =	shalt  }
0x49: {  	_ =	shalt  }
0x4a: {  	_ =	shalt  }
0x4b: {  	_ =	shalt  }
0x4c: {  	_ =	shalt  }
0x4d: {  	_ =	shalt  }
0x4e: {  	_ =	shalt  }
0x4f: {  	_ =	shalt  }
0x50: {  	_ =	shalt  }
0x51: {  	_ =	shalt  }
0x52: {  	_ =	shalt  }
0x53: {  	_ =	shalt  }
0x54: {  	_ =	shalt  }
0x55: {  	_ =	shalt  }
0x56: {  	_ =	shalt  }
0x57: {  	_ =	shalt  }
0x58: {  	_ =	shalt  }
0x59: {  	_ =	shalt  }
0x5a: {  	_ =	shalt  }
0x5b: {  	_ =	shalt  }
0x5c: {  	_ =	shalt  }
0x5d: {  	_ =	shalt  }
0x5e: {  	_ =	shalt  }
0x5f: {  	_ =	shalt  }
0x60: {  	_ =	shalt  }
0x61: {  	_ =	shalt  }
0x62: {  	_ =	shalt  }
0x63: {  	_ =	shalt  }
0x64: {  	_ =	shalt  }
0x65: {  	_ =	shalt  }
0x66: {  	_ =	shalt  }
0x67: {  	_ =	shalt  }
0x68: {  	_ =	shalt  }
0x69: {  	_ =	shalt  }
0x6a: {  	_ =	shalt  }
0x6b: {  	_ =	shalt  }
0x6c: {  	_ =	shalt  }
0x6d: {  	_ =	shalt  }
0x6e: {  	_ =	shalt  }
0x6f: {  	_ =	shalt  }
0x70: {  	_ =	shalt  }
0x71: {  	_ =	shalt  }
0x72: {  	_ =	shalt  }
0x73: {  	_ =	shalt  }
0x74: {  	_ =	shalt  }
0x75: {  	_ =	shalt  }
0x76: {  	_ =	shalt  }
0x77: {  	_ =	shalt  }
0x78: {  	_ =	shalt  }
0x79: {  	_ =	shalt  }
0x7a: {  	_ =	shalt  }
0x7b: {  	_ =	shalt  }
0x7c: {  	_ =	shalt  }
0x7d: {  	_ =	shalt  }
0x7e: {  	_ =	shalt  }
0x7f: {  	_ =	shalt  }
0x80: {  	_ =	shalt  }
0x81: {  	_ =	shalt  }
0x82: {  	_ =	shalt  }
0x83: {  	_ =	shalt  }
0x84: {  	_ =	shalt  }
0x85: {  	_ =	shalt  }
0x86: {  	_ =	shalt  }
0x87: {  	_ =	shalt  }
.Lfunc_end0:
.L_simem_size_0:
called_computation_lowered:
.L_overlay_start_0:
0x88: {  	s0 =	sld [smem:$0x3FD9]  }
0x89: {  	s1 =	sld [smem:$0x3FFE];
	_ =	sdelay $0x3  }
0x8a: {  	s0 =	sadd.s32 s1, s0  }
0x8b: {  	[smem:$0x3FC3] =	sst s0  }
0x8c: {  	_ = 	snop  }
0x8d: {  	s0 =	sld [smem:$0x3FD0];
	(tm) =	ssettm $0x1  }
0x8e: {  	s16 =	sld [smem:$0x3FFB];
	_ =	sdelay $0x3  }
0x8f: {  	_ =	strace s16  }
0x90: {  	s1 =	sld [smem:$0x3FFC];
	_ =	sdelay $0x3  }
0x91: {  	_ =	strace s1  }
0x92: {  	s1 =	sld [smem:$0x3FFD];
	_ =	sdelay $0x3  }
0x93: {  	_ =	strace s1  }
0x94: {  	_ =	strace $0x8FFFFFFF  }
0x95: {  	s17 =	sld [smem:$0x3FDB];
	_ =	sdelay $0x1  }
0x96: {  	s2 =	simm.s32 $_scs_section_size  }
0x97: {  	s3 =	simm.s32 $_size__tile_overlayer_lowered;
	s4 =	simm.s32 $_tile_overlayer_lowered  }
0x98: {  	s20 =	simm.s32 $0x1BFF;
	s19 =	sshll.u32 s4, $0x1;
	s1 =	sadd.s32 s2, s17  }
0x99: {  	s5 =	simm.s32 $0x0;
	s18 =	sshll.u32 s3, $0x1;
	s3 =	sadd.s32 s19, s1  }
0x9a: {  	[timem:s5], [sflag:s20] =	dma.local [hbm:s3], s18  }
0x9b: {  	_ =	swait.ge [sflag:s20], s18  }
0x9c: {  	s2 =	ssub.s32 $0x0, s18;
	[sflag:s20] =	ssyncset.done $0x0  }
0x9d: {  	[sflag:s20] =	ssyncadd.s32 s2;
	_ =	sdelay $0x1  }
0x9e: {  	s21 =	simm.s32 $0x1B8B  }
0x9f: {  	_ =	swait.ge [sflag:s21], $0x1  }
0xa0: {  	[sflag:s21] =	ssyncset.done $0x0  }
0xa1: {  	s23 =	simm.s32 $0x1B8E;
	s22 =	sld [smem:$0x3FFE];
	[sflag:s21] =	ssyncadd.s32 $0xFFFFFFFF  }
0xa2: {  	s24 =	simm.s32 $execute0_lowered;
	[smem:$0x3FD2] =	sst s23  }
0xa3: {  	s3 =	sshll.u32 s24, $0x1;
	_ =	strace $0x80000046;
	[dreg:$0x1] =	wrdreg $0xFFFFFFFF  }
0xa4: {  	s25 =	simm.s32 $_size_execute0_lowered;
	s1 =	sadd.s32 s1, s3;
	[dreg:$0x0] =	wrdreg $0x0  }
0xa5: {  	s3 =	sshll.u32 s25, $0x1;
	[dreg:$0x2] =	wrdreg s1  }
0xa6: {  	[dreg:$0x3] =	wrdreg s3  }
0xa7: {  	[dreg:$0x4] =	wrdreg $0xC0  }
0xa8: {  	_ =	task [dreg:s5], $0x5FFFF  }
0xa9: {  	[dreg:$0x1] =	wrdreg $0xFFFFFFFF  }
0xaa: {  	[dreg:$0x0] =	wrdreg $0x60  }
0xab: {  	[dreg:$0x2] =	wrdreg s22  }
0xac: {  	[dreg:$0x3] =	wrdreg s0  }
0xad: {  	[dreg:$0x4] =	wrdreg $0x34100  }
0xae: {  	[dreg:$0x5] =	wrdreg $0x9  }
0xaf: {  	_ =	task.clear_ibuf [dreg:s5], $0x6FFFF;
	_ =	strace $0x90000046  }
0xb0: {  	s26 =	simm.s32 $0x9;
	_ =	strace $0x80000048  }
0xb1: {  	_ =	swait.ge [sflag:s26], $0x1  }
0xb2: {  	[sflag:s26] =	ssyncadd.s32 $0xFFFFFFFF  }
0xb3: {  	_ =	strace $0x90000048  }
0xb4: {  	_ =	sfence  }
0xb5: {  	s28 =	sld [smem:$0x0];
	_ =	sdelay $0x1  }
0xb6: {  	s29 =	srdreg.scid  }
0xb7: {  	s30 =	sshll.u32 s29, $0xD;
	s31 =	sshrl.u32 s29, $0x2  }
0xb8: {  	s2 =	sand.u32 $0x4000, s30;
	s1 =	sand.u32 $0x1, s29;
	s0 =	sadd.s32 s31, s28  }
0xb9: {  	s1 =	sor.u32 s2, s1;
	s0 =	sshll.u32 s0, $0x11  }
0xba: {  	s0 =	sor.u32 s0, s1  }
0xbb: {  	s0 =	sadd.s32 $0x8F2B, s0  }
0xbc: {  	[sflag:s0] =	ssyncadd.remote.s32 $0x1  }
0xbd: {  	_ =	sfence.sel $0xFFFF  }
0xbe: {  	[dreg:$0x0] =	wrdreg $0xFFFFFFFF;
	(pc) =	sbr.abs _section_cstart, $3  }
0xbf: {  	[dreg:$0x1] =	wrdreg $0xFFFFFFFF  }
0xc0: {  	_ =	task.clear_ibuf [dreg:s5], $0x2FFFF;
	_ =	strace $0x9FFFFFFF  }
0xc1: {  	(tm) =	ssettm $0x7FFFFFFF  }
tec
execute0_lowered:
.L_overlay_start_1:
0x0: {  	(tag) =	ssettag $0x1  }
0x1: {  	s3 =	stileid.u32  }
0x2: {  	s4 =	rddreg [dreg:$0x0];
	s5 =	smul.u32 $0x4F0, s3  }
0x3: {  	s1 =	rddreg [dreg:$0x1]  }
0x4: {  	s2 =	rddreg [dreg:$0x2];
	s8 =	simm.s32 $0x0;
	s5 =	sshrl.u32 s5, $0x3  }
0x5: {  	[smem:$0x7FF] =	sst s8;
	s5 =	sadd.s32 s5, s4  }
0x6: {  	s0 =	rddreg [dreg:$0x3];
	_ =	strace $0x80000047;
	s6 =	sadd.s32 $0xC00, s5  }
0x7: {  	[tilespmem:s8], [sflag:$0x1] =	stream.linear.gather [hbm4b:s6+s8], $0x4F0, $0x38;
	[tilespmem:$0x3530] =	vst v63  }
0x8: {  	s7 =	simm.s32 $0x4F0;
	s13 =	sadd.s32 $0x15E0, s5  }
0x9: {  	[tilespmem:s7], [sflag:$0x1] =	stream.linear.gather [hbm4b:s13+s8], $0x4F0, $0x38;
	[tilespmem:$0x3530] =	vst v63  }
0xa: {  	s15 =	simm.s32 $0x9E0;
	s14 =	sadd.s32 $0x1FC0, s5  }
0xb: {  	[tilespmem:s15], [sflag:$0x1] =	stream.linear.gather [hbm4b:s14+s8], $0x4F0, $0x38;
	[tilespmem:$0x3530] =	vst v63  }
0xc: {  	s9 =	simm.s32 $0xED0;
	s10 =	simm.s32 $0x13C0;
	s17 =	sadd.s32 $0x29A0, s5  }
0xd: {  	[tilespmem:s9], [sflag:$0x1] =	stream.linear.gather [hbm4b:s17+s8], $0x4F0, $0x38;
	[tilespmem:$0x3530] =	vst v63  }
0xe: {  	s21 =	simm.s32 $0x18B0;
	s11 =	simm.s32 $0x1DA0;
	s19 =	sadd.s32 $0x3380, s5  }
0xf: {  	[tilespmem:s10], [sflag:$0x1] =	stream.linear.gather [hbm4b:s19+s8], $0x4F0, $0x38;
	[tilespmem:$0x3530] =	vst v63  }
0x10: {  	s24 =	simm.s32 $0x2290;
	s16 =	sshrl.u32 s3, $0x2;
	s20 =	sadd.s32 $0x3D60, s5  }
0x11: {  	[tilespmem:s21], [sflag:$0x1] =	stream.linear.gather [hbm4b:s20+s8], $0x4F0, $0x38;
	[tilespmem:$0x3530] =	vst v63  }
0x12: {  	s28 =	simm.s32 $0x2780;
	s18 =	sshll.u32 s16, $0x8;
	s23 =	sadd.s32 $0x4740, s5  }
0x13: {  	[tilespmem:s11], [sflag:$0x1] =	stream.linear.gather [hbm4b:s23+s8], $0x4F0, $0x38;
	[tilespmem:$0x3530] =	vst v63  }
0x14: {  	s22 =	sshll.u32 s16, $0x6;
	s5 =	sadd.s32 $0x5120, s5;
	s7 =	sadd.s32 s18, s4  }
0x15: {  	[tilespmem:s24], [sflag:$0x1] =	stream.linear.gather [hbm4b:s5+s8], $0x4F0, $0x38;
	[tilespmem:$0x3530] =	vst v63  }
0x16: {  	s25 =	sshll.u32 s16, $0x5;
	s26 =	sadd.s32 $0x5C00, s7;
	s9 =	sadd.s32 s22, s4  }
0x17: {  	[tilespmem:s28], [sflag:$0x2] =	stream.linear.gather [hbm4b:s26+s8], $0x800, $0x38;
	[tilespmem:$0x3530] =	vst v63  }
0x18: {  	s30 =	simm.s32 $0x2F80;
	s4 =	sadd.s32 s25, s4;
	s29 =	sadd.s32 $0x6000, s9  }
0x19: {  	[tilespmem:s30], [sflag:$0x2] =	stream.linear.gather [hbm4b:s29+s8], $0x200, $0x38;
	[tilespmem:$0x3530] =	vst v63  }
0x1a: {  	s31 =	simm.s32 $0x2;
	s6 =	simm.s32 $0x3180;
	s4 =	sadd.s32 $0x6200, s4  }
0x1b: {  	[tilespmem:s6], [sflag:$0x2] =	stream.linear.gather [hbm4b:s4+s8], $0x100, $0x38;
	[tilespmem:$0x3530] =	vst v63  }
0x1c: {  	_ =	swait.ge [sflag:s31], $0x800  }
0x1d: {  	[sflag:s31] =	ssyncset.done $0x0  }
0x1e: {  	[sflag:s31] =	ssyncadd.s32 $0xFFFFF800  }
0x1f: {  	_ =	swait.ge [sflag:s31], $0x200  }
0x20: {  	[sflag:s31] =	ssyncset.done $0x0  }
0x21: {  	[sflag:s31] =	ssyncadd.s32 $0xFFFFFE00  }
0x22: {  	_ =	swait.ge [sflag:s31], $0x100  }
0x23: {  	[sflag:s31] =	ssyncset.done $0x0  }
0x24: {  	[sflag:s31] =	ssyncadd.s32 $0xFFFFFF00  }
0x25: {  	v0 =	vld [tilespmem:$0x3200]  }
0x26: {  	v1 =	vld [tilespmem:$0x3180]  }
0x27: {  	v2 =	vld [tilespmem:$0x3240]  }
0x28: {  	v3 =	vld [tilespmem:$0x31C0]  }
0x29: {  	v4 =	vld [tilespmem:$0x3210]  }
0x2a: {  	v5 =	vld [tilespmem:$0x3190]  }
0x2b: {  	v6 =	vld [tilespmem:$0x3250]  }
0x2c: {  	v7 =	vld [tilespmem:$0x31D0]  }
0x2d: {  	v8 =	vld [tilespmem:$0x3220]  }
0x2e: {  	v9 =	vld [tilespmem:$0x31A0]  }
0x2f: {  	v10 =	vld [tilespmem:$0x3260]  }
0x30: {  	v11 =	vld [tilespmem:$0x31E0]  }
0x31: {  	v12 =	vld [tilespmem:$0x3230]  }
0x32: {  	v13 =	vld [tilespmem:$0x31B0]  }
0x33: {  	v14 =	vld [tilespmem:$0x3270]  }
0x34: {  	v15 =	vld [tilespmem:$0x31F0];
	_ =	sdelay $0x1  }
0x35: {  	v0 =	vsub.f32 v0, v1;
	v1 =	vsub.f32 v2, v3  }
0x36: {  	v2 =	vsub.f32 v4, v5;
	v3 =	vsub.f32 v6, v7  }
0x37: {  	v4 =	vsub.f32 v10, v11;
	v0 =	vmul.f32 v1, v0;
	v1 =	vsub.f32 v8, v9  }
0x38: {  	v5 =	vsub.f32 v14, v15;
	v2 =	vmul.f32 v3, v2;
	v3 =	vsub.f32 v12, v13  }
0x39: {  	[tilespmem:$0x3280] =	vst v0;
	v0 =	vmul.f32 v4, v1  }
0x3a: {  	[tilespmem:$0x3290] =	vst v2;
	v1 =	vmul.f32 v5, v3  }
0x3b: {  	s4 =	sand.u32 $0x3, s3;
	[tilespmem:$0x32A0] =	vst v0  }
0x3c: {  	s5 =	sshll.u32 s4, $0x7;
	[tilespmem:$0x32B0] =	vst v1  }
0x3d: {  	v4 =	vld [tilespmem:s5+$0x2780]  }
0x3e: {  	v0 =	vld [tilespmem:s5+$0x2980]  }
0x3f: {  	v2 =	vld [tilespmem:s5+$0x2B80]  }
0x40: {  	v3 =	vld [tilespmem:s5+$0x2D80]  }
0x41: {  	v9 =	vld [tilespmem:s5+$0x2F80]  }
0x42: {  	v8 =	vld [tilespmem:s5+$0x2790]  }
0x43: {  	v1 =	vld [tilespmem:s5+$0x2990]  }
0x44: {  	v20 =	vmov s8;
	v5 =	vld [tilespmem:s5+$0x2B90]  }
0x45: {  	v12 =	vand.u32 $0x3F, v20;
	v6 =	vld [tilespmem:s5+$0x2D90]  }
0x46: {  	v14 =	vor.u32 $0x40, v12;
	v11 =	vld [tilespmem:s5+$0x2F90]  }
0x47: {  	v15 =	vor.u32 $0x80, v12;
	v10 =	vld [tilespmem:s5+$0x27A0]  }
0x48: {  	v12 =	vor.u32 $0xC0, v12;
	v7 =	vld [tilespmem:s5+$0x29A0]  }
0x49: {  	v13 =	vld [tilespmem:s5+$0x27B0]  }
0x4a: {  	v21 =	vld.idx.msk [tilespmem:v20+s6+$0x0], $0xffff  }
0x4b: {  	s7 =	simm.s32 $0x1;
	v14 =	vld.idx.msk [tilespmem:v14+s6+$0x0], $0xffff  }
0x4c: {  	v28 =	vmov s7;
	v22 =	vld.idx.msk [tilespmem:v15+s6+$0x0], $0xffff  }
0x4d: {  	v24 =	vld.idx.msk [tilespmem:v12+s6+$0x0], $0xffff;
	v15 =	vand.u32 $0x3F, v28  }
0x4e: {  	v23 =	vimm.f32 $0.0e+00;
	v25 =	vimm.f32 $1.000000000e+00;
	v12 =	vld [tilespmem:s5+$0x2BA0];
	v29 =	vor.u32 $0x40, v15  }
0x4f: {  	v19 =	vld [tilespmem:s5+$0x2DA0];
	v30 =	vor.u32 $0x80, v15;
	v26 =	vor.u32 $0xC0, v15;
	vm2 =	veq.s32 v9, s8  }
0x50: {  	v16 =	vld [tilespmem:s5+$0x2BB0];
	vm1 =	veq.s32 v11, s8;
	v27 =	vmax.f32 v4, v21;
	v31 =	vmax.f32 v8, v21  }
0x51: {  	v17 =	vld [tilespmem:s5+$0x2DB0];
	v32 =	vmax.f32 v10, v21;
	v21 =	vmax.f32 v13, v21;
	v33 =	vmin.f32 v2, v22  }
0x52: {  	v15 =	vld [tilespmem:s5+$0x29B0];
	v34 =	vmin.f32 v3, v24;
	v35 =	vmax.f32 v0, v14;
	v36 =	vmin.f32 v5, v22  }
0x53: {  	v37 =	vmin.f32 v6, v24;
	v38 =	vmax.f32 v1, v14;
	v39 =	vmin.f32 v12, v22  }
0x54: {  	v40 =	vmin.f32 v19, v24;
	v41 =	vmax.f32 v7, v14;
	v27 =	vsub.f32 v33, v27  }
0x55: {  	v22 =	vmin.f32 v16, v22;
	v57 =	vsub.f32 v34, v35;
	v31 =	vsub.f32 v36, v31  }
0x56: {  	v24 =	vmin.f32 v17, v24;
	v58 =	vsub.f32 v37, v38;
	v32 =	vsub.f32 v39, v32  }
0x57: {  	v18 =	vld [tilespmem:s5+$0x2FA0];
	v59 =	vsub.f32 v40, v41;
	v60 =	vmax.f32 v15, v14;
	v21 =	vsub.f32 v22, v21  }
0x58: {  	v14 =	vld [tilespmem:s5+$0x2FB0];
	v22 =	vsub.f32 v24, v60;
	v27 =	vmax.f32 v27, $0.0e+00;
	v24 =	vmax.f32 v57, $0.0e+00  }
0x59: {  	v31 =	vmax.f32 v31, $0.0e+00;
	v61 =	vmax.f32 v58, $0.0e+00;
	v62 =	vmax.f32 v59, $0.0e+00  }
0x5a: {  	s9 =	simm.s32 $0x3280;
	v33 =	vld.idx.msk [tilespmem:v28+s6+$0x0], $0xffff;
	v21 =	vmax.f32 v21, $0.0e+00;
	v24 =	vmul.f32 v24, v27;
	v22 =	vmax.f32 v22, $0.0e+00  }
0x5b: {  	v27 =	vmax.f32 v32, $0.0e+00;
	v31 =	vmul.f32 v61, v31;
	v21 =	vmul.f32 v22, v21;
	v22 =	vld.idx.msk [tilespmem:v28+s9+$0x0], $0xffff  }
0x5c: {  	vm0 =	veq.s32 v18, s8;
	v32 =	vmul.f32 v62, v27;
	v28 =	vld.idx.msk [tilespmem:v29+s6+$0x0], $0xffff;
	v29 =	vimm.f32 $1.000000000e+00  }
0x5d: {  	v27 =	vld.idx.msk [tilespmem:v20+s9+$0x0], $0xffff;
	v24 =	vsel vm2, $0x0, v24;
	v20 =	vsel vm1, $0x0, v31;
	vm1 =	veq.s32 v14, s8  }
0x5e: {  	vm2 =	vgt.f32 v24, v23;
	v31 =	vsel vm0, $0x0, v32;
	v63 =	vsel vm1, $0x0, v21  }
0x5f: {  	vm1 =	vgt.f32 v20, v23;
	v32 =	vld.idx.msk [tilespmem:v30+s6+$0x0], $0xffff;
	v30 =	vimm.f32 $1.000000000e+00;
	v24 =	vsel vm2, v24, v23  }
0x60: {  	vm3 =	vgt.f32 v31, v23;
	vm0 =	vgt.f32 v63, v23;
	v20 =	vsel vm1, v20, v23  }
0x61: {  	s8 =	simm.s32 $0x2;
	v21 =	vsel vm3, v31, v23;
	v23 =	vsel vm0, v63, v23;
	v31 =	vimm.f32 $1.000000000e+00  }
.LBB2_1:
0x62: {  	p0 =	sne.s32 s8, $0x3F;
	v34 =	vld.idx.msk [tilespmem:v26+s6+$0x0], $0xffff;
	v25 =	vsel vm2, v27, v25;
	v29 =	vsel vm1, v27, v29;
	v30 =	vsel vm3, v27, v30  }
0x63: {  	v35 =	vmov s8;
	v31 =	vsel vm0, v27, v31;
	v27 =	vmov v22  }
0x64: {  	vm2 =	veq.s32 v9, s7;
	v22 =	vand.u32 $0x3F, v35  }
0x65: {  	vm1 =	veq.s32 v11, s7;
	vm0 =	veq.s32 v18, s7;
	v36 =	vor.u32 $0x40, v22  }
0x66: {  	v37 =	vor.u32 $0x80, v22;
	v26 =	vor.u32 $0xC0, v22;
	v38 =	vmax.f32 v4, v33  }
0x67: {  	v39 =	vmax.f32 v8, v33;
	v40 =	vmax.f32 v10, v33;
	v33 =	vmax.f32 v13, v33  }
0x68: {  	v43 =	vmax.f32 v0, v28;
	v41 =	vmin.f32 v2, v32;
	v42 =	vmin.f32 v3, v34;
	v22 =	vld.idx.msk [tilespmem:v35+s9+$0x0], $0xffff  }
0x69: {  	v46 =	vmax.f32 v1, v28;
	v44 =	vmin.f32 v5, v32;
	v45 =	vmin.f32 v6, v34  }
0x6a: {  	v49 =	vmax.f32 v7, v28;
	v47 =	vmin.f32 v12, v32;
	v48 =	vmin.f32 v19, v34  }
0x6b: {  	v32 =	vmin.f32 v16, v32;
	v38 =	vsub.f32 v41, v38;
	v41 =	vsub.f32 v42, v43  }
0x6c: {  	v39 =	vsub.f32 v44, v39;
	v34 =	vmin.f32 v17, v34;
	v42 =	vsub.f32 v45, v46  }
0x6d: {  	v28 =	vmax.f32 v15, v28;
	v40 =	vsub.f32 v47, v40;
	v43 =	vsub.f32 v48, v49  }
0x6e: {  	v32 =	vsub.f32 v32, v33;
	v28 =	vsub.f32 v34, v28;
	v38 =	vmax.f32 v38, $0.0e+00  }
0x6f: {  	v34 =	vmax.f32 v39, $0.0e+00;
	v33 =	vmax.f32 v41, $0.0e+00;
	v39 =	vmax.f32 v42, $0.0e+00  }
0x70: {  	v33 =	vmul.f32 v33, v38;
	v38 =	vmax.f32 v40, $0.0e+00;
	v40 =	vmax.f32 v43, $0.0e+00  }
0x71: {  	v32 =	vmax.f32 v32, $0.0e+00;
	v28 =	vmax.f32 v28, $0.0e+00;
	v34 =	vmul.f32 v39, v34  }
.Ltmp0:
0x72: {  	v28 =	vmul.f32 v28, v32;
	v38 =	vmul.f32 v40, v38;
	v39 =	vsel vm2, $0x0, v33;
	(pc) =	sbr.rel @p0 .LBB2_1-.Ltmp0, $4  }
0x73: {  	v34 =	vsel vm1, $0x0, v34;
	vm1 =	veq.s32 v14, s7;
	s7 =	smov.u32 s8;
	vm2 =	vgt.f32 v39, v24  }
0x74: {  	v24 =	vsel vm2, v39, v24;
	v33 =	vld.idx.msk [tilespmem:v35+s6+$0x0], $0xffff;
	v35 =	vsel vm0, $0x0, v38;
	v38 =	vsel vm1, $0x0, v28  }
0x75: {  	vm1 =	vgt.f32 v34, v20;
	v28 =	vld.idx.msk [tilespmem:v36+s6+$0x0], $0xffff;
	vm3 =	vgt.f32 v35, v21;
	vm0 =	vgt.f32 v38, v23  }
0x76: {  	s8 =	sadd.s32 $0x1, s8;
	v20 =	vsel vm1, v34, v20;
	v32 =	vld.idx.msk [tilespmem:v37+s6+$0x0], $0xffff;
	v21 =	vsel vm3, v35, v21;
	v23 =	vsel vm0, v38, v23  }
0x77: {  	_ =	sdelay $0x1  }
0x78: {  	v25 =	vsel vm2, v27, v25  }
0x79: {  	v29 =	vsel vm1, v27, v29;
	v30 =	vsel vm3, v27, v30;
	v27 =	vsel vm0, v27, v31  }
0x7a: {  	v26 =	vld.idx.msk [tilespmem:v26+s6+$0x0], $0xffff;
	vm2 =	veq.s32 v9, s7;
	vm1 =	veq.s32 v11, s7;
	vm0 =	veq.s32 v18, s7  }
0x7b: {  	v37 =	vimm.f32 $0.0e+00;
	v4 =	vmax.f32 v4, v33;
	v8 =	vmax.f32 v8, v33  }
0x7c: {  	v9 =	vmax.f32 v10, v33;
	v10 =	vmax.f32 v13, v33;
	v0 =	vmax.f32 v0, v28  }
0x7d: {  	s8 =	simm.s32 $0x0;
	v1 =	vmax.f32 v1, v28;
	v31 =	vmax.f32 v7, v28;
	v15 =	vmax.f32 v15, v28  }
0x7e: {  	v7 =	vld [tilespmem:s5+$0x2DC0];
	v28 =	vmov s8;
	v2 =	vmin.f32 v2, v32;
	v13 =	vmin.f32 v5, v32  }
0x7f: {  	v5 =	vld [tilespmem:s5+$0x27C0];
	v12 =	vmin.f32 v12, v32;
	v11 =	vmin.f32 v3, v26;
	v18 =	vmin.f32 v6, v26  }
0x80: {  	v19 =	vmin.f32 v19, v26;
	v3 =	vld [tilespmem:s5+$0x29C0];
	v2 =	vsub.f32 v2, v4;
	v8 =	vsub.f32 v13, v8  }
0x81: {  	v6 =	vld [tilespmem:s5+$0x2BC0];
	v4 =	vmin.f32 v16, v32;
	v9 =	vsub.f32 v12, v9;
	v0 =	vsub.f32 v11, v0  }
0x82: {  	v13 =	vmin.f32 v17, v26;
	v1 =	vsub.f32 v18, v1;
	v12 =	vsub.f32 v19, v31;
	v11 =	vld [tilespmem:s5+$0x2FC0]  }
0x83: {  	v17 =	vand.u32 $0x3F, v28;
	v4 =	vsub.f32 v4, v10;
	v10 =	vld [tilespmem:s5+$0x27D0];
	v13 =	vsub.f32 v13, v15  }
0x84: {  	v18 =	vor.u32 $0x40, v17;
	v31 =	vor.u32 $0xC0, v17;
	v15 =	vmax.f32 v8, $0.0e+00;
	v8 =	vld [tilespmem:s5+$0x29D0]  }
0x85: {  	v2 =	vmax.f32 v2, $0.0e+00;
	v0 =	vmax.f32 v0, $0.0e+00;
	v16 =	vmax.f32 v12, $0.0e+00;
	v12 =	vld [tilespmem:s5+$0x2DD0]  }
0x86: {  	v1 =	vmax.f32 v1, $0.0e+00;
	v0 =	vmul.f32 v0, v2;
	v2 =	vmax.f32 v9, $0.0e+00;
	v9 =	vld [tilespmem:s5+$0x2BD0]  }
0x87: {  	v4 =	vmax.f32 v4, $0.0e+00;
	v13 =	vmax.f32 v13, $0.0e+00;
	v1 =	vmul.f32 v1, v15;
	v15 =	vld [tilespmem:s5+$0x2FD0]  }
0x88: {  	v19 =	vmul.f32 v13, v4;
	v13 =	vld [tilespmem:s5+$0x29E0];
	v2 =	vmul.f32 v16, v2;
	v0 =	vsel vm2, $0x0, v0  }
0x89: {  	v16 =	vld [tilespmem:s5+$0x27E0];
	v1 =	vsel vm1, $0x0, v1;
	vm1 =	veq.s32 v14, s7;
	vm2 =	vgt.f32 v0, v24  }
0x8a: {  	v26 =	vor.u32 $0x80, v17;
	v14 =	vld [tilespmem:s5+$0x2FE0];
	v17 =	vsel vm1, $0x0, v19;
	v4 =	vsel vm2, v0, v24  }
0x8b: {  	s7 =	simm.s32 $0x3180;
	v19 =	vld [tilespmem:s5+$0x27F0];
	v0 =	vsel vm0, $0x0, v2;
	vm0 =	vgt.f32 v1, v20;
	vm3 =	vgt.f32 v17, v23  }
0x8c: {  	v52 =	vld.idx.msk [tilespmem:v18+s7+$0x0], $0xffff;
	vm1 =	vgt.f32 v0, v21;
	v2 =	vsel vm0, v1, v20;
	v20 =	vsel vm0, v22, v29  }
0x8d: {  	s6 =	simm.s32 $0x1;
	v24 =	vld.idx.msk [tilespmem:v28+s7+$0x0], $0xffff;
	v1 =	vsel vm1, v0, v21;
	v0 =	vsel vm3, v17, v23;
	v21 =	vsel vm2, v22, v25  }
0x8e: {  	v18 =	vsel vm1, v22, v30;
	v17 =	vsel vm3, v22, v27;
	v22 =	vld.idx.msk [tilespmem:v31+s7+$0x0], $0xffff;
	v31 =	vmov s6  }
0x8f: {  	v29 =	vimm.f32 $1.000000000e+00;
	vm0 =	veq.s32 v11, s8;
	v30 =	vld.idx.msk [tilespmem:v26+s7+$0x0], $0xffff;
	v25 =	vand.u32 $0x3F, v31  }
0x90: {  	v23 =	vld [tilespmem:s5+$0x2BE0];
	vm2 =	veq.s32 v15, s8;
	vm1 =	veq.s32 v14, s8;
	v36 =	vor.u32 $0x40, v25  }
0x91: {  	v26 =	vld [tilespmem:s5+$0x2DE0];
	v38 =	vor.u32 $0x80, v25;
	v35 =	vor.u32 $0xC0, v25;
	v43 =	vmax.f32 v3, v52  }
0x92: {  	v27 =	vld [tilespmem:s5+$0x2BF0];
	v46 =	vmax.f32 v8, v52;
	v49 =	vmax.f32 v13, v52;
	v53 =	vmax.f32 v5, v24  }
0x93: {  	v25 =	vld [tilespmem:s5+$0x2DF0];
	v34 =	vmax.f32 v10, v24;
	v39 =	vmax.f32 v16, v24;
	v40 =	vmax.f32 v19, v24  }
0x94: {  	v24 =	vld [tilespmem:s5+$0x29F0];
	v41 =	vmin.f32 v6, v30;
	v42 =	vmin.f32 v7, v22;
	v44 =	vmin.f32 v9, v30  }
0x95: {  	v45 =	vmin.f32 v12, v22;
	v47 =	vmin.f32 v23, v30;
	v33 =	vsub.f32 v41, v53  }
0x96: {  	v48 =	vmin.f32 v26, v22;
	v54 =	vsub.f32 v42, v43;
	v34 =	vsub.f32 v44, v34  }
0x97: {  	v30 =	vmin.f32 v27, v30;
	v55 =	vsub.f32 v45, v46;
	v39 =	vsub.f32 v47, v39  }
0x98: {  	v57 =	vsub.f32 v48, v49;
	v30 =	vsub.f32 v30, v40;
	v56 =	vmin.f32 v25, v22  }
0x99: {  	v32 =	vmax.f32 v24, v52;
	v33 =	vmax.f32 v33, $0.0e+00;
	v58 =	vmax.f32 v54, $0.0e+00  }
0x9a: {  	v22 =	vld [tilespmem:s5+$0x2FF0];
	v34 =	vmax.f32 v34, $0.0e+00;
	v59 =	vmax.f32 v55, $0.0e+00;
	v39 =	vmax.f32 v39, $0.0e+00  }
0x9b: {  	v60 =	vmax.f32 v57, $0.0e+00;
	v32 =	vsub.f32 v56, v32;
	v33 =	vmul.f32 v58, v33  }
0x9c: {  	v40 =	vld.idx.msk [tilespmem:v38+s7+$0x0], $0xffff;
	v38 =	vimm.f32 $1.000000000e+00;
	v41 =	vmul.f32 v59, v34;
	v39 =	vmul.f32 v60, v39  }
0x9d: {  	s5 =	simm.s32 $0x3280;
	v30 =	vmax.f32 v30, $0.0e+00;
	v32 =	vmax.f32 v32, $0.0e+00;
	v61 =	vsel vm0, $0x0, v33  }
0x9e: {  	v34 =	vld.idx.msk [tilespmem:v28+s5+$0x0], $0xffff;
	v62 =	vsel vm2, $0x0, v41;
	v39 =	vsel vm1, $0x0, v39;
	v30 =	vmul.f32 v32, v30  }
0x9f: {  	v33 =	vld.idx.msk [tilespmem:v31+s5+$0x0], $0xffff;
	vm0 =	vgt.f32 v61, v37;
	vm2 =	veq.s32 v22, s8;
	vm3 =	vgt.f32 v39, v37  }
0xa0: {  	v41 =	vld.idx.msk [tilespmem:v31+s7+$0x0], $0xffff;
	v28 =	vsel vm0, v61, v37;
	v31 =	vsel vm3, v39, v37;
	v63 =	vsel vm2, $0x0, v30  }
0xa1: {  	v39 =	vimm.f32 $1.000000000e+00;
	vm2 =	vgt.f32 v62, v37;
	vm1 =	vgt.f32 v63, v37  }
0xa2: {  	v36 =	vld.idx.msk [tilespmem:v36+s7+$0x0], $0xffff;
	s8 =	simm.s32 $0x2;
	v30 =	vsel vm2, v62, v37;
	v32 =	vsel vm1, v63, v37;
	v37 =	vimm.f32 $1.000000000e+00  }
.LBB2_3:
0xa3: {  	p0 =	sne.s32 s8, $0x3F;
	v42 =	vld.idx.msk [tilespmem:v35+s7+$0x0], $0xffff;
	v29 =	vsel vm0, v34, v29;
	v37 =	vsel vm2, v34, v37;
	v38 =	vsel vm3, v34, v38  }
0xa4: {  	v43 =	vmov s8;
	v39 =	vsel vm1, v34, v39;
	v34 =	vmov v33  }
0xa5: {  	vm0 =	veq.s32 v11, s6;
	v33 =	vand.u32 $0x3F, v43  }
0xa6: {  	vm2 =	veq.s32 v15, s6;
	vm1 =	veq.s32 v14, s6;
	v44 =	vor.u32 $0x40, v33  }
0xa7: {  	v45 =	vor.u32 $0x80, v33;
	v35 =	vor.u32 $0xC0, v33;
	v46 =	vmax.f32 v5, v41  }
0xa8: {  	v47 =	vmax.f32 v10, v41;
	v48 =	vmax.f32 v16, v41;
	v41 =	vmax.f32 v19, v41  }
0xa9: {  	v51 =	vmax.f32 v3, v36;
	v49 =	vmin.f32 v6, v40;
	v50 =	vmin.f32 v7, v42;
	v33 =	vld.idx.msk [tilespmem:v43+s5+$0x0], $0xffff  }
0xaa: {  	v54 =	vmax.f32 v8, v36;
	v52 =	vmin.f32 v9, v40;
	v53 =	vmin.f32 v12, v42  }
0xab: {  	v57 =	vmax.f32 v13, v36;
	v55 =	vmin.f32 v23, v40;
	v56 =	vmin.f32 v26, v42  }
0xac: {  	v40 =	vmin.f32 v27, v40;
	v46 =	vsub.f32 v49, v46;
	v49 =	vsub.f32 v50, v51  }
0xad: {  	v47 =	vsub.f32 v52, v47;
	v42 =	vmin.f32 v25, v42;
	v50 =	vsub.f32 v53, v54  }
0xae: {  	v36 =	vmax.f32 v24, v36;
	v48 =	vsub.f32 v55, v48;
	v51 =	vsub.f32 v56, v57  }
0xaf: {  	v40 =	vsub.f32 v40, v41;
	v36 =	vsub.f32 v42, v36;
	v46 =	vmax.f32 v46, $0.0e+00  }
0xb0: {  	v42 =	vmax.f32 v47, $0.0e+00;
	v41 =	vmax.f32 v49, $0.0e+00;
	v47 =	vmax.f32 v50, $0.0e+00  }
0xb1: {  	v41 =	vmul.f32 v41, v46;
	v46 =	vmax.f32 v48, $0.0e+00;
	v48 =	vmax.f32 v51, $0.0e+00  }
0xb2: {  	v40 =	vmax.f32 v40, $0.0e+00;
	v36 =	vmax.f32 v36, $0.0e+00;
	v42 =	vmul.f32 v47, v42  }
.Ltmp1:
0xb3: {  	v36 =	vmul.f32 v36, v40;
	v46 =	vmul.f32 v48, v46;
	v47 =	vsel vm0, $0x0, v41;
	(pc) =	sbr.rel @p0 .LBB2_3-.Ltmp1, $4  }
0xb4: {  	v42 =	vsel vm2, $0x0, v42;
	vm2 =	veq.s32 v22, s6;
	s6 =	smov.u32 s8;
	vm0 =	vgt.f32 v47, v28  }
0xb5: {  	v28 =	vsel vm0, v47, v28;
	v41 =	vld.idx.msk [tilespmem:v43+s7+$0x0], $0xffff;
	v43 =	vsel vm1, $0x0, v46;
	v46 =	vsel vm2, $0x0, v36  }
0xb6: {  	vm2 =	vgt.f32 v42, v30;
	v36 =	vld.idx.msk [tilespmem:v44+s7+$0x0], $0xffff;
	vm3 =	vgt.f32 v43, v31;
	vm1 =	vgt.f32 v46, v32  }
0xb7: {  	s8 =	sadd.s32 $0x1, s8;
	v30 =	vsel vm2, v42, v30;
	v40 =	vld.idx.msk [tilespmem:v45+s7+$0x0], $0xffff;
	v31 =	vsel vm3, v43, v31;
	v32 =	vsel vm1, v46, v32  }
0xb8: {  	_ =	sdelay $0x2  }
0xb9: {  	v42 =	vimm.f32 $0.0e+00  }
0xba: {  	v35 =	vld.idx.msk [tilespmem:v35+s7+$0x0], $0xffff;
	[tilespmem:$0x32C0] =	vst v42  }
0xbb: {  	[tilespmem:$0x32D0] =	vst v42  }
0xbc: {  	[tilespmem:$0x32E0] =	vst v42  }
0xbd: {  	[tilespmem:$0x32F0] =	vst v42  }
0xbe: {  	[tilespmem:$0x3300] =	vst v42  }
0xbf: {  	[tilespmem:$0x3310] =	vst v42  }
0xc0: {  	[tilespmem:$0x3320] =	vst v42  }
0xc1: {  	[tilespmem:$0x3330] =	vst v42  }
0xc2: {  	[tilespmem:$0x3340] =	vst v42  }
0xc3: {  	[tilespmem:$0x3350] =	vst v42  }
0xc4: {  	[tilespmem:$0x3360] =	vst v42  }
0xc5: {  	[tilespmem:$0x3370] =	vst v42  }
0xc6: {  	[tilespmem:$0x3380] =	vst v42  }
0xc7: {  	[tilespmem:$0x3390] =	vst v42  }
0xc8: {  	[tilespmem:$0x33A0] =	vst v42  }
0xc9: {  	[tilespmem:$0x33B0] =	vst v42  }
0xca: {  	[tilespmem:$0x33C0] =	vst v42  }
0xcb: {  	[tilespmem:$0x33D0] =	vst v42  }
0xcc: {  	[tilespmem:$0x33E0] =	vst v42  }
0xcd: {  	s31 =	simm.s32 $0x0;
	[tilespmem:$0x33F0] =	vst v42  }
0xce: {  	v42 =	vld [tilespmem:s31+$0x2F80];
	_ =	sdelay $0x5  }
0xcf: {  	v29 =	vsel vm0, v34, v29;
	v37 =	vsel vm2, v34, v37;
	v38 =	vsel vm3, v34, v38  }
0xd0: {  	v60 =	vsel vm1, v34, v39;
	vm10 =	veq.s32 v11, s6;
	v11 =	vimm.f32 $1.000000000e+00;
	s5 =	simm.s32 $0x32C0  }
0xd1: {  	vm11 =	veq.s32 v15, s6;
	v5 =	vmax.f32 v5, v41;
	v10 =	vmax.f32 v10, v41;
	[tilespmem:v42+s5+$0x0] =	vst.idx.add.f32.msk $0xffff, v11  }
0xd2: {  	v15 =	vmax.f32 v16, v41;
	v16 =	vmax.f32 v19, v41;
	v61 =	vadd.s32 $0x40, v42;
	v19 =	vld [tilespmem:s31+$0x2780]  }
0xd3: {  	v3 =	vmax.f32 v3, v36;
	v8 =	vmax.f32 v8, v36;
	v13 =	vmax.f32 v13, v36  }
0xd4: {  	v6 =	vmin.f32 v6, v40;
	v9 =	vmin.f32 v9, v40;
	v23 =	vmin.f32 v23, v40  }
0xd5: {  	v7 =	vmin.f32 v7, v35;
	v12 =	vmin.f32 v12, v35;
	v26 =	vmin.f32 v26, v35  }
0xd6: {  	v5 =	vsub.f32 v6, v5;
	v6 =	vmin.f32 v27, v40;
	v3 =	vsub.f32 v7, v3  }
0xd7: {  	vm12 =	veq.s32 v14, s6;
	v7 =	vsub.f32 v9, v10;
	v8 =	vsub.f32 v12, v8;
	[tilespmem:v61+s5+$0x0] =	vst.idx.add.f32.msk $0xffff, v19  }
0xd8: {  	v9 =	vmin.f32 v25, v35;
	v10 =	vsub.f32 v23, v15;
	v63 =	vadd.s32 $0x80, v42;
	v62 =	vld [tilespmem:s31+$0x2980]  }
0xd9: {  	v13 =	vsub.f32 v26, v13;
	v15 =	vmax.f32 v24, v36;
	v6 =	vsub.f32 v6, v16  }
0xda: {  	v5 =	vmax.f32 v5, $0.0e+00;
	v9 =	vsub.f32 v9, v15;
	v3 =	vmax.f32 v3, $0.0e+00  }
0xdb: {  	v7 =	vmax.f32 v7, $0.0e+00;
	v8 =	vmax.f32 v8, $0.0e+00;
	v6 =	vmax.f32 v6, $0.0e+00  }
0xdc: {  	v3 =	vmul.f32 v3, v5;
	v5 =	vmax.f32 v10, $0.0e+00;
	v10 =	vmax.f32 v13, $0.0e+00  }
0xdd: {  	v7 =	vmul.f32 v8, v7;
	v8 =	vmax.f32 v9, $0.0e+00;
	v9 =	vadd.s32 $0xC0, v42;
	[tilespmem:v63+s5+$0x0] =	vst.idx.add.f32.msk $0xffff, v62  }
0xde: {  	v5 =	vmul.f32 v10, v5;
	v6 =	vmul.f32 v8, v6;
	v3 =	vsel vm10, $0x0, v3;
	v8 =	vld [tilespmem:s31+$0x2B80]  }
0xdf: {  	vm13 =	veq.s32 v22, s6;
	v7 =	vsel vm11, $0x0, v7;
	vm1 =	vgt.f32 v3, v28  }
0xe0: {  	vm14 =	vgt.f32 v7, v30;
	v16 =	vsel vm1, v3, v28;
	v3 =	vsel vm12, $0x0, v5  }
0xe1: {  	v5 =	vsel vm13, $0x0, v6;
	v7 =	vsel vm14, v7, v30;
	v24 =	vsel vm1, v33, v29  }
0xe2: {  	v23 =	vsel vm14, v33, v37;
	vm2 =	vgt.f32 v3, v31;
	vm15 =	vgt.f32 v5, v32  }
0xe3: {  	v6 =	vsel vm2, v3, v31;
	v3 =	vsel vm15, v5, v32;
	[tilespmem:v9+s5+$0x0] =	vst.idx.add.f32.msk $0xffff, v8  }
0xe4: {  	s6 =	simm.s32 $0x40;
	s8 =	simm.s32 $0x80;
	v22 =	vsel vm2, v33, v38;
	v19 =	vsel vm15, v33, v60;
	v8 =	vadd.s32 $0x100, v42;
	v5 =	vld [tilespmem:s31+$0x2D80]  }
.LBB2_5:
0xe5: {  	_ =	sdelay $0x2  }
0xe6: {  	p0 =	sne.s32 s8, $0x7C0  }
0xe7: {  	s7 =	sshra.s32 s6, $0x2;
	s6 =	smov.u32 s8;
	s8 =	sadd.s32 $0x40, s8;
	[tilespmem:v8+s5+$0x0] =	vst.idx.add.f32.msk $0xffff, v5  }
0xe8: {  	v8 =	vld [tilespmem:s7+$0x2F80];
	_ =	sdelay $0x7  }
0xe9: {  	[tilespmem:v8+s5+$0x0] =	vst.idx.add.f32.msk $0xffff, v11  }
0xea: {  	v9 =	vadd.s32 $0x40, v8;
	v5 =	vld [tilespmem:s7+$0x2780];
	_ =	sdelay $0x4  }
0xeb: {  	[tilespmem:v9+s5+$0x0] =	vst.idx.add.f32.msk $0xffff, v5  }
0xec: {  	v9 =	vadd.s32 $0x80, v8;
	v5 =	vld [tilespmem:s7+$0x2980];
	_ =	sdelay $0x4  }
0xed: {  	[tilespmem:v9+s5+$0x0] =	vst.idx.add.f32.msk $0xffff, v5  }
0xee: {  	v9 =	vadd.s32 $0xC0, v8;
	v5 =	vld [tilespmem:s7+$0x2B80];
	_ =	sdelay $0x1  }
.Ltmp2:
0xef: {  	(pc) =	sbr.rel @p0 .LBB2_5-.Ltmp2, $3  }
0xf0: {  	_ =	sdelay $0x1  }
0xf1: {  	[tilespmem:v9+s5+$0x0] =	vst.idx.add.f32.msk $0xffff, v5  }
0xf2: {  	v8 =	vadd.s32 $0x100, v8;
	v5 =	vld [tilespmem:s7+$0x2D80]  }
0xf3: {  	_ =	sdelay $0x3  }
0xf4: {  	s6 =	sshra.s32 s6, $0x2;
	[tilespmem:v8+s5+$0x0] =	vst.idx.add.f32.msk $0xffff, v5  }
0xf5: {  	v5 =	vld [tilespmem:s6+$0x2F80];
	_ =	sdelay $0x7  }
0xf6: {  	[tilespmem:v5+s5+$0x0] =	vst.idx.add.f32.msk $0xffff, v11  }
0xf7: {  	v9 =	vadd.s32 $0x40, v5;
	v8 =	vld [tilespmem:s6+$0x2780];
	_ =	sdelay $0x4  }
0xf8: {  	[tilespmem:v9+s5+$0x0] =	vst.idx.add.f32.msk $0xffff, v8  }
0xf9: {  	v9 =	vadd.s32 $0x80, v5;
	v8 =	vld [tilespmem:s6+$0x2980];
	_ =	sdelay $0x4  }
0xfa: {  	[tilespmem:v9+s5+$0x0] =	vst.idx.add.f32.msk $0xffff, v8  }
0xfb: {  	v9 =	vadd.s32 $0xC0, v5;
	v8 =	vld [tilespmem:s6+$0x2B80];
	_ =	sdelay $0x4  }
0xfc: {  	[tilespmem:v9+s5+$0x0] =	vst.idx.add.f32.msk $0xffff, v8  }
0xfd: {  	v5 =	vadd.s32 $0x100, v5;
	v8 =	vld [tilespmem:s6+$0x2D80];
	_ =	sdelay $0x4  }
0xfe: {  	s4 =	sshll.u32 s4, $0x4;
	[tilespmem:v5+s5+$0x0] =	vst.idx.add.f32.msk $0xffff, v8  }
0xff: {  	v5 =	vld [tilespmem:s4+$0x32C0]  }
0x100: {  	v15 =	vld [tilespmem:s4+$0x3300]  }
0x101: {  	v13 =	vld [tilespmem:s4+$0x3340]  }
0x102: {  	v11 =	vld [tilespmem:s4+$0x3380]  }
0x103: {  	v9 =	vld [tilespmem:s4+$0x33C0]  }
0x104: {  	v14 =	vld [tilespmem:s4+$0x3180]  }
0x105: {  	v12 =	vld [tilespmem:s4+$0x31C0]  }
0x106: {  	s28 =	simm.s32 $0x1;
	v10 =	vld [tilespmem:s4+$0x3200]  }
0x107: {  	v8 =	vld [tilespmem:s4+$0x3240];
	_ =	swait.ge [sflag:s28], $0x4F0  }
0x108: {  	[sflag:s28] =	ssyncset.done $0x0  }
0x109: {  	[sflag:s28] =	ssyncadd.s32 $0xFFFFFB10  }
0x10a: {  	_ =	swait.ge [sflag:s28], $0x4F0  }
0x10b: {  	[sflag:s28] =	ssyncset.done $0x0  }
0x10c: {  	[sflag:s28] =	ssyncadd.s32 $0xFFFFFB10  }
0x10d: {  	_ =	swait.ge [sflag:s28], $0x4F0  }
0x10e: {  	[sflag:s28] =	ssyncset.done $0x0  }
0x10f: {  	[sflag:s28] =	ssyncadd.s32 $0xFFFFFB10  }
0x110: {  	_ =	swait.ge [sflag:s28], $0x4F0  }
0x111: {  	[sflag:s28] =	ssyncset.done $0x0  }
0x112: {  	[sflag:s28] =	ssyncadd.s32 $0xFFFFFB10  }
0x113: {  	_ =	swait.ge [sflag:s28], $0x4F0  }
0x114: {  	[sflag:s28] =	ssyncset.done $0x0  }
0x115: {  	[sflag:s28] =	ssyncadd.s32 $0xFFFFFB10  }
0x116: {  	_ =	swait.ge [sflag:s28], $0x4F0  }
0x117: {  	[sflag:s28] =	ssyncset.done $0x0  }
0x118: {  	[sflag:s28] =	ssyncadd.s32 $0xFFFFFB10  }
0x119: {  	_ =	swait.ge [sflag:s28], $0x4F0  }
0x11a: {  	[sflag:s28] =	ssyncset.done $0x0  }
0x11b: {  	[sflag:s28] =	ssyncadd.s32 $0xFFFFFB10  }
0x11c: {  	_ =	swait.ge [sflag:s28], $0x4F0  }
0x11d: {  	[sflag:s28] =	ssyncset.done $0x0  }
0x11e: {  	s29 =	simm.s32 $0x13C0;
	[sflag:s28] =	ssyncadd.s32 $0xFFFFFB10  }
0x11f: {  	v25 =	vld [tilespmem:s29+$0x9F0]  }
0x120: {  	v26 =	vld [tilespmem:s29+$0xFFFFF140]  }
0x121: {  	v27 =	vld [tilespmem:s29+$0x10]  }
0x122: {  	v28 =	vld [tilespmem:s29+$0xFFFFF630]  }
0x123: {  	v29 =	vld [tilespmem:s29+$0xFFFFFB20]  }
0x124: {  	v30 =	vld [tilespmem:s29+$0xFFFFEC50]  }
0x125: {  	v31 =	vld [tilespmem:s29+$0x500]  }
0x126: {  	v32 =	vld [tilespmem:s29+$0xEE0]  }
0x127: {  	v33 =	vld [tilespmem:s29+$0x9E0]  }
0x128: {  	v34 =	vld [tilespmem:s29+$0xFFFFEC40]  }
0x129: {  	v35 =	vld [tilespmem:s29+$0xED0]  }
0x12a: {  	v38 =	vld [tilespmem:s29+$0xFFFFFB10];
	v36 =	vmin.f32 v28, v25;
	v37 =	vmax.f32 v30, v27  }
0x12b: {  	v39 =	vld [tilespmem:s29+$0x0];
	v28 =	vsub.f32 v28, v30;
	v30 =	vmax.f32 v26, v31;
	v26 =	vsub.f32 v29, v26  }
0x12c: {  	v29 =	vmin.f32 v29, v32;
	v25 =	vsub.f32 v25, v27;
	v27 =	vsub.f32 v32, v31;
	v31 =	vld [tilespmem:s29+$0x4F0]  }
0x12d: {  	v59 =	vsub.f32 v36, v37;
	v29 =	vsub.f32 v29, v30;
	v30 =	vld [tilespmem:s29+$0xFFFFF620]  }
0x12e: {  	v26 =	vmul.f32 v26, v28;
	v25 =	vmul.f32 v27, v25;
	v27 =	vld [tilespmem:s29+$0xFFFFF130]  }
0x12f: {  	s30 =	simm.s32 $0x13E0;
	v28 =	vmax.f32 v59, $0.0e+00;
	v29 =	vmax.f32 v29, $0.0e+00  }
0x130: {  	v62 =	vld [tilespmem:s30+$0x9E0];
	v61 =	vsub.f32 v33, v39;
	v25 =	vadd.f32 v25, v26;
	v26 =	vmul.f32 v29, v28  }
0x131: {  	v63 =	vld [tilespmem:s30+$0xFFFFF630];
	v28 =	vmax.f32 v34, v39;
	v29 =	vmin.f32 v38, v35;
	v60 =	vsub.f32 v35, v31  }
0x132: {  	v44 =	vld [tilespmem:s30+$0xFFFFEC50];
	v25 =	vsub.f32 v25, v26;
	v33 =	vmin.f32 v30, v33;
	v30 =	vsub.f32 v30, v34  }
0x133: {  	v45 =	vld [tilespmem:s30+$0x500];
	v31 =	vmax.f32 v27, v31;
	v27 =	vsub.f32 v38, v27;
	v28 =	vsub.f32 v33, v28  }
0x134: {  	v46 =	vld [tilespmem:s30+$0xEE0];
	v32 =	vmul.f32 v60, v61;
	v25 =	vmax.f32 v25, $9.999999970e-07;
	v29 =	vsub.f32 v29, v31  }
0x135: {  	v49 =	vld [tilespmem:s30+$0x0];
	(erf) = vrcp.f32 v25;
	v27 =	vmul.f32 v27, v30  }
0x136: {  	v42 =	vld [tilespmem:s30+$0x4F0];
	v28 =	vmax.f32 v28, $0.0e+00;
	v29 =	vmax.f32 v29, $0.0e+00  }
0x137: {  	v53 =	vld [tilespmem:s30+$0xFFFFF130];
	v28 =	vmul.f32 v29, v28;
	v27 =	vadd.f32 v32, v27  }
0x138: {  	v31 =	vld [tilespmem:s30+$0xFFFFF140]  }
0x139: {  	v29 =	vld [tilespmem:s30+$0xFFFFFB20];
	v27 =	vsub.f32 v27, v28  }
0x13a: {  	v30 =	vld [tilespmem:s30+$0x10]  }
0x13b: {  	v25 =	vld [tilespmem:s30+$0x9F0];
	v27 =	vmax.f32 v27, $9.999999970e-07  }
0x13c: {  	v41 =	vld [tilespmem:s30+$0xFFFFFB10];
	v55 =	vsub.f32 v62, v49  }
0x13d: {  	v56 =	vmax.f32 v53, v42;
	v32 =	vsub.f32 v63, v44;
	v50 =	vmax.f32 v31, v45  }
0x13e: {  	v47 =	vld [tilespmem:s30+$0xFFFFEC40];
	(erf) = vrcp.f32 v27;
	v31 =	vsub.f32 v29, v31;
	v29 =	vmin.f32 v29, v46;
	v27 =	vpop (erf)  }
0x13f: {  	v40 =	vmax.f32 v44, v30;
	v29 =	vsub.f32 v29, v50;
	v26 =	vmul.f32 v27, v26  }
0x140: {  	v48 =	vld [tilespmem:s30+$0xED0];
	v27 =	vmin.f32 v63, v25;
	v25 =	vsub.f32 v25, v30;
	v30 =	vsub.f32 v46, v45  }
0x141: {  	v35 =	vsub.f32 v41, v53;
	v51 =	vmax.f32 v26, $9.999999970e-07;
	v26 =	vsub.f32 v27, v40;
	v27 =	vld [tilespmem:s30+$0xFFFFF620]  }
0x142: {  	v31 =	vmul.f32 v31, v32;
	v29 =	vmax.f32 v29, $0.0e+00;
	v25 =	vmul.f32 v30, v25  }
0x143: {  	v30 =	vmax.f32 v47, v49;
	v52 =	vand.u32 $0x7FFFFF, v51;
	v26 =	vmax.f32 v26, $0.0e+00  }
0x144: {  	v54 =	vor.u32 $0x3F800000, v52;
	v25 =	vadd.f32 v25, v31;
	v29 =	vmul.f32 v29, v26  }
0x145: {  	s31 =	simm.s32 $0x1400;
	v26 =	vmin.f32 v41, v48;
	v33 =	vmul.f32 $5.000000000e-01, v54;
	vm0 =	vgt.f32 v54, $1.414213540e+00  }
0x146: {  	v60 =	vld [tilespmem:s31+$0xFFFFFB20];
	v25 =	vsub.f32 v25, v29;
	v36 =	vmin.f32 v27, v62;
	v27 =	vsub.f32 v27, v47  }
0x147: {  	v63 =	vld [tilespmem:s31+$0xFFFFEC50];
	v31 =	vsub.f32 v48, v42;
	v26 =	vsub.f32 v26, v56;
	v32 =	vsel vm0, v33, v54  }
0x148: {  	v45 =	vld [tilespmem:s31+$0xEE0];
	v57 =	vpop (erf);
	v58 =	vadd.f32 $1.000000000e+00, v32;
	v25 =	vmax.f32 v25, $9.999999970e-07;
	v27 =	vmul.f32 v35, v27  }
0x149: {  	v41 =	vld [tilespmem:s31+$0xFFFFEC40];
	(erf) = vrcp.f32 v25;
	v25 =	vmul.f32 v57, v28;
	v28 =	vsub.f32 v36, v30  }
0x14a: {  	v30 =	vmul.f32 v31, v55;
	v31 =	vld [tilespmem:s31+$0xFFFFF140];
	(erf) = vrcp.f32 v58  }
0x14b: {  	v36 =	vld [tilespmem:s31+$0x10];
	v59 =	vmax.f32 v25, $9.999999970e-07;
	v25 =	vmax.f32 v26, $0.0e+00;
	v26 =	vmax.f32 v28, $0.0e+00  }
0x14c: {  	v34 =	vshrl.u32 v51, $0x17;
	v57 =	vld [tilespmem:s31+$0x0];
	v28 =	vand.u32 $0x7FFFFF, v59;
	v37 =	vmul.f32 v25, v26  }
0x14d: {  	v58 =	vld [tilespmem:s31+$0x9E0];
	v26 =	vadd.f32 v30, v27;
	v25 =	vimm.s32 $0x0;
	v27 =	vor.u32 $0x3F800000, v28  }
0x14e: {  	v33 =	vld [tilespmem:s31+$0x9F0];
	v32 =	vadd.f32 $-1.000000000e+00, v32;
	v61 =	vsel vm0, $0x1, v25;
	v28 =	vmul.f32 $5.000000000e-01, v27  }
0x14f: {  	v30 =	vld [tilespmem:s31+$0xFFFFF630];
	v62 =	vsub.f32 v26, v37;
	vm14 =	vgt.f32 v27, $1.414213540e+00;
	v26 =	vimm.f32 $0.0e+00  }
0x150: {  	v46 =	vmax.f32 v63, v36;
	v50 =	vsub.f32 v60, v31;
	v43 =	vsel vm14, v28, v27  }
0x151: {  	v44 =	vsel vm14, $0x1, v25;
	v28 =	vmax.f32 v62, $9.999999970e-07;
	v51 =	vadd.f32 $1.000000000e+00, v43  }
0x152: {  	v39 =	vsub.f32 v58, v57;
	v27 =	vadd.s32 v61, v34;
	(erf) = vrcp.f32 v28;
	v52 =	vpop (erf)  }
0x153: {  	v34 =	vld [tilespmem:s31+$0x500];
	v62 =	vmax.f32 v41, v57;
	v28 =	vshrl.u32 v59, $0x17;
	v53 =	vpop (erf);
	(erf) = vrcp.f32 v51  }
0x154: {  	v40 =	vld [tilespmem:s31+$0xED0];
	v55 =	vmin.f32 v30, v33;
	v42 =	vsub.f32 v30, v63;
	v59 =	vmin.f32 v60, v45  }
0x155: {  	v33 =	vsub.f32 v33, v36;
	v61 =	vadd.f32 $-1.000000000e+00, v43;
	v54 =	vadd.s32 v44, v28;
	v44 =	vld [tilespmem:s31+$0xFFFFFB10]  }
0x156: {  	v49 =	vld [tilespmem:s31+$0x4F0];
	v29 =	vmul.f32 v52, v29;
	v56 =	vadd.s32 $0xFFFFFF81, v54;
	v60 =	vmul.f32 v50, v42  }
0x157: {  	v51 =	vld [tilespmem:s31+$0xFFFFF620];
	v28 =	vmul.f32 v53, v32;
	v32 =	vsub.f32 v55, v46;
	v30 =	vcvt.s32.f32 v56  }
0x158: {  	v52 =	vld [tilespmem:s31+$0xFFFFF130];
	v29 =	vmax.f32 v29, $9.999999970e-07;
	v31 =	vmax.f32 v31, v34;
	v34 =	vsub.f32 v45, v34  }
0x159: {  	v47 =	vshrl.u32 v29, $0x17;
	v48 =	vand.u32 $0x7FFFFF, v29;
	v29 =	vmul.f32 v28, v28  }
0x15a: {  	v32 =	vmax.f32 v32, $0.0e+00;
	v35 =	vsub.f32 v59, v31;
	v63 =	vmin.f32 v44, v40  }
0x15b: {  	v40 =	vsub.f32 v40, v49;
	v48 =	vor.u32 $0x3F800000, v48;
	v33 =	vmul.f32 v34, v33;
	v50 =	vpop (erf)  }
0x15c: {  	vm15 =	vgt.f32 v48, $1.414213540e+00;
	v53 =	vmul.f32 $5.000000000e-01, v48;
	v46 =	vmin.f32 v51, v58;
	v31 =	vpop (erf)  }
0x15d: {  	v49 =	vmax.f32 v52, v49;
	v41 =	vsub.f32 v51, v41;
	v31 =	vmul.f32 v31, v61  }
0x15e: {  	v55 =	vmax.f32 v35, $0.0e+00;
	v56 =	vsub.f32 v44, v52;
	v57 =	vmul.f32 $1.111111120e-01, v29  }
0x15f: {  	v42 =	vsub.f32 v46, v62;
	v39 =	vmul.f32 v40, v39;
	v35 =	vmul.f32 v31, v31  }
0x160: {  	v54 =	vsub.f32 v63, v49;
	v38 =	vadd.f32 v33, v60;
	v33 =	vmul.f32 v55, v32  }
0x161: {  	v63 =	vsel vm15, $0x1, v25;
	v36 =	vsel vm15, v53, v48;
	v58 =	vmul.f32 $1.111111120e-01, v35  }
0x162: {  	v41 =	vmul.f32 v56, v41;
	v60 =	vadd.f32 $1.428571490e-01, v57;
	v40 =	vmax.f32 v54, $0.0e+00  }
0x163: {  	v59 =	vmax.f32 v42, $0.0e+00;
	v38 =	vsub.f32 v38, v33;
	v34 =	vadd.f32 $1.428571490e-01, v58  }
0x164: {  	v32 =	vmul.f32 v40, v59;
	v39 =	vadd.f32 v39, v41;
	v62 =	vmul.f32 v60, v29  }
0x165: {  	v61 =	vadd.f32 $1.000000000e+00, v36;
	v38 =	vmax.f32 v38, $9.999999970e-07;
	v34 =	vmul.f32 v34, v35  }
0x166: {  	v39 =	vsub.f32 v39, v32;
	(erf) = vrcp.f32 v38;
	v41 =	vadd.f32 $2.000000030e-01, v62  }
0x167: {  	v37 =	vmul.f32 v50, v37;
	(erf) = vrcp.f32 v61;
	v51 =	vadd.f32 $2.000000030e-01, v34  }
0x168: {  	s5 =	simm.s32 $0x1420;
	s4 =	simm.s32 $0x4;
	v38 =	vmax.f32 v39, $9.999999970e-07;
	v50 =	vmul.f32 v41, v29;
	v34 =	vadd.s32 v63, v47  }
.LBB2_7:
0x169: {  	v39 =	vld [tilespmem:s5+$0x9E0];
	s4 =	sadd.s32 $0x2, s4;
	v40 =	vmul.f32 v51, v35;
	v30 =	vmul.f32 $6.931471820e-01, v30  }
0x16a: {  	v42 =	vadd.f32 v28, v28;
	v41 =	vld [tilespmem:s5+$0x9F0];
	p0 =	slt.u32 s4, $0x4C;
	(erf) = vrcp.f32 v38;
	v38 =	vadd.f32 $3.333333430e-01, v50  }
0x16b: {  	v28 =	vmax.f32 v37, $9.999999970e-07;
	v43 =	vld [tilespmem:s5+$0xFFFFF140];
	v37 =	vadd.f32 $3.333333430e-01, v40;
	v40 =	vadd.s32 $0xFFFFFF81, v27;
	v27 =	vmovc v34  }
0x16c: {  	v36 =	vadd.f32 $-1.000000000e+00, v36;
	v44 =	vshrl.u32 v28, $0x17;
	v28 =	vand.u32 $0x7FFFFF, v28;
	v34 =	vld [tilespmem:s5+$0x10]  }
0x16d: {  	v28 =	vor.u32 $0x3F800000, v28;
	v29 =	vmul.f32 v38, v29;
	v45 =	vld [tilespmem:s5+$0xFFFFF630];
	v35 =	vmul.f32 v37, v35  }
0x16e: {  	vm0 =	vgt.f32 v28, $1.414213540e+00;
	v38 =	vmul.f32 $5.000000000e-01, v28;
	v40 =	vcvt.s32.f32 v40;
	v37 =	vld [tilespmem:s5+$0xFFFFFB20]  }
0x16f: {  	v31 =	vadd.f32 v31, v31;
	v48 =	vsel vm0, $0x1, v25;
	v46 =	vld [tilespmem:s5+$0xFFFFEC40];
	v47 =	vpop (erf);
	v35 =	vadd.f32 $1.000000000e+00, v35  }
0x170: {  	v44 =	vadd.s32 v48, v44;
	v38 =	vsel vm0, v38, v28;
	v49 =	vld [tilespmem:s5+$0xFFFFEC50];
	v33 =	vmul.f32 v47, v33;
	v28 =	vpop (erf)  }
0x171: {  	v48 =	vadd.f32 $1.000000000e+00, v38;
	v47 =	vld [tilespmem:s5+$0x500];
	v28 =	vmul.f32 v28, v36;
	v31 =	vmul.f32 v35, v31  }
0x172: {  	v40 =	vmul.f32 $6.931471820e-01, v40;
	v44 =	vadd.s32 $0xFFFFFF81, v44;
	v35 =	vld [tilespmem:s5+$0xED0];
	v36 =	vmin.f32 v45, v41  }
0x173: {  	v33 =	vmax.f32 v33, $9.999999970e-07;
	v50 =	vld [tilespmem:s5+$0xEE0];
	v51 =	vpop (erf);
	(erf) = vrcp.f32 v48;
	v48 =	vadd.f32 $1.000000000e+00, v29  }
0x174: {  	v53 =	vshrl.u32 v33, $0x17;
	v33 =	vand.u32 $0x7FFFFF, v33;
	v29 =	vmul.f32 v28, v28;
	v52 =	vld [tilespmem:s5+$0xFFFFFB10]  }
0x175: {  	v54 =	vld [tilespmem:s5+$0x0];
	v55 =	vmax.f32 v49, v34;
	v45 =	vsub.f32 v45, v49;
	v42 =	vmul.f32 v48, v42  }
0x176: {  	v31 =	vadd.f32 v31, v30;
	v48 =	vld [tilespmem:s5+$0x4F0];
	v36 =	vsub.f32 v36, v55;
	v49 =	vmax.f32 v43, v47  }
0x177: {  	v30 =	vcvt.s32.f32 v44;
	v43 =	vsub.f32 v37, v43;
	v55 =	vld [tilespmem:s5+$0xFFFFF620];
	v40 =	vadd.f32 v42, v40  }
0x178: {  	v26 =	vsub.f32 v26, v31;
	v42 =	vld [tilespmem:s5+$0xFFFFF130];
	v44 =	vmax.f32 v36, $0.0e+00;
	v36 =	vmin.f32 v37, v50  }
0x179: {  	v34 =	vsub.f32 v41, v34;
	v31 =	vadd.f32 $-1.000000000e+00, v38;
	v37 =	vmul.f32 v43, v45  }
0x17a: {  	v41 =	vmin.f32 v52, v35;
	v26 =	vsub.f32 v26, v40;
	v38 =	vmax.f32 v46, v54  }
0x17b: {  	v33 =	vor.u32 $0x3F800000, v33;
	v36 =	vsub.f32 v36, v49;
	v35 =	vsub.f32 v35, v48  }
0x17c: {  	vm0 =	vgt.f32 v33, $1.414213540e+00;
	v43 =	vmul.f32 $5.000000000e-01, v33;
	v40 =	vsub.f32 v39, v54;
	v45 =	vpop (erf)  }
0x17d: {  	v47 =	vsub.f32 v50, v47;
	v39 =	vmin.f32 v55, v39;
	v31 =	vmul.f32 v45, v31  }
0x17e: {  	v38 =	vsub.f32 v39, v38;
	v39 =	vmax.f32 v42, v48;
	v40 =	vmul.f32 v35, v40  }
0x17f: {  	v34 =	vmul.f32 v47, v34;
	v39 =	vsub.f32 v41, v39;
	v41 =	vsub.f32 v55, v46  }
0x180: {  	v45 =	vmax.f32 v36, $0.0e+00;
	v36 =	vsel vm0, v43, v33;
	v35 =	vmul.f32 v31, v31  }
0x181: {  	v34 =	vadd.f32 v34, v37;
	v37 =	vmul.f32 $1.111111120e-01, v29;
	v42 =	vsub.f32 v52, v42  }
0x182: {  	v33 =	vmul.f32 v45, v44;
	v39 =	vmax.f32 v39, $0.0e+00;
	v43 =	vmul.f32 $1.111111120e-01, v35  }
0x183: {  	v37 =	vadd.f32 $1.428571490e-01, v37;
	v38 =	vmax.f32 v38, $0.0e+00;
	v41 =	vmul.f32 v42, v41  }
0x184: {  	v34 =	vsub.f32 v34, v33;
	v38 =	vmul.f32 v39, v38;
	v39 =	vadd.f32 $1.428571490e-01, v43  }
.Ltmp3:
0x185: {  	v37 =	vmul.f32 v37, v29;
	v40 =	vadd.f32 v40, v41;
	v41 =	vadd.f32 $1.000000000e+00, v36;
	(pc) =	sbr.rel @p0 .LBB2_7-.Ltmp3, $4  }
0x186: {  	v42 =	vsel vm0, $0x1, v25;
	v34 =	vmax.f32 v34, $9.999999970e-07;
	v39 =	vmul.f32 v39, v35  }
0x187: {  	v43 =	vadd.f32 $2.000000030e-01, v37;
	v40 =	vsub.f32 v40, v38;
	(erf) = vrcp.f32 v34  }
0x188: {  	v37 =	vmul.f32 v51, v32;
	v32 =	vmovc v38;
	v51 =	vadd.f32 $2.000000030e-01, v39;
	(erf) = vrcp.f32 v41  }
0x189: {  	s5 =	sadd.s32 $0x20, s5;
	v50 =	vmul.f32 v43, v29;
	v38 =	vmax.f32 v40, $9.999999970e-07;
	v34 =	vadd.s32 v42, v53  }
0x18a: {  	(erf) = vrcp.f32 v38;
	_ =	sdelay $0x6  }
0x18b: {  	v49 =	vpop (erf)  }
0x18c: {  	v52 =	vpop (erf)  }
0x18d: {  	v33 =	vmul.f32 v49, v33;
	v53 =	vpop (erf)  }
0x18e: {  	v45 =	vmax.f32 v37, $9.999999970e-07;
	v32 =	vmul.f32 v53, v32  }
0x18f: {  	v37 =	vand.u32 $0x7FFFFF, v45;
	v41 =	vmax.f32 v33, $9.999999970e-07  }
0x190: {  	v54 =	vor.u32 $0x3F800000, v37;
	v55 =	vand.u32 $0x7FFFFF, v41;
	v40 =	vmax.f32 v32, $9.999999970e-07  }
0x191: {  	v56 =	vmul.f32 $5.000000000e-01, v54;
	v37 =	vor.u32 $0x3F800000, v55;
	v57 =	vand.u32 $0x7FFFFF, v40  }
0x192: {  	vm5 =	vgt.f32 v54, $1.414213540e+00;
	v39 =	vmul.f32 $5.000000000e-01, v37;
	v38 =	vor.u32 $0x3F800000, v57  }
0x193: {  	v53 =	vsel vm5, v56, v54;
	vm4 =	vgt.f32 v37, $1.414213540e+00;
	v58 =	vmul.f32 $5.000000000e-01, v38  }
0x194: {  	v33 =	vadd.f32 $1.000000000e+00, v53;
	v49 =	vsel vm4, v39, v37;
	vm1 =	vgt.f32 v38, $1.414213540e+00  }
0x195: {  	v37 =	vadd.f32 $1.000000000e+00, v49;
	v44 =	vsel vm1, v58, v38  }
0x196: {  	(erf) = vrcp.f32 v33;
	v32 =	vadd.f32 $1.000000000e+00, v44  }
0x197: {  	(erf) = vrcp.f32 v37  }
0x198: {  	(erf) = vrcp.f32 v32  }
0x199: {  	(erf) = vrcp.f32 v21;
	_ =	sdelay $0x5  }
0x19a: {  	v54 =	vpop (erf)  }
0x19b: {  	v55 =	vpop (erf)  }
0x19c: {  	v46 =	vpop (erf)  }
0x19d: {  	v21 =	vpop (erf)  }
0x19e: {  	v56 =	vmul.f32 v21, v4;
	_ =	sdelay $0x1  }
0x19f: {  	v21 =	vsub.f32 $1.000000000e+00, v56;
	_ =	sdelay $0x1  }
0x1a0: {  	v57 =	vmax.f32 v21, $9.999999970e-07  }
0x1a1: {  	v21 =	vand.u32 $0x7FFFFF, v57  }
0x1a2: {  	v21 =	vor.u32 $0x3F800000, v21  }
0x1a3: {  	v59 =	vmul.f32 $5.000000000e-01, v21  }
0x1a4: {  	vm6 =	vgt.f32 v21, $1.414213540e+00  }
0x1a5: {  	v21 =	vsel vm6, v59, v21  }
0x1a6: {  	v32 =	vadd.f32 $1.000000000e+00, v21;
	_ =	sdelay $0x1  }
0x1a7: {  	(erf) = vrcp.f32 v32  }
0x1a8: {  	(erf) = vrcp.f32 v20;
	_ =	sdelay $0x7  }
0x1a9: {  	v60 =	vpop (erf)  }
0x1aa: {  	v61 =	vpop (erf)  }
0x1ab: {  	v33 =	vmul.f32 v61, v2;
	_ =	sdelay $0x1  }
0x1ac: {  	v32 =	vsub.f32 $1.000000000e+00, v33;
	_ =	sdelay $0x1  }
0x1ad: {  	v37 =	vmax.f32 v32, $9.999999970e-07  }
0x1ae: {  	v32 =	vand.u32 $0x7FFFFF, v37  }
0x1af: {  	v32 =	vor.u32 $0x3F800000, v32  }
0x1b0: {  	v62 =	vmul.f32 $5.000000000e-01, v32  }
0x1b1: {  	vm2 =	vgt.f32 v32, $1.414213540e+00  }
0x1b2: {  	v43 =	vsel vm2, v62, v32  }
0x1b3: {  	v32 =	vadd.f32 $1.000000000e+00, v43;
	_ =	sdelay $0x1  }
0x1b4: {  	(erf) = vrcp.f32 v32  }
0x1b5: {  	(erf) = vrcp.f32 v18;
	_ =	sdelay $0x7  }
0x1b6: {  	v42 =	vpop (erf)  }
0x1b7: {  	v18 =	vpop (erf)  }
0x1b8: {  	v32 =	vmul.f32 v18, v1;
	_ =	sdelay $0x1  }
0x1b9: {  	v18 =	vsub.f32 $1.000000000e+00, v32;
	_ =	sdelay $0x1  }
0x1ba: {  	v39 =	vmax.f32 v18, $9.999999970e-07  }
0x1bb: {  	v18 =	vand.u32 $0x7FFFFF, v39  }
0x1bc: {  	v18 =	vor.u32 $0x3F800000, v18  }
0x1bd: {  	v63 =	vmul.f32 $5.000000000e-01, v18  }
0x1be: {  	vm3 =	vgt.f32 v18, $1.414213540e+00  }
0x1bf: {  	v47 =	vsel vm3, v63, v18  }
0x1c0: {  	v18 =	vadd.f32 $1.000000000e+00, v47;
	_ =	sdelay $0x1  }
0x1c1: {  	(erf) = vrcp.f32 v18  }
0x1c2: {  	(erf) = vrcp.f32 v17;
	_ =	sdelay $0x1  }
0x1c3: {  	v21 =	vadd.f32 $-1.000000000e+00, v21;
	_ =	sdelay $0x1  }
0x1c4: {  	v18 =	vmul.f32 v60, v21;
	_ =	sdelay $0x1  }
0x1c5: {  	v51 =	vmul.f32 v51, v35;
	v58 =	vmul.f32 v18, v18  }
0x1c6: {  	v36 =	vadd.f32 $-1.000000000e+00, v36;
	v30 =	vmul.f32 $6.931471820e-01, v30;
	v27 =	vadd.s32 $0xFFFFFF81, v27  }
0x1c7: {  	v34 =	vadd.s32 $0xFFFFFF81, v34;
	v27 =	vcvt.s32.f32 v27;
	v59 =	vmul.f32 $1.111111120e-01, v58;
	v48 =	vpop (erf)  }
0x1c8: {  	v31 =	vadd.f32 v31, v31;
	v45 =	vshrl.u32 v45, $0x17;
	v34 =	vcvt.s32.f32 v34;
	v38 =	vpop (erf)  }
0x1c9: {  	v27 =	vmul.f32 $6.931471820e-01, v27;
	v60 =	vadd.f32 $1.428571490e-01, v59;
	v20 =	vmul.f32 v38, v0  }
0x1ca: {  	v34 =	vmul.f32 $6.931471820e-01, v34;
	v41 =	vshrl.u32 v41, $0x17;
	v44 =	vadd.f32 $-1.000000000e+00, v44  }
0x1cb: {  	v43 =	vadd.f32 $-1.000000000e+00, v43;
	v17 =	vmul.f32 v60, v58;
	v61 =	vsub.f32 $1.000000000e+00, v20  }
0x1cc: {  	v44 =	vmul.f32 v46, v44;
	vm15 =	vgt.f32 v56, $8.999999760e-01;
	v57 =	vshrl.u32 v57, $0x17  }
0x1cd: {  	v42 =	vmul.f32 v42, v43;
	v17 =	vadd.f32 $2.000000030e-01, v17;
	v21 =	vmax.f32 v61, $9.999999970e-07  }
0x1ce: {  	v63 =	vadd.f32 $3.333333430e-01, v51;
	v18 =	vadd.f32 v18, v18;
	v62 =	vand.u32 $0x7FFFFF, v21  }
0x1cf: {  	v60 =	vmul.f32 v17, v58;
	v17 =	vimm.s32 $0x0;
	v38 =	vor.u32 $0x3F800000, v62  }
0x1d0: {  	v61 =	vsel vm6, $0x1, v17;
	v62 =	vadd.f32 $3.333333430e-01, v50;
	v59 =	vmul.f32 $5.000000000e-01, v38  }
0x1d1: {  	v57 =	vadd.s32 v61, v57;
	v50 =	vsel vm5, $0x1, v25;
	vm0 =	vgt.f32 v38, $1.414213540e+00  }
0x1d2: {  	v45 =	vadd.s32 v50, v45;
	v29 =	vmul.f32 v62, v29;
	v38 =	vsel vm0, v59, v38  }
0x1d3: {  	v45 =	vadd.s32 $0xFFFFFF81, v45;
	v59 =	vadd.f32 $3.333333430e-01, v60;
	v60 =	vadd.f32 $1.000000000e+00, v38  }
0x1d4: {  	v21 =	vshrl.u32 v21, $0x17;
	v45 =	vcvt.s32.f32 v45;
	v29 =	vadd.f32 $1.000000000e+00, v29  }
0x1d5: {  	v38 =	vadd.f32 $-1.000000000e+00, v38;
	v58 =	vmul.f32 v59, v58;
	(erf) = vrcp.f32 v60  }
0x1d6: {  	v45 =	vmul.f32 $6.931471820e-01, v45;
	v60 =	vadd.s32 $0xFFFFFF81, v57;
	(erf) = vrcp.f32 v24  }
0x1d7: {  	v57 =	vadd.f32 $-1.000000000e+00, v53;
	v51 =	vcvt.s32.f32 v60;
	v61 =	vadd.f32 $1.000000000e+00, v58  }
0x1d8: {  	v24 =	vmul.f32 v63, v35;
	v35 =	vmul.f32 v52, v36;
	v63 =	vadd.f32 $-8.999999760e-01, v56  }
0x1d9: {  	v58 =	vadd.f32 v28, v28;
	v18 =	vmul.f32 v61, v18;
	v51 =	vmul.f32 $6.931471820e-01, v51  }
0x1da: {  	v24 =	vadd.f32 $1.000000000e+00, v24;
	v36 =	vmul.f32 $1.000000000e+01, v63;
	v53 =	vmul.f32 v35, v35  }
0x1db: {  	v29 =	vmul.f32 v29, v58;
	v35 =	vadd.f32 v35, v35;
	v18 =	vadd.f32 v18, v51  }
0x1dc: {  	v24 =	vmul.f32 v24, v31;
	v31 =	vmul.f32 v54, v57;
	v51 =	vsel vm4, $0x1, v25  }
0x1dd: {  	v36 =	vadd.f32 $2.302585120e+00, v36;
	v27 =	vadd.f32 v29, v27;
	v62 =	vmul.f32 $1.111111120e-01, v53  }
0x1de: {  	v25 =	vsel vm1, $0x1, v25;
	v41 =	vadd.s32 v51, v41;
	v59 =	vsub.f32 $0.0e+00, v18;
	v28 =	vpop (erf)  }
0x1df: {  	v24 =	vadd.f32 v24, v30;
	v30 =	vmul.f32 v31, v31;
	v29 =	vadd.f32 $1.428571490e-01, v62;
	v60 =	vpop (erf)  }
0x1e0: {  	v31 =	vadd.f32 v31, v31;
	v41 =	vadd.s32 $0xFFFFFF81, v41;
	v18 =	vmul.f32 v60, v16  }
0x1e1: {  	v41 =	vcvt.s32.f32 v41;
	v36 =	vsel vm15, v36, v59;
	v63 =	vmul.f32 $1.111111120e-01, v30  }
0x1e2: {  	v24 =	vsub.f32 v26, v24;
	v58 =	vmul.f32 v29, v53;
	v61 =	vsub.f32 $1.000000000e+00, v18  }
0x1e3: {  	v59 =	vadd.f32 $-1.000000000e+00, v49;
	v28 =	vmul.f32 v28, v38;
	v57 =	vadd.f32 $1.428571490e-01, v63  }
0x1e4: {  	v41 =	vmul.f32 $6.931471820e-01, v41;
	v27 =	vsub.f32 v24, v27;
	v26 =	vmax.f32 v61, $9.999999970e-07  }
0x1e5: {  	v54 =	vmul.f32 v55, v59;
	v24 =	vmul.f32 v57, v30;
	v56 =	vand.u32 $0x7FFFFF, v26  }
0x1e6: {  	v55 =	vshrl.u32 v40, $0x17;
	v59 =	vadd.f32 $-1.000000000e+00, v47;
	v50 =	vor.u32 $0x3F800000, v56  }
0x1e7: {  	v47 =	vmul.f32 v42, v42;
	v24 =	vadd.f32 $2.000000030e-01, v24;
	v60 =	vmul.f32 $5.000000000e-01, v50  }
0x1e8: {  	v25 =	vadd.s32 v25, v55;
	v46 =	vmul.f32 v54, v54;
	vm1 =	vgt.f32 v50, $1.414213540e+00  }
0x1e9: {  	v61 =	vadd.f32 $2.000000030e-01, v58;
	v24 =	vmul.f32 v24, v30;
	v29 =	vsel vm1, v60, v50  }
0x1ea: {  	v48 =	vmul.f32 v48, v59;
	v59 =	vsel vm2, $0x1, v17;
	v62 =	vadd.f32 $1.000000000e+00, v29  }
0x1eb: {  	v49 =	vmul.f32 v61, v53;
	v56 =	vmul.f32 $1.111111120e-01, v46;
	v24 =	vadd.f32 $3.333333430e-01, v24  }
0x1ec: {  	v25 =	vadd.s32 $0xFFFFFF81, v25;
	v50 =	vmul.f32 v44, v44;
	(erf) = vrcp.f32 v62  }
0x1ed: {  	v40 =	vadd.f32 $1.428571490e-01, v56;
	v24 =	vmul.f32 v24, v30;
	(erf) = vrcp.f32 v23  }
0x1ee: {  	v54 =	vadd.f32 v54, v54;
	v63 =	vadd.f32 $3.333333430e-01, v49;
	v52 =	vmul.f32 $1.111111120e-01, v50  }
0x1ef: {  	v26 =	vshrl.u32 v26, $0x17;
	v57 =	vmul.f32 v40, v46;
	v24 =	vadd.f32 $1.000000000e+00, v24  }
0x1f0: {  	v44 =	vadd.f32 v44, v44;
	v49 =	vadd.f32 $1.428571490e-01, v52;
	v23 =	vmul.f32 v63, v53  }
0x1f1: {  	v62 =	vmul.f32 $1.111111120e-01, v47;
	v24 =	vmul.f32 v24, v31;
	v31 =	vadd.f32 $2.000000030e-01, v57  }
0x1f2: {  	v29 =	vadd.f32 $-1.000000000e+00, v29;
	v49 =	vmul.f32 v49, v50;
	v23 =	vadd.f32 $1.000000000e+00, v23  }
0x1f3: {  	v45 =	vadd.f32 v24, v45;
	v61 =	vmul.f32 v31, v46;
	v31 =	vadd.f32 $1.428571490e-01, v62  }
0x1f4: {  	v62 =	vshrl.u32 v37, $0x17;
	v58 =	vadd.f32 $2.000000030e-01, v49;
	v35 =	vmul.f32 v23, v35  }
0x1f5: {  	v52 =	vadd.f32 $3.333333430e-01, v61;
	v55 =	vmul.f32 v31, v47;
	v61 =	vsel vm3, $0x1, v17;
	v43 =	vpop (erf)  }
0x1f6: {  	vm3 =	vgt.f32 v4, $0.0e+00;
	v4 =	vadd.s32 v59, v62;
	v59 =	vadd.f32 v48, v48;
	v60 =	vpop (erf)  }
0x1f7: {  	v62 =	vadd.f32 $-8.999999760e-01, v32;
	v27 =	vsub.f32 v27, v45;
	v23 =	vmul.f32 v60, v7  }
0x1f8: {  	v40 =	vmul.f32 v58, v50;
	v34 =	vadd.f32 v35, v34;
	v4 =	vadd.s32 $0xFFFFFF81, v4  }
0x1f9: {  	v36 =	vnsel vm3, $0x0, v36;
	v46 =	vmul.f32 v52, v46;
	v49 =	vsub.f32 $1.000000000e+00, v23  }
0x1fa: {  	v30 =	vadd.f32 $2.000000030e-01, v55;
	v63 =	vadd.f32 $3.333333430e-01, v40;
	v40 =	vmul.f32 v48, v48  }
0x1fb: {  	v52 =	vshrl.u32 v39, $0x17;
	v39 =	vcvt.s32.f32 v25;
	v24 =	vmax.f32 v49, $9.999999970e-07  }
0x1fc: {  	v55 =	vcvt.s32.f32 v4;
	v53 =	vmul.f32 $1.111111120e-01, v40;
	v56 =	vand.u32 $0x7FFFFF, v24  }
0x1fd: {  	v4 =	vimm.f32 $0.0e+00;
	v48 =	vmul.f32 v28, v28;
	v31 =	vor.u32 $0x3F800000, v56  }
0x1fe: {  	v27 =	vsub.f32 v27, v34;
	v57 =	vadd.f32 $1.428571490e-01, v53;
	v58 =	vmul.f32 $5.000000000e-01, v31  }
0x1ff: {  	v28 =	vadd.f32 v28, v28;
	v60 =	vmul.f32 v30, v47;
	vm2 =	vgt.f32 v31, $1.414213540e+00  }
0x200: {  	v25 =	vmul.f32 $6.931471820e-01, v55;
	v49 =	vmul.f32 v57, v40;
	v30 =	vsel vm2, v58, v31  }
0x201: {  	v35 =	vmul.f32 v63, v50;
	v63 =	vadd.f32 $3.333333430e-01, v60;
	v50 =	vadd.f32 $1.000000000e+00, v30  }
0x202: {  	v29 =	vmul.f32 v43, v29;
	v39 =	vmul.f32 $6.931471820e-01, v39;
	v49 =	vadd.f32 $2.000000030e-01, v49  }
0x203: {  	v46 =	vadd.f32 $1.000000000e+00, v46;
	v37 =	vmul.f32 v63, v47;
	(erf) = vrcp.f32 v50  }
0x204: {  	v35 =	vadd.f32 $1.000000000e+00, v35;
	v51 =	vmul.f32 v49, v40;
	(erf) = vrcp.f32 v22  }
0x205: {  	v60 =	vadd.f32 $-8.999999760e-01, v33;
	v57 =	vadd.f32 $1.000000000e+00, v37;
	v37 =	vmul.f32 $1.000000000e+01, v62  }
0x206: {  	v35 =	vmul.f32 v35, v44;
	v58 =	vadd.f32 v42, v42;
	v53 =	vadd.f32 $3.333333430e-01, v51  }
0x207: {  	v44 =	vmul.f32 v46, v54;
	v37 =	vadd.f32 $2.302585120e+00, v37;
	v49 =	vmul.f32 $1.111111120e-01, v48  }
0x208: {  	v31 =	vmul.f32 v57, v58;
	v56 =	vmul.f32 v53, v40;
	v22 =	vadd.s32 v61, v52  }
0x209: {  	v42 =	vsel vm3, $0x3F800000, v4;
	vm3 =	vgt.f32 v33, $8.999999760e-01;
	v22 =	vadd.s32 $0xFFFFFF81, v22  }
0x20a: {  	v30 =	vadd.f32 $-1.000000000e+00, v30;
	v40 =	vadd.f32 $1.000000000e+00, v56;
	v22 =	vcvt.s32.f32 v22  }
0x20b: {  	v25 =	vadd.f32 v31, v25;
	v61 =	vmul.f32 $1.000000000e+01, v60;
	v52 =	vmul.f32 v29, v29  }
0x20c: {  	v60 =	vsel vm0, $0x1, v17;
	v40 =	vmul.f32 v40, v59;
	v22 =	vmul.f32 $6.931471820e-01, v22;
	v31 =	vpop (erf)  }
0x20d: {  	vm0 =	vgt.f32 v1, $0.0e+00;
	v29 =	vadd.f32 v29, v29;
	v56 =	vadd.f32 v35, v39;
	v63 =	vpop (erf)  }
0x20e: {  	v21 =	vadd.s32 v60, v21;
	v40 =	vadd.f32 v40, v22;
	v22 =	vmul.f32 v63, v6  }
0x20f: {  	v45 =	vsel vm0, $0x3F800000, v4;
	v33 =	vadd.f32 $2.302585120e+00, v61;
	v25 =	vsub.f32 $0.0e+00, v25  }
0x210: {  	v55 =	vmul.f32 $1.111111120e-01, v52;
	v40 =	vsub.f32 $0.0e+00, v40;
	v47 =	vsub.f32 $1.000000000e+00, v22  }
0x211: {  	v21 =	vadd.s32 $0xFFFFFF81, v21;
	v33 =	vsel vm3, v33, v25;
	vm3 =	vgt.f32 v32, $8.999999760e-01  }
0x212: {  	v58 =	vadd.f32 $1.428571490e-01, v55;
	v37 =	vsel vm3, v37, v40;
	v25 =	vmax.f32 v47, $9.999999970e-07  }
0x213: {  	vm3 =	vgt.f32 v2, $0.0e+00;
	v2 =	vadd.f32 $1.428571490e-01, v49;
	v38 =	vand.u32 $0x7FFFFF, v25  }
0x214: {  	v21 =	vcvt.s32.f32 v21;
	v62 =	vmul.f32 v58, v52;
	v38 =	vor.u32 $0x3F800000, v38  }
0x215: {  	v35 =	vadd.f32 $-8.999999760e-01, v23;
	v2 =	vmul.f32 v2, v48;
	v50 =	vmul.f32 $5.000000000e-01, v38  }
0x216: {  	v60 =	vld [tilespmem:$0x2770];
	v33 =	vnsel vm3, $0x0, v33;
	v51 =	vsel vm3, $0x3F800000, v4;
	vm3 =	vgt.f32 v38, $1.414213540e+00  }
0x217: {  	v43 =	vadd.f32 $2.000000030e-01, v62;
	v62 =	vld [tilespmem:$0x1D90];
	v54 =	vadd.f32 $2.000000030e-01, v2;
	v38 =	vsel vm3, v50, v38  }
0x218: {  	v21 =	vmul.f32 $6.931471820e-01, v21;
	v30 =	vmul.f32 v31, v30;
	v53 =	vadd.f32 $1.000000000e+00, v38  }
0x219: {  	v32 =	vmul.f32 v43, v52;
	v59 =	vadd.f32 v33, v36;
	v57 =	vmul.f32 v54, v48  }
0x21a: {  	v63 =	vadd.f32 v51, v42;
	v42 =	vnsel vm0, $0x0, v37;
	(erf) = vrcp.f32 v53  }
0x21b: {  	vm0 =	vgt.f32 v20, $8.999999760e-01;
	v61 =	vadd.f32 $3.333333430e-01, v57;
	(erf) = vrcp.f32 v19  }
0x21c: {  	v51 =	vsel vm1, $0x1, v17;
	vm1 =	vgt.f32 v0, $0.0e+00;
	v31 =	vsub.f32 v60, v62  }
0x21d: {  	v55 =	vld [tilespmem:$0xEC0];
	v2 =	vadd.f32 v44, v41;
	v44 =	vadd.f32 $-8.999999760e-01, v20;
	v1 =	vmul.f32 v61, v48  }
0x21e: {  	v47 =	vadd.f32 $3.333333430e-01, v32;
	v25 =	vshrl.u32 v25, $0x17;
	v57 =	vld [tilespmem:$0x2280];
	v43 =	vsel vm3, $0x1, v17  }
0x21f: {  	v34 =	vadd.f32 v45, v63;
	v50 =	vld [tilespmem:$0x4E0];
	v25 =	vadd.s32 v43, v25;
	v1 =	vadd.f32 $1.000000000e+00, v1  }
0x220: {  	v33 =	vmul.f32 $1.000000000e+01, v44;
	v25 =	vadd.s32 $0xFFFFFF81, v25;
	v19 =	vsub.f32 v27, v56;
	v56 =	vld [tilespmem:$0x18A0]  }
0x221: {  	v27 =	vadd.f32 v42, v59;
	v59 =	vld [tilespmem:$0x13B0];
	v46 =	vmul.f32 v1, v28;
	v28 =	vmul.f32 v47, v52  }
0x222: {  	v49 =	vadd.f32 $2.302585120e+00, v33;
	v25 =	vcvt.s32.f32 v25;
	v53 =	vadd.s32 v51, v26  }
0x223: {  	v52 =	vld [tilespmem:$0x9D0];
	v20 =	vadd.f32 v46, v21;
	v21 =	vadd.s32 $0xFFFFFF81, v53;
	v28 =	vadd.f32 $1.000000000e+00, v28;
	v36 =	vpop (erf)  }
0x224: {  	v63 =	vmin.f32 v55, v57;
	v33 =	vsub.f32 v55, v50;
	v21 =	vcvt.s32.f32 v21;
	v48 =	vpop (erf)  }
0x225: {  	v20 =	vsub.f32 $0.0e+00, v20;
	v28 =	vmul.f32 v28, v29;
	v1 =	vmul.f32 v48, v3  }
0x226: {  	v45 =	vmax.f32 v50, v56;
	v40 =	vsub.f32 v57, v56;
	v47 =	vmin.f32 v59, v60  }
0x227: {  	v50 =	vsel vm1, $0x3F800000, v4;
	v56 =	vadd.f32 $-1.000000000e+00, v38;
	v54 =	vsub.f32 $1.000000000e+00, v1  }
0x228: {  	v21 =	vmul.f32 $6.931471820e-01, v21;
	v32 =	vsub.f32 v63, v45;
	v42 =	vsub.f32 v59, v52  }
0x229: {  	v39 =	vmax.f32 v52, v62;
	v20 =	vsel vm0, v49, v20;
	v26 =	vmax.f32 v54, $9.999999970e-07  }
0x22a: {  	v39 =	vsub.f32 v47, v39;
	v31 =	vmul.f32 v31, v40;
	v58 =	vand.u32 $0x7FFFFF, v26  }
0x22b: {  	v21 =	vadd.f32 v28, v21;
	v28 =	vmul.f32 v30, v30;
	v29 =	vor.u32 $0x3F800000, v58  }
0x22c: {  	v33 =	vmul.f32 v42, v33;
	v32 =	vmax.f32 v32, $0.0e+00;
	v61 =	vmul.f32 $5.000000000e-01, v29  }
0x22d: {  	v53 =	vmax.f32 v39, $0.0e+00;
	v46 =	vmul.f32 $1.111111120e-01, v28;
	vm0 =	vgt.f32 v29, $1.414213540e+00  }
0x22e: {  	v32 =	vmul.f32 v53, v32;
	v31 =	vadd.f32 v31, v33;
	v29 =	vsel vm0, v61, v29  }
0x22f: {  	v60 =	vsel vm2, $0x1, v17;
	v37 =	vadd.f32 $1.428571490e-01, v46;
	v54 =	vadd.f32 $1.000000000e+00, v29  }
0x230: {  	v59 =	vmax.f32 v5, $1.000000000e+00;
	v20 =	vnsel vm1, $0x0, v20;
	v57 =	vsub.f32 v31, v32  }
0x231: {  	v48 =	vadd.f32 $-8.999999760e-01, v18;
	v37 =	vmul.f32 v37, v28;
	(erf) = vrcp.f32 v54  }
0x232: {  	v55 =	vadd.f32 v20, v27;
	v27 =	vmax.f32 v57, $9.999999970e-07;
	(erf) = vrcp.f32 v59  }
0x233: {  	v49 =	vmul.f32 $1.000000000e+01, v48;
	v52 =	vadd.f32 $2.000000030e-01, v37;
	(erf) = vrcp.f32 v27  }
0x234: {  	vm2 =	vgt.f32 v7, $0.0e+00;
	v62 =	vshrl.u32 v24, $0x17;
	v20 =	vmul.f32 v36, v56  }
0x235: {  	v51 =	vsub.f32 $0.0e+00, v21;
	v0 =	vadd.f32 $2.302585120e+00, v49;
	v21 =	vmul.f32 v52, v28  }
0x236: {  	v24 =	vmul.f32 $1.000000000e+01, v35;
	vm1 =	vgt.f32 v18, $8.999999760e-01;
	v61 =	vmul.f32 v20, v20  }
0x237: {  	v30 =	vadd.f32 v30, v30;
	v0 =	vsel vm1, v0, v51;
	v21 =	vadd.f32 $3.333333430e-01, v21  }
0x238: {  	vm1 =	vgt.f32 v16, $0.0e+00;
	v16 =	vadd.s32 v60, v62;
	v63 =	vmul.f32 $1.111111120e-01, v61  }
0x239: {  	v40 =	vadd.f32 $2.302585120e+00, v24;
	v16 =	vadd.s32 $0xFFFFFF81, v16;
	v21 =	vmul.f32 v21, v28  }
0x23a: {  	v53 =	vsel vm2, $0x3F800000, v4;
	v16 =	vcvt.s32.f32 v16;
	v33 =	vadd.f32 $1.428571490e-01, v63;
	v38 =	vpop (erf)  }
0x23b: {  	v58 =	vadd.f32 v50, v34;
	v50 =	vmul.f32 $6.931471820e-01, v25;
	v21 =	vadd.f32 $1.000000000e+00, v21;
	v39 =	vpop (erf)  }
0x23c: {  	v49 =	vadd.f32 $-8.999999760e-01, v22;
	v16 =	vmul.f32 $6.931471820e-01, v16;
	v18 =	vmul.f32 v33, v61;
	v42 =	vpop (erf)  }
0x23d: {  	v36 =	vadd.f32 $-1.000000000e+00, v29;
	v21 =	vmul.f32 v21, v30;
	v29 =	vmul.f32 v42, v32  }
0x23e: {  	v62 =	vadd.f32 $-8.999999760e-01, v1;
	v0 =	vnsel vm1, $0x0, v0;
	v18 =	vadd.f32 $2.000000030e-01, v18  }
0x23f: {  	v16 =	vadd.f32 v21, v16;
	v27 =	vmul.f32 v38, v36;
	v29 =	vmax.f32 v29, $9.999999970e-07  }
0x240: {  	v37 =	vsel vm1, $0x3F800000, v4;
	v18 =	vmul.f32 v18, v61;
	v46 =	vand.u32 $0x7FFFFF, v29  }
0x241: {  	v16 =	vsub.f32 $0.0e+00, v16;
	v41 =	vmul.f32 v27, v27;
	v31 =	vor.u32 $0x3F800000, v46  }
0x242: {  	vm1 =	vgt.f32 v23, $8.999999760e-01;
	v18 =	vadd.f32 $3.333333430e-01, v18;
	v48 =	vmul.f32 $5.000000000e-01, v31  }
0x243: {  	v16 =	vsel vm1, v40, v16;
	v44 =	vmul.f32 $1.111111120e-01, v41;
	vm1 =	vgt.f32 v31, $1.414213540e+00  }
0x244: {  	v0 =	vadd.f32 v0, v55;
	v52 =	vmul.f32 $1.000000000e+01, v49;
	v30 =	vsel vm1, v48, v31  }
0x245: {  	v18 =	vmul.f32 v18, v61;
	v45 =	vadd.f32 $1.428571490e-01, v44;
	v51 =	vadd.f32 $1.000000000e+00, v30  }
0x246: {  	v55 =	vsel vm0, $0x1, v17;
	v20 =	vadd.f32 v20, v20;
	vm0 =	vgt.f32 v22, $8.999999760e-01  }
0x247: {  	v18 =	vadd.f32 $1.000000000e+00, v18;
	v47 =	vmul.f32 v45, v41;
	(erf) = vrcp.f32 v51  }
0x248: {  	v7 =	vadd.f32 $2.302585120e+00, v52;
	v28 =	vadd.f32 v37, v58;
	v54 =	vshrl.u32 v26, $0x17  }
0x249: {  	v56 =	vadd.s32 v55, v54;
	v18 =	vmul.f32 v18, v20;
	v23 =	vadd.f32 $2.000000030e-01, v47  }
0x24a: {  	v58 =	vadd.s32 $0xFFFFFF81, v56;
	v16 =	vnsel vm2, $0x0, v16;
	vm2 =	vgt.f32 v6, $0.0e+00  }
0x24b: {  	v15 =	vmul.f32 v39, v15;
	v18 =	vadd.f32 v18, v50;
	v23 =	vmul.f32 v23, v41  }
0x24c: {  	v61 =	vadd.f32 v53, v28;
	v13 =	vmul.f32 v39, v13;
	v11 =	vmul.f32 v11, v39  }
0x24d: {  	v9 =	vmul.f32 v9, v39;
	v18 =	vsub.f32 $0.0e+00, v18;
	v23 =	vadd.f32 $3.333333430e-01, v23  }
0x24e: {  	v60 =	vadd.f32 v27, v27;
	v0 =	vadd.f32 v16, v0;
	v24 =	vsel vm2, $0x3F800000, v4  }
0x24f: {  	v63 =	vadd.f32 $-1.000000000e+00, v30;
	v57 =	vsel vm0, v7, v18;
	v23 =	vmul.f32 v23, v41  }
0x250: {  	v16 =	vadd.f32 v24, v61;
	v7 =	vcvt.s32.f32 v58;
	v6 =	vnsel vm2, $0x0, v57;
	v25 =	vpop (erf)  }
0x251: {  	v0 =	vadd.f32 v6, v0;
	v59 =	vadd.f32 $1.000000000e+00, v23;
	v6 =	vmul.f32 v25, v63  }
0x252: {  	v10 =	vsub.f32 v10, v11;
	v8 =	vsub.f32 v8, v9;
	v7 =	vmul.f32 $6.931471820e-01, v7  }
0x253: {  	v27 =	vsub.f32 v14, v15;
	v18 =	vmul.f32 v59, v60;
	v28 =	vmul.f32 v6, v6  }
0x254: {  	v20 =	vmul.f32 $1.000000000e+01, v62;
	v10 =	vand.u32 $0x7FFFFFFF, v10;
	v8 =	vand.u32 $0x7FFFFFFF, v8  }
0x255: {  	v39 =	vmul.f32 $5.000000000e-01, v10;
	v7 =	vadd.f32 v18, v7;
	v32 =	vmul.f32 $1.111111120e-01, v28  }
0x256: {  	v26 =	vadd.f32 $2.302585120e+00, v20;
	vm2 =	vgt.f32 v1, $8.999999760e-01;
	v1 =	vand.u32 $0x7FFFFFFF, v27  }
0x257: {  	v33 =	vmul.f32 $5.000000000e-01, v1;
	v7 =	vsub.f32 $0.0e+00, v7;
	v35 =	vadd.f32 $1.428571490e-01, v32  }
0x258: {  	v43 =	vadd.f32 $-5.000000000e-01, v10;
	v44 =	vmul.f32 $5.000000000e-01, v8;
	v31 =	vsub.f32 v12, v13  }
0x259: {  	v36 =	vmul.f32 v33, v1;
	v30 =	vsel vm2, v26, v7;
	v11 =	vmul.f32 v35, v28  }
0x25a: {  	vm2 =	vlt.f32 v1, $1.000000000e+00;
	v7 =	vand.u32 $0x7FFFFFFF, v31;
	v1 =	vadd.f32 $-5.000000000e-01, v1  }
0x25b: {  	v42 =	vmul.f32 v39, v10;
	v34 =	vmul.f32 $5.000000000e-01, v7;
	v40 =	vadd.f32 $2.000000030e-01, v11  }
0x25c: {  	v46 =	vmul.f32 v44, v8;
	v38 =	vadd.f32 $-5.000000000e-01, v7;
	v1 =	vsel vm2, v36, v1  }
0x25d: {  	vm2 =	vlt.f32 v7, $1.000000000e+00;
	v37 =	vmul.f32 v34, v7;
	v7 =	vmul.f32 v40, v28  }
0x25e: {  	v49 =	vsel vm1, $0x1, v17;
	v48 =	vshrl.u32 v29, $0x17;
	vm1 =	vlt.f32 v8, $1.000000000e+00  }
0x25f: {  	v47 =	vadd.f32 $-5.000000000e-01, v8;
	v41 =	vsel vm2, v37, v38;
	v7 =	vadd.f32 $3.333333430e-01, v7  }
0x260: {  	v50 =	vadd.s32 v49, v48;
	vm2 =	vlt.f32 v10, $1.000000000e+00;
	v1 =	vadd.f32 v41, v1  }
0x261: {  	vm0 =	vgt.f32 v3, $0.0e+00;
	v45 =	vsel vm2, v42, v43;
	v7 =	vmul.f32 v7, v28  }
0x262: {  	v8 =	vadd.s32 $0xFFFFFF81, v50;
	v51 =	vsel vm1, v46, v47;
	v1 =	vadd.f32 v45, v1  }
0x263: {  	v8 =	vcvt.s32.f32 v8;
	v6 =	vadd.f32 v6, v6;
	v7 =	vadd.f32 $1.000000000e+00, v7  }
0x264: {  	v52 =	vsel vm0, $0x3F800000, v4;
	v3 =	vnsel vm0, $0x0, v30;
	v1 =	vadd.f32 v51, v1  }
0x265: {  	v53 =	vmul.f32 $6.931471820e-01, v8;
	v0 =	vadd.f32 v3, v0;
	v6 =	vmul.f32 v7, v6  }
0x266: {  	v3 =	vadd.f32 v52, v16;
	v1 =	vmul.f32 $2.500000000e-01, v1  }
0x267: {  	v2 =	vsub.f32 v19, v2;
	vm0 =	vgt.f32 v5, $1.000000000e+00;
	(xrf2) =	vadd.scan.msk.f32 $0xffff, v0;
	v54 =	vadd.f32 v6, v53  }
0x268: {  	(xrf2) =	vadd.scan.msk.f32 $0xffff, v3;
	v1 =	vnsel vm0, $0x0, v1  }
0x269: {  	v55 =	vsel vm0, $0x3F800000, v4;
	(xrf2) =	vadd.scan.msk.f32 $0xffff, v1;
	v0 =	vsub.f32 v2, v54  }
0x26a: {  	(xrf2) =	vadd.scan.msk.f32 $0xffff, v55  }
0x26b: {  	(xrf2) =	vadd.scan.msk.f32 $0xffff, v0;
	_ =	sdelay $0x5  }
0x26c: {  	v56, _, _ =	vpop (xrf2)  }
0x26d: {  	v57, _, _ =	vpop (xrf2)  }
0x26e: {  	v58, _, _ =	vpop (xrf2)  }
0x26f: {  	v59, _, _ =	vpop (xrf2)  }
0x270: {  	v60, _, _ =	vpop (xrf2)  }
0x271: {  	v0 =	vbroadcast v56, $0xF;
	v4 =	vbroadcast v60, $0xF  }
0x272: {  	vm1 =	vcmask $0x704;
	vm0 =	vmmov $0x1  }
0x273: {  	v1 =	vbroadcast v57, $0xF;
	v0 =	vnsel vm1, $0x0, v0;
	v4 =	vnsel vm0, $0x0, v4  }
0x274: {  	vm1 =	vcmask $0xB08;
	v0 =	vadd.f32 v4, v0  }
0x275: {  	v1 =	vnsel vm1, $0x0, v1;
	v2 =	vbroadcast v58, $0xF  }
0x276: {  	vm1 =	vcmask $0xF0C;
	v0 =	vadd.f32 v0, v1  }
0x277: {  	v62 =	vbroadcast v59, $0xF;
	v61 =	vnsel vm1, $0x0, v2  }
0x278: {  	vm1 =	vcmask $0x1310;
	v0 =	vadd.f32 v0, v61  }
0x279: {  	v63 =	vnsel vm1, $0x0, v62  }
0x27a: {  	v0 =	vadd.f32 v0, v63  }
0x27b: {  	s4 =	sshll.u32 s3, $0x4  }
0x27c: {  	s5 =	simm.s32 $0x3400;
	s4 =	sadd.s32 s4, s2;
	[tilespmem:$0x3400] =	vst v0  }
0x27d: {  	[spmem:s4] =	stream.linear.scatter [tilespmem:s5], [sflag:$0x3], $0x10, $0x38;
	[tilespmem:$0x3530] =	vst v63  }
0x27e: {  	s4 =	simm.s32 $0x3  }
0x27f: {  	_ =	swait.ge [sflag:s4], $0x10  }
0x280: {  	[sflag:s4] =	ssyncset.done $0x0  }
0x281: {  	[sflag:s4] =	ssyncadd.s32 $0xFFFFFFF0  }
0x282: {  	p0 =	sne.s32 s3, $0x0;
	[bflag:$0x0] =	sbarrier.arrive $0xFFFF  }
0x283: {  	_ =	sfence.sel @p0 $0x180000  }
0x284: {  	[bflag:$0x0] =	sbarrier.arrive @p0 $0xFFFF  }
0x285: {  	_ =	strace @p0 $0x90000047  }
0x286: {  	[bflag:$0x2] =	sbarrier.arrive @p0 $0xFFFF  }
0x287: {  	_ =	shalt @p0  }
.LBB2_9:
0x288: {  	s3 =	simm.s32 $0x3420  }
0x289: {  	[tilespmem:s3], [sflag:$0x3] =	stream.linear.gather [spmem:s2], $0x100, $0x38;
	[tilespmem:$0x3530] =	vst v63  }
0x28a: {  	_ =	swait.ge [sflag:s4], $0x100  }
0x28b: {  	[sflag:s4] =	ssyncset.done $0x0  }
0x28c: {  	[sflag:s4] =	ssyncadd.s32 $0xFFFFFF00  }
0x28d: {  	v0 =	vld [tilespmem:$0x3420];
	_ =	sdelay $0x1  }
0x28e: {  	v1 =	vld [tilespmem:$0x3430];
	_ =	sdelay $0x1  }
0x28f: {  	v2 =	vld [tilespmem:$0x3440]  }
0x290: {  	v0 =	vadd.f32 $0.0e+00, v0  }
0x291: {  	v3 =	vld [tilespmem:$0x3450]  }
0x292: {  	v0 =	vadd.f32 v1, v0  }
0x293: {  	v46 =	vld [tilespmem:$0x3460]  }
0x294: {  	v0 =	vadd.f32 v2, v0  }
0x295: {  	v47 =	vld [tilespmem:$0x3470]  }
0x296: {  	v0 =	vadd.f32 v3, v0  }
0x297: {  	v48 =	vld [tilespmem:$0x3480]  }
0x298: {  	v0 =	vadd.f32 v46, v0  }
0x299: {  	v49 =	vld [tilespmem:$0x3490]  }
0x29a: {  	v0 =	vadd.f32 v47, v0  }
0x29b: {  	v50 =	vld [tilespmem:$0x34A0]  }
0x29c: {  	v0 =	vadd.f32 v48, v0  }
0x29d: {  	v51 =	vld [tilespmem:$0x34B0]  }
0x29e: {  	v0 =	vadd.f32 v49, v0  }
0x29f: {  	v52 =	vld [tilespmem:$0x34C0]  }
0x2a0: {  	v0 =	vadd.f32 v50, v0  }
0x2a1: {  	v53 =	vld [tilespmem:$0x34D0]  }
0x2a2: {  	v0 =	vadd.f32 v51, v0  }
0x2a3: {  	v54 =	vld [tilespmem:$0x34E0]  }
0x2a4: {  	v0 =	vadd.f32 v52, v0  }
0x2a5: {  	v55 =	vld [tilespmem:$0x34F0]  }
0x2a6: {  	v0 =	vadd.f32 v53, v0  }
0x2a7: {  	v56 =	vld [tilespmem:$0x3500]  }
0x2a8: {  	v0 =	vadd.f32 v54, v0  }
0x2a9: {  	v57 =	vld [tilespmem:$0x3510]  }
0x2aa: {  	v0 =	vadd.f32 v55, v0;
	_ =	sdelay $0x1  }
0x2ab: {  	v0 =	vadd.f32 v56, v0;
	_ =	sdelay $0x1  }
0x2ac: {  	v0 =	vadd.f32 v57, v0;
	_ =	sdelay $0x1  }
0x2ad: {  	v58 =	vbroadcast v0, $0x2;
	_ =	sdelay $0x1  }
0x2ae: {  	v59 =	vbroadcast v0, $0x4;
	v60 =	vmax.f32 v58, $1.000000000e+00  }
0x2af: {  	(erf) = vrcp.f32 v60  }
0x2b0: {  	v61 =	vmax.f32 v59, $1.000000000e+00  }
0x2b1: {  	(erf) = vrcp.f32 v61;
	_ =	sdelay $0x3  }
0x2b2: {  	v62 =	vmul.f32 $1.000000000e+01, v0;
	_ =	sdelay $0x1  }
0x2b3: {  	v4 =	vbroadcast v62, $0x1  }
0x2b4: {  	v5 =	vpop (erf)  }
0x2b5: {  	v3 =	vbroadcast v62, $0x3;
	v4 =	vmul.f32 v5, v4  }
0x2b6: {  	v0 =	vmul.f32 $4.999999870e-05, v0;
	vm1 =	vgt.f32 v58, $0.0e+00;
	v63 =	vpop (erf)  }
0x2b7: {  	v1 =	vmul.f32 v63, v3;
	v4 =	vnsel vm1, $0x0, v4  }
0x2b8: {  	vm15 =	vgt.f32 v59, $0.0e+00;
	v0 =	vadd.f32 v4, v0  }
0x2b9: {  	v1 =	vnsel vm15, $0x0, v1  }
0x2ba: {  	v0 =	vadd.f32 v0, v1;
	_ =	sdelay $0x1  }
0x2bb: {  	v0 =	vnsel vm0, $0x0, v0  }
0x2bc: {  	s30 =	simm.s32 $0x0;
	s31 =	simm.s32 $0x3520;
	[tilespmem:$0x3520] =	vst v0  }
0x2bd: {  	[hbm4b:s1+s30] =	stream.linear.scatter [tilespmem:s31], [sflag:$0x3], $0x10, $0x38;
	[tilespmem:$0x3530] =	vst v63  }
0x2be: {  	_ =	swait.ge [sflag:s4], $0x10  }
0x2bf: {  	[sflag:s4] =	ssyncset.done $0x0  }
0x2c0: {  	[sflag:s4] =	ssyncadd.s32 $0xFFFFFFF0  }
0x2c1: {  	_ =	sfence.sel $0x180000  }
0x2c2: {  	[bflag:$0x0] =	sbarrier.arrive $0xFFFF  }
0x2c3: {  	_ =	strace $0x90000047  }
0x2c4: {  	s0 =	sadd.s32 $0x100000, s0;
	[bflag:$0x2] =	sbarrier.arrive $0xFFFF  }
0x2c5: {  	[sflag:s0] =	ssyncadd.tile.s32 $0x1;
	_ =	shalt  }
.Lfunc_end2:
_tile_overlayer_lowered:
.L_overlay_start_2:
0x2c6: {  	(tag) =	ssettag $0x2  }
0x2c7: {  	s0 =	rddreg [dreg:$0x0];
	s2 =	stileid.u32  }
0x2c8: {  	s1 =	rddreg [dreg:$0x1];
	p0 =	sne.s32 s2, $0x0  }
0x2c9: {  	s3 =	rddreg [dreg:$0x2];
	[bflag:$0x3] =	sbarrier.arrive $0xFFFF;
	s2 =	simm.s32 @!p0 $0x1C03  }
0x2ca: {  	[timem:s3], [sflag:s2] =	dma.local @!p0 [hbm:s0], s1  }
0x2cb: {  	s0 =	simm.s32 @!p0 $0x3  }
0x2cc: {  	_ =	swait.ge @!p0 [sflag:s0], s1  }
0x2cd: {  	s1 =	ssub.s32 @!p0 $0x0, s1;
	[sflag:s0] =	ssyncset.done @!p0 $0x0  }
0x2ce: {  	[sflag:s0] =	ssyncadd.s32 @!p0 s1  }
0x2cf: {  	[bflag:$0x3] =	sbarrier.arrive $0xFFFF  }
0x2d0: {  	_ =	shalt  }

</sc_bundles>
